<compile_context>
chip_gen: v7x
topology: tpu7x:2x2x1
jax: 0.10.2.dev20260603
libtpu: 0.0.44.dev20260713+nightly
codegen_flags: <defaults>
</compile_context>

<pallas_src>
import functools

import jax
import jax.numpy as jnp
from jax import lax
from jax.experimental import pallas as pl
from jax.experimental.pallas import tpu as pltpu
from jax.experimental.pallas import tpu_sc as plsc

_N = 10000
_E = 160000
_D = 256
_H = 128
_KB = 80
_RBS = _E // _KB // 16
_KA = 40
_RA = _E // _KA // 32
_CH = 200
_NCH = _N // _CH
_CPS = (_NCH + 15) // 16
_CHA = 80
_NCHA = _N // _CHA
_CPSA = (_NCHA + 15) // 16
_BI = 2000


def _vsmesh():
    return plsc.VectorSubcoreMesh(core_axis_name="c", subcore_axis_name="s")


@functools.partial(
    pl.kernel,
    out_type=jax.ShapeDtypeStruct((2, _N, 16), jnp.float32),
    mesh=_vsmesh(),
    scratch_types=[
        pltpu.VMEM((_RA, _KA), jnp.int32),
        pltpu.VMEM((_KA, 16), jnp.float32),
        pltpu.VMEM((_CH, 16), jnp.float32),
        pltpu.VMEM_SHARED((_N, 16), jnp.float32),
    ],
)
def _deg_kernel(dst_hbm, out_hbm, dbuf, vbuf, zbuf, hist):
    c = lax.axis_index("c")
    s = lax.axis_index("s")
    zero16 = jnp.zeros((16,), jnp.float32)
    e0 = jnp.where(lax.iota(jnp.int32, 16) == 0, 1.0, 0.0).astype(jnp.float32)

    def fill_z(r, carry):
        zbuf[r, :] = zero16
        return carry

    lax.fori_loop(0, _CH, fill_z, None)

    def fill_v(k, carry):
        vbuf[k, :] = e0
        return carry

    lax.fori_loop(0, _KA, fill_v, None)

    for k in range(_CPS):
        cid = s + 16 * k

        @pl.when(cid < _NCH)
        def _():
            pltpu.sync_copy(zbuf, hist.at[pl.ds(cid * _CH, _CH)])

    plsc.subcore_barrier()

    wid = c * 16 + s
    pltpu.sync_copy(dst_hbm.at[wid], dbuf)

    def body(j, carry):
        pltpu.sync_copy(vbuf, hist.at[dbuf.at[j]], add=True)
        return carry

    lax.fori_loop(0, _RA, body, None)
    plsc.subcore_barrier()

    for k in range(_CPS):
        cid = s + 16 * k

        @pl.when(cid < _NCH)
        def _():
            pltpu.sync_copy(hist.at[pl.ds(cid * _CH, _CH)],
                            out_hbm.at[c, pl.ds(cid * _CH, _CH)])


@functools.partial(
    pl.kernel,
    out_type=jax.ShapeDtypeStruct((2 * _N, _H), jnp.float32),
    mesh=_vsmesh(),
    scratch_types=[
        pltpu.VMEM((_RBS, _KB), jnp.int32),
        pltpu.VMEM((_RBS, _KB), jnp.int32),
        pltpu.VMEM((_KB, _H), jnp.float32),
        pltpu.VMEM_SHARED((_N, _H), jnp.float32),
        pltpu.SemaphoreType.DMA,
    ],
)
def _agg_kernel(y_hbm, src_hbm, dst_hbm, out_hbm, sbuf, dbuf, rowbuf,
                acc, sem):
    c = lax.axis_index("c")
    s = lax.axis_index("s")
    zero16 = jnp.zeros((16,), jnp.float32)

    def fill_z(r, carry):
        def fq(q, inner):
            rowbuf[r, pl.ds(q * 16, 16)] = zero16
            return inner
        return lax.fori_loop(0, _H // 16, fq, carry)

    lax.fori_loop(0, _KB, fill_z, None)

    for k in range(_CPSA):
        cid = s + 16 * k

        @pl.when(cid < _NCHA)
        def _():
            pltpu.sync_copy(rowbuf.at[pl.ds(0, _CHA)],
                            acc.at[pl.ds(cid * _CHA, _CHA)])

    pltpu.sync_copy(src_hbm.at[s], sbuf)
    pltpu.sync_copy(dst_hbm.at[s], dbuf)
    base = c * _N

    def offs(j, carry):
        def fq(q, inner):
            sbuf[j, pl.ds(q * 16, 16)] = sbuf[j, pl.ds(q * 16, 16)] + base
            return inner
        return lax.fori_loop(0, _KB // 16, fq, carry)

    lax.fori_loop(0, _RBS, offs, None)
    plsc.subcore_barrier()

    def body(j, carry):
        pltpu.async_copy(y_hbm.at[sbuf.at[j]], rowbuf, sem).wait()
        pltpu.sync_copy(rowbuf, acc.at[dbuf.at[j]], add=True)
        return carry

    lax.fori_loop(0, _RBS, body, None)
    plsc.subcore_barrier()

    for k in range(_CPSA):
        cid = s + 16 * k

        @pl.when(cid < _NCHA)
        def _():
            pltpu.sync_copy(acc.at[pl.ds(cid * _CHA, _CHA)],
                            out_hbm.at[pl.ds(c * _N + cid * _CHA, _CHA)])


def _tc1_body(p0_ref, p1_ref, x_ref, w_ref, y_ref, dinv_ref):
    deg = 1.0 + p0_ref[...] + p1_ref[...]
    dinv = lax.rsqrt(deg)
    xw = jnp.dot(x_ref[...], w_ref[...], preferred_element_type=jnp.float32)
    y_ref[...] = dinv * xw
    dinv_ref[...] = dinv


def _tc1(p0, p1, x, w):
    ni = _N // _BI
    return pl.pallas_call(
        _tc1_body,
        grid=(2, ni),
        in_specs=[
            pl.BlockSpec((_BI, 1), lambda c, i: (i, 0)),
            pl.BlockSpec((_BI, 1), lambda c, i: (i, 0)),
            pl.BlockSpec((_BI, _D), lambda c, i: (i, 0)),
            pl.BlockSpec((_D, _H), lambda c, i: (0, c)),
        ],
        out_specs=[
            pl.BlockSpec((_BI, _H), lambda c, i, _ni=ni: (c * _ni + i, 0)),
            pl.BlockSpec((_BI, 1), lambda c, i: (i, 0)),
        ],
        out_shape=[
            jax.ShapeDtypeStruct((2 * _N, _H), jnp.float32),
            jax.ShapeDtypeStruct((_N, 1), jnp.float32),
        ],
    )(p0, p1, x, w)


def _tc2_body(agg_ref, y_ref, dinv_ref, b_ref, a_ref, w_ref, h1_ref, y2_ref):
    dinv = dinv_ref[...]
    g = agg_ref[...] + y_ref[...]
    h = jnp.concatenate([g[0], g[1]], axis=1)
    h1 = dinv * h + b_ref[...]
    h1_ref[...] = h1
    a = a_ref[0, 0]
    h2 = jnp.where(h1 >= 0, h1, a * h1)
    z = jnp.dot(h2, w_ref[...], preferred_element_type=jnp.float32) * dinv
    y2_ref[0] = z[:, :_H]
    y2_ref[1] = z[:, _H:]


def _tc2(agg1, y1, dinv, b1, a, w2):
    ni = _N // _BI
    return pl.pallas_call(
        _tc2_body,
        grid=(ni,),
        in_specs=[
            pl.BlockSpec((2, _BI, _H), lambda i: (0, i, 0)),
            pl.BlockSpec((2, _BI, _H), lambda i: (0, i, 0)),
            pl.BlockSpec((_BI, 1), lambda i: (i, 0)),
            pl.BlockSpec((1, _D), lambda i: (0, 0)),
            pl.BlockSpec((1, 1), lambda i: (0, 0)),
            pl.BlockSpec((_D, _D), lambda i: (0, 0)),
        ],
        out_specs=[
            pl.BlockSpec((_BI, _D), lambda i: (i, 0)),
            pl.BlockSpec((2, _BI, _H), lambda i: (0, i, 0)),
        ],
        out_shape=[
            jax.ShapeDtypeStruct((_N, _D), jnp.float32),
            jax.ShapeDtypeStruct((2, _N, _H), jnp.float32),
        ],
    )(agg1, y1, dinv, b1, a, w2)


def _tc3_body(agg_ref, y_ref, dinv_ref, b_ref, out_ref):
    g = agg_ref[...] + y_ref[...]
    h = jnp.concatenate([g[0], g[1]], axis=1)
    out_ref[...] = dinv_ref[...] * h + b_ref[...]


def _tc3(agg2, y2, dinv, b2):
    ni = _N // _BI
    return pl.pallas_call(
        _tc3_body,
        grid=(ni,),
        in_specs=[
            pl.BlockSpec((2, _BI, _H), lambda i: (0, i, 0)),
            pl.BlockSpec((2, _BI, _H), lambda i: (0, i, 0)),
            pl.BlockSpec((_BI, 1), lambda i: (i, 0)),
            pl.BlockSpec((1, _D), lambda i: (0, 0)),
        ],
        out_specs=pl.BlockSpec((_BI, _D), lambda i: (i, 0)),
        out_shape=jax.ShapeDtypeStruct((_N, _D), jnp.float32),
    )(agg2, y2, dinv, b2)


def kernel(x, edge_index, W1, b1, prelu_a, W2, b2):
    src = edge_index[0]
    dst = edge_index[1]
    src_r = src.reshape(16, _RBS, _KB)
    dst_r = dst.reshape(16, _RBS, _KB)
    dst_ra = dst.reshape(32, _RA, _KA)

    parts = _deg_kernel(dst_ra)
    p0 = parts[0, :, :1]
    p1 = parts[1, :, :1]

    y1, dinv = _tc1(p0, p1, x, W1)
    agg1 = _agg_kernel(y1, src_r, dst_r)

    h1, y2 = _tc2(agg1.reshape(2, _N, _H), y1.reshape(2, _N, _H), dinv,
                  b1.reshape(1, _D), prelu_a.reshape(1, 1), W2)

    agg2 = _agg_kernel(y2.reshape(2 * _N, _H), src_r, dst_r)
    out2 = _tc3(agg2.reshape(2, _N, _H), y2, dinv, b2.reshape(1, _D))
    return h1, out2

# --- scband reference (transcript-rebuilt; emitter-appended) ---
"""Pipeline reference for scband-gcn-30339648979287 (READ-ONLY COPY).

The authoritative reference and input builder live on the scoring server;
editing this copy changes nothing except your own understanding.
"""

import jax, jax.numpy as jnp
import numpy as np

N = 10000
E = 160000
D = 256


def gcn_conv(x, edge_index, W, b):
    # Faithful PyG GCNConv: add self-loops, symmetric normalization, scatter-add aggregation, bias.
    n = x.shape[0]
    loop = jnp.arange(n, dtype=edge_index.dtype)
    src = jnp.concatenate([edge_index[0], loop])
    dst = jnp.concatenate([edge_index[1], loop])
    ones = jnp.ones(src.shape[0], dtype=x.dtype)
    deg = jnp.zeros(n, dtype=x.dtype).at[dst].add(ones)
    dinv = jnp.where(deg > 0, jax.lax.rsqrt(jnp.maximum(deg, 1e-12)), 0.0)
    norm = dinv[src] * dinv[dst]
    xw = x @ W  # dense transform (compute-heavy part)
    msg = jnp.take(xw, src, axis=0) * norm[:, None]  # gather
    out = jnp.zeros((n, W.shape[1]), dtype=x.dtype).at[dst].add(msg)  # scatter-add
    return out + b


def setup_inputs(seed: int = 0) -> dict:
    key = jax.random.key(seed)
    ks = jax.random.split(key, 7)
    x = jax.random.normal(ks[0], (N, D), dtype=jnp.float32)
    edge_index = jax.random.randint(ks[1], (2, E), 0, N, dtype=jnp.int32)
    scale = 1.0 / np.sqrt(D)
    W1 = jax.random.normal(ks[2], (D, D), dtype=jnp.float32) * scale
    b1 = jnp.zeros((D,), dtype=jnp.float32)
    W2 = jax.random.normal(ks[3], (D, D), dtype=jnp.float32) * scale
    b2 = jnp.zeros((D,), dtype=jnp.float32)
    prelu_a = jnp.asarray(0.25, dtype=jnp.float32)  # nn.PReLU default single weight
    return {"x": x, "edge_index": edge_index, "W1": W1, "b1": b1,
            "prelu_a": prelu_a, "W2": W2, "b2": b2}


def reference(x, edge_index, W1, b1, prelu_a, W2, b2):
    h1 = gcn_conv(x, edge_index, W1, b1)
    # PReLU; dropout p=0.0 (and eval mode) is identity
    h2 = jnp.where(h1 >= 0, h1, prelu_a * h1)
    out2 = gcn_conv(h2, edge_index, W2, b2)
    return (h1, out2)

if __name__ == "__main__":
    import jax
    _d = setup_inputs()
    print(jax.jit(kernel)(*tuple(_d.values())))

</pallas_src>

<mosaic_0001>
#map = affine_map<(d0, d1) -> (0, 0, 0)>
module attributes {stable_mosaic.version = 14 : i64} {
  func.func @_deg_kernel(%arg0: i32, %arg1: i32, %arg2: memref<32x125x40xi32, #tpu.memory_space<hbm>>, %arg3: memref<2x10000x16xf32, #tpu.memory_space<hbm>>, %arg4: memref<125x40xi32, #tpu.memory_space<vmem>>, %arg5: memref<40x16xf32, #tpu.memory_space<vmem>>, %arg6: memref<200x16xf32, #tpu.memory_space<vmem>>, %arg7: memref<10000x16xf32, #tpu.memory_space<vmem_shared>>) attributes {dimension_semantics = [#tpu.dimension_semantics<core_parallel>, #tpu.dimension_semantics<subcore_parallel>], iteration_bounds = array<i64: 2, 16>, scalar_prefetch = 0 : i64, scratch_operands = 4 : i64, tpu.core_type = #tpu.core_type<sc_vector_subcore>, window_params = [{transform_indices = #map}, {transform_indices = #map}]} {
    %broadcast_in_dim3A = arith.constant 0.000000e+00 : f32
    %broadcast_in_dim3A_0 = vector.broadcast %broadcast_in_dim3A : f32 to vector<16xf32>
    %iota3A = tpu.iota {dimensions = array<i32: 0>} : vector<16xi32>
    %eq3A = arith.constant 0 : i32
    %eq3A_1 = vector.broadcast %eq3A : i32 to vector<16xi32>
    %eq3A_2 = arith.cmpi eq, %iota3A, %eq3A_1 : vector<16xi32>
    %jit3A = arith.constant 1.000000e+00 : f32
    %jit3A_3 = arith.constant 0.000000e+00 : f32
    %broadcast_in_dim3A_4 = vector.broadcast %jit3A : f32 to vector<16xf32>
    %broadcast_in_dim3A_5 = vector.broadcast %jit3A_3 : f32 to vector<16xf32>
    %select_n3A = arith.select %eq3A_2, %broadcast_in_dim3A_4, %broadcast_in_dim3A_5 : vector<16xi1>, vector<16xf32>
    %scan3A = arith.constant 0 : i32
    %scan3A_6 = arith.constant 200 : i32
    %scan3A_7 = arith.addi %scan3A, %scan3A_6 : i32
    %scan3A_8 = arith.constant 1 : i32
    scf.for %scan3A_75 = %scan3A to %scan3A_7 step %scan3A_8  : i32 {
      %swap3A = arith.index_cast %scan3A_75 : i32 to index
      %swap3A_76 = arith.constant 0 : index
      %swap3A_77 = tpu.vector_load %arg6[%swap3A, %swap3A_76] {strides = array<i32>} : memref<200x16xf32, #tpu.memory_space<vmem>>, vector<1x16xf32>,
      %swap3A_78 = vector.shape_cast %swap3A_77 : vector<1x16xf32> to vector<16xf32>
      %swap3A_79 = vector.shape_cast %broadcast_in_dim3A_0 : vector<16xf32> to vector<1x16xf32>
      tpu.vector_store %arg6[%swap3A, %swap3A_76], %swap3A_79 {strides = array<i32>} : memref<200x16xf32, #tpu.memory_space<vmem>>, vector<1x16xf32>,
    }
    %scan3A_9 = arith.constant 200 : i32
    %scan3A_10 = arith.constant 0 : i32
    %scan3A_11 = arith.constant 40 : i32
    %scan3A_12 = arith.addi %scan3A_10, %scan3A_11 : i32
    %scan3A_13 = arith.constant 1 : i32
    scf.for %scan3A_75 = %scan3A_10 to %scan3A_12 step %scan3A_13  : i32 {
      %swap3A = arith.index_cast %scan3A_75 : i32 to index
      %swap3A_76 = arith.constant 0 : index
      %swap3A_77 = tpu.vector_load %arg5[%swap3A, %swap3A_76] {strides = array<i32>} : memref<40x16xf32, #tpu.memory_space<vmem>>, vector<1x16xf32>,
      %swap3A_78 = vector.shape_cast %swap3A_77 : vector<1x16xf32> to vector<16xf32>
      %swap3A_79 = vector.shape_cast %select_n3A : vector<16xf32> to vector<1x16xf32>
      tpu.vector_store %arg5[%swap3A, %swap3A_76], %swap3A_79 {strides = array<i32>} : memref<40x16xf32, #tpu.memory_space<vmem>>, vector<1x16xf32>,
    }
    %scan3A_14 = arith.constant 40 : i32
    %add3A = arith.constant 0 : i32
    %add3A_15 = arith.addi %arg1, %add3A : i32
    %lt3A = arith.constant 50 : i32
    %lt3A_16 = arith.cmpi slt, %add3A_15, %lt3A : i32
    %convert_element_type3A = arith.extui %lt3A_16 : i1 to i32
    %cond3A = arith.constant 0 : i32
    %cond3A_17 = arith.cmpi ne, %convert_element_type3A, %cond3A : i32
    scf.if %cond3A_17 {
      %mul3A_75 = arith.constant 200 : i32
      %mul3A_76 = arith.muli %add3A_15, %mul3A_75 : i32
      "tpu.region"() ({
        %run_scoped3A = tpu.sem_alloc : memref<!tpu.dma_semaphore, #tpu.memory_space<semaphore_mem>>
        %dma_start3A = arith.constant 0 : i32
        %dma_start3A_77 = tpu.memref_slice %arg7[%mul3A_76, %dma_start3A] : memref<10000x16xf32, #tpu.memory_space<vmem_shared>> -> memref<200x16xf32, #tpu.memory_space<vmem_shared>>
        %dma_start3A_78 = arith.constant 0 : i32
        %dma_start3A_79 = tpu.memref_slice %arg7[%mul3A_76, %dma_start3A_78] : memref<10000x16xf32, #tpu.memory_space<vmem_shared>> -> memref<200x16xf32, #tpu.memory_space<vmem_shared>>
        tpu.enqueue_dma source(%arg6 : memref<200x16xf32, #tpu.memory_space<vmem>>) target(%dma_start3A_79 : memref<200x16xf32, #tpu.memory_space<vmem_shared>>) target_semaphore(%run_scoped3A : memref<!tpu.dma_semaphore, #tpu.memory_space<semaphore_mem>>)
        %dma_wait3A = arith.constant 0 : i32
        %dma_wait3A_80 = tpu.memref_slice %arg7[%mul3A_76, %dma_wait3A] : memref<10000x16xf32, #tpu.memory_space<vmem_shared>> -> memref<200x16xf32, #tpu.memory_space<vmem_shared>>
        %dma_wait3A_81 = arith.constant 0 : i32
        %dma_wait3A_82 = tpu.memref_slice %arg7[%mul3A_76, %dma_wait3A_81] : memref<10000x16xf32, #tpu.memory_space<vmem_shared>> -> memref<200x16xf32, #tpu.memory_space<vmem_shared>>
        tpu.wait_dma2 semaphore(%run_scoped3A : memref<!tpu.dma_semaphore, #tpu.memory_space<semaphore_mem>>) src(%arg6 : memref<200x16xf32, #tpu.memory_space<vmem>>) dst(%dma_wait3A_82 : memref<200x16xf32, #tpu.memory_space<vmem_shared>>)
        tpu.yield
      }) : () -> ()
    } else {
    }
    %add3A_18 = arith.constant 16 : i32
    %add3A_19 = arith.addi %arg1, %add3A_18 : i32
    %lt3A_20 = arith.constant 50 : i32
    %lt3A_21 = arith.cmpi slt, %add3A_19, %lt3A_20 : i32
    %convert_element_type3A_22 = arith.extui %lt3A_21 : i1 to i32
    %cond3A_23 = arith.constant 0 : i32
    %cond3A_24 = arith.cmpi ne, %convert_element_type3A_22, %cond3A_23 : i32
    scf.if %cond3A_24 {
      %mul3A_75 = arith.constant 200 : i32
      %mul3A_76 = arith.muli %add3A_19, %mul3A_75 : i32
      "tpu.region"() ({
        %run_scoped3A = tpu.sem_alloc : memref<!tpu.dma_semaphore, #tpu.memory_space<semaphore_mem>>
        %dma_start3A = arith.constant 0 : i32
        %dma_start3A_77 = tpu.memref_slice %arg7[%mul3A_76, %dma_start3A] : memref<10000x16xf32, #tpu.memory_space<vmem_shared>> -> memref<200x16xf32, #tpu.memory_space<vmem_shared>>
        %dma_start3A_78 = arith.constant 0 : i32
        %dma_start3A_79 = tpu.memref_slice %arg7[%mul3A_76, %dma_start3A_78] : memref<10000x16xf32, #tpu.memory_space<vmem_shared>> -> memref<200x16xf32, #tpu.memory_space<vmem_shared>>
        tpu.enqueue_dma source(%arg6 : memref<200x16xf32, #tpu.memory_space<vmem>>) target(%dma_start3A_79 : memref<200x16xf32, #tpu.memory_space<vmem_shared>>) target_semaphore(%run_scoped3A : memref<!tpu.dma_semaphore, #tpu.memory_space<semaphore_mem>>)
        %dma_wait3A = arith.constant 0 : i32
        %dma_wait3A_80 = tpu.memref_slice %arg7[%mul3A_76, %dma_wait3A] : memref<10000x16xf32, #tpu.memory_space<vmem_shared>> -> memref<200x16xf32, #tpu.memory_space<vmem_shared>>
        %dma_wait3A_81 = arith.constant 0 : i32
        %dma_wait3A_82 = tpu.memref_slice %arg7[%mul3A_76, %dma_wait3A_81] : memref<10000x16xf32, #tpu.memory_space<vmem_shared>> -> memref<200x16xf32, #tpu.memory_space<vmem_shared>>
        tpu.wait_dma2 semaphore(%run_scoped3A : memref<!tpu.dma_semaphore, #tpu.memory_space<semaphore_mem>>) src(%arg6 : memref<200x16xf32, #tpu.memory_space<vmem>>) dst(%dma_wait3A_82 : memref<200x16xf32, #tpu.memory_space<vmem_shared>>)
        tpu.yield
      }) : () -> ()
    } else {
    }
    %add3A_25 = arith.constant 32 : i32
    %add3A_26 = arith.addi %arg1, %add3A_25 : i32
    %lt3A_27 = arith.constant 50 : i32
    %lt3A_28 = arith.cmpi slt, %add3A_26, %lt3A_27 : i32
    %convert_element_type3A_29 = arith.extui %lt3A_28 : i1 to i32
    %cond3A_30 = arith.constant 0 : i32
    %cond3A_31 = arith.cmpi ne, %convert_element_type3A_29, %cond3A_30 : i32
    scf.if %cond3A_31 {
      %mul3A_75 = arith.constant 200 : i32
      %mul3A_76 = arith.muli %add3A_26, %mul3A_75 : i32
      "tpu.region"() ({
        %run_scoped3A = tpu.sem_alloc : memref<!tpu.dma_semaphore, #tpu.memory_space<semaphore_mem>>
        %dma_start3A = arith.constant 0 : i32
        %dma_start3A_77 = tpu.memref_slice %arg7[%mul3A_76, %dma_start3A] : memref<10000x16xf32, #tpu.memory_space<vmem_shared>> -> memref<200x16xf32, #tpu.memory_space<vmem_shared>>
        %dma_start3A_78 = arith.constant 0 : i32
        %dma_start3A_79 = tpu.memref_slice %arg7[%mul3A_76, %dma_start3A_78] : memref<10000x16xf32, #tpu.memory_space<vmem_shared>> -> memref<200x16xf32, #tpu.memory_space<vmem_shared>>
        tpu.enqueue_dma source(%arg6 : memref<200x16xf32, #tpu.memory_space<vmem>>) target(%dma_start3A_79 : memref<200x16xf32, #tpu.memory_space<vmem_shared>>) target_semaphore(%run_scoped3A : memref<!tpu.dma_semaphore, #tpu.memory_space<semaphore_mem>>)
        %dma_wait3A = arith.constant 0 : i32
        %dma_wait3A_80 = tpu.memref_slice %arg7[%mul3A_76, %dma_wait3A] : memref<10000x16xf32, #tpu.memory_space<vmem_shared>> -> memref<200x16xf32, #tpu.memory_space<vmem_shared>>
        %dma_wait3A_81 = arith.constant 0 : i32
        %dma_wait3A_82 = tpu.memref_slice %arg7[%mul3A_76, %dma_wait3A_81] : memref<10000x16xf32, #tpu.memory_space<vmem_shared>> -> memref<200x16xf32, #tpu.memory_space<vmem_shared>>
        tpu.wait_dma2 semaphore(%run_scoped3A : memref<!tpu.dma_semaphore, #tpu.memory_space<semaphore_mem>>) src(%arg6 : memref<200x16xf32, #tpu.memory_space<vmem>>) dst(%dma_wait3A_82 : memref<200x16xf32, #tpu.memory_space<vmem_shared>>)
        tpu.yield
      }) : () -> ()
    } else {
    }
    %add3A_32 = arith.constant 48 : i32
    %add3A_33 = arith.addi %arg1, %add3A_32 : i32
    %lt3A_34 = arith.constant 50 : i32
    %lt3A_35 = arith.cmpi slt, %add3A_33, %lt3A_34 : i32
    %convert_element_type3A_36 = arith.extui %lt3A_35 : i1 to i32
    %cond3A_37 = arith.constant 0 : i32
    %cond3A_38 = arith.cmpi ne, %convert_element_type3A_36, %cond3A_37 : i32
    scf.if %cond3A_38 {
      %mul3A_75 = arith.constant 200 : i32
      %mul3A_76 = arith.muli %add3A_33, %mul3A_75 : i32
      "tpu.region"() ({
        %run_scoped3A = tpu.sem_alloc : memref<!tpu.dma_semaphore, #tpu.memory_space<semaphore_mem>>
        %dma_start3A = arith.constant 0 : i32
        %dma_start3A_77 = tpu.memref_slice %arg7[%mul3A_76, %dma_start3A] : memref<10000x16xf32, #tpu.memory_space<vmem_shared>> -> memref<200x16xf32, #tpu.memory_space<vmem_shared>>
        %dma_start3A_78 = arith.constant 0 : i32
        %dma_start3A_79 = tpu.memref_slice %arg7[%mul3A_76, %dma_start3A_78] : memref<10000x16xf32, #tpu.memory_space<vmem_shared>> -> memref<200x16xf32, #tpu.memory_space<vmem_shared>>
        tpu.enqueue_dma source(%arg6 : memref<200x16xf32, #tpu.memory_space<vmem>>) target(%dma_start3A_79 : memref<200x16xf32, #tpu.memory_space<vmem_shared>>) target_semaphore(%run_scoped3A : memref<!tpu.dma_semaphore, #tpu.memory_space<semaphore_mem>>)
        %dma_wait3A = arith.constant 0 : i32
        %dma_wait3A_80 = tpu.memref_slice %arg7[%mul3A_76, %dma_wait3A] : memref<10000x16xf32, #tpu.memory_space<vmem_shared>> -> memref<200x16xf32, #tpu.memory_space<vmem_shared>>
        %dma_wait3A_81 = arith.constant 0 : i32
        %dma_wait3A_82 = tpu.memref_slice %arg7[%mul3A_76, %dma_wait3A_81] : memref<10000x16xf32, #tpu.memory_space<vmem_shared>> -> memref<200x16xf32, #tpu.memory_space<vmem_shared>>
        tpu.wait_dma2 semaphore(%run_scoped3A : memref<!tpu.dma_semaphore, #tpu.memory_space<semaphore_mem>>) src(%arg6 : memref<200x16xf32, #tpu.memory_space<vmem>>) dst(%dma_wait3A_82 : memref<200x16xf32, #tpu.memory_space<vmem_shared>>)
        tpu.yield
      }) : () -> ()
    } else {
    }
    %barrier3A = arith.constant 0 : index
    tpu.barrier barrier_id(%barrier3A)
    %mul3A = arith.constant 16 : i32
    %mul3A_39 = arith.muli %arg0, %mul3A : i32
    %add3A_40 = arith.addi %mul3A_39, %arg1 : i32
    "tpu.region"() ({
      %run_scoped3A = tpu.sem_alloc : memref<!tpu.dma_semaphore, #tpu.memory_space<semaphore_mem>>
      %dma_start3A = arith.constant 0 : i32
      %dma_start3A_75 = arith.constant 0 : i32
      %dma_start3A_76 = tpu.memref_slice %arg2[%add3A_40, %dma_start3A, %dma_start3A_75] : memref<32x125x40xi32, #tpu.memory_space<hbm>> -> memref<1x125x40xi32, #tpu.memory_space<hbm>>
      %dma_start3A_77 = tpu.memref_squeeze %dma_start3A_76 : memref<1x125x40xi32, #tpu.memory_space<hbm>> -> memref<125x40xi32, #tpu.memory_space<hbm>>
      %dma_start3A_78 = arith.constant 0 : i32
      %dma_start3A_79 = arith.constant 0 : i32
      %dma_start3A_80 = tpu.memref_slice %arg2[%add3A_40, %dma_start3A_78, %dma_start3A_79] : memref<32x125x40xi32, #tpu.memory_space<hbm>> -> memref<1x125x40xi32, #tpu.memory_space<hbm>>
      %dma_start3A_81 = tpu.memref_squeeze %dma_start3A_80 : memref<1x125x40xi32, #tpu.memory_space<hbm>> -> memref<125x40xi32, #tpu.memory_space<hbm>>
      tpu.enqueue_dma source(%dma_start3A_81 : memref<125x40xi32, #tpu.memory_space<hbm>>) target(%arg4 : memref<125x40xi32, #tpu.memory_space<vmem>>) target_semaphore(%run_scoped3A : memref<!tpu.dma_semaphore, #tpu.memory_space<semaphore_mem>>)
      %dma_wait3A = arith.constant 0 : i32
      %dma_wait3A_82 = arith.constant 0 : i32
      %dma_wait3A_83 = tpu.memref_slice %arg2[%add3A_40, %dma_wait3A, %dma_wait3A_82] : memref<32x125x40xi32, #tpu.memory_space<hbm>> -> memref<1x125x40xi32, #tpu.memory_space<hbm>>
      %dma_wait3A_84 = tpu.memref_squeeze %dma_wait3A_83 : memref<1x125x40xi32, #tpu.memory_space<hbm>> -> memref<125x40xi32, #tpu.memory_space<hbm>>
      %dma_wait3A_85 = arith.constant 0 : i32
      %dma_wait3A_86 = arith.constant 0 : i32
      %dma_wait3A_87 = tpu.memref_slice %arg2[%add3A_40, %dma_wait3A_85, %dma_wait3A_86] : memref<32x125x40xi32, #tpu.memory_space<hbm>> -> memref<1x125x40xi32, #tpu.memory_space<hbm>>
      %dma_wait3A_88 = tpu.memref_squeeze %dma_wait3A_87 : memref<1x125x40xi32, #tpu.memory_space<hbm>> -> memref<125x40xi32, #tpu.memory_space<hbm>>
      tpu.wait_dma2 semaphore(%run_scoped3A : memref<!tpu.dma_semaphore, #tpu.memory_space<semaphore_mem>>) src(%dma_wait3A_88 : memref<125x40xi32, #tpu.memory_space<hbm>>) dst(%arg4 : memref<125x40xi32, #tpu.memory_space<vmem>>)
      tpu.yield
    }) : () -> ()
    %scan3A_41 = arith.constant 0 : i32
    %scan3A_42 = arith.constant 125 : i32
    %scan3A_43 = arith.addi %scan3A_41, %scan3A_42 : i32
    %scan3A_44 = arith.constant 1 : i32
    scf.for %scan3A_75 = %scan3A_41 to %scan3A_43 step %scan3A_44  : i32 {
      "tpu.region"() ({
        %run_scoped3A = tpu.sem_alloc : memref<!tpu.dma_semaphore, #tpu.memory_space<semaphore_mem>>
        %dma_start3A = arith.constant 0 : i32
        %dma_start3A_76 = tpu.memref_slice %arg4[%scan3A_75, %dma_start3A] : memref<125x40xi32, #tpu.memory_space<vmem>> -> memref<1x40xi32, #tpu.memory_space<vmem>>
        %dma_start3A_77 = tpu.memref_squeeze %dma_start3A_76 : memref<1x40xi32, #tpu.memory_space<vmem>> -> memref<40xi32, #tpu.memory_space<vmem>>
        %dma_start3A_78 = arith.constant 0 : i32
        %dma_start3A_79 = arith.constant 0 : i32
        %dma_start3A_80 = tpu.memref_slice %arg7[%dma_start3A_78, %dma_start3A_79] : memref<10000x16xf32, #tpu.memory_space<vmem_shared>> -> memref<10000x16xf32, #tpu.memory_space<vmem_shared>>
        tpu.enqueue_indirect_dma source(%arg5 : memref<40x16xf32, #tpu.memory_space<vmem>>) target(%dma_start3A_80 : memref<10000x16xf32, #tpu.memory_space<vmem_shared>>) offsets(%dma_start3A_77 : memref<40xi32, #tpu.memory_space<vmem>>) semaphore(%run_scoped3A : memref<!tpu.dma_semaphore, #tpu.memory_space<semaphore_mem>>) {add = true}
        %dma_wait3A = arith.constant 0 : i32
        %dma_wait3A_81 = tpu.memref_slice %arg4[%scan3A_75, %dma_wait3A] : memref<125x40xi32, #tpu.memory_space<vmem>> -> memref<1x40xi32, #tpu.memory_space<vmem>>
        %dma_wait3A_82 = tpu.memref_squeeze %dma_wait3A_81 : memref<1x40xi32, #tpu.memory_space<vmem>> -> memref<40xi32, #tpu.memory_space<vmem>>
        %dma_wait3A_83 = arith.constant 0 : i32
        %dma_wait3A_84 = arith.constant 0 : i32
        %dma_wait3A_85 = tpu.memref_slice %arg7[%dma_wait3A_83, %dma_wait3A_84] : memref<10000x16xf32, #tpu.memory_space<vmem_shared>> -> memref<10000x16xf32, #tpu.memory_space<vmem_shared>>
        tpu.wait_indirect_dma semaphore(%run_scoped3A : memref<!tpu.dma_semaphore, #tpu.memory_space<semaphore_mem>>) src(%arg5 : memref<40x16xf32, #tpu.memory_space<vmem>>) dst(%dma_wait3A_85 : memref<10000x16xf32, #tpu.memory_space<vmem_shared>>)
        tpu.yield
      }) : () -> ()
    }
    %scan3A_45 = arith.constant 125 : i32
    %barrier3A_46 = arith.constant 0 : index
    tpu.barrier barrier_id(%barrier3A_46)
    %add3A_47 = arith.constant 0 : i32
    %add3A_48 = arith.addi %arg1, %add3A_47 : i32
    %lt3A_49 = arith.constant 50 : i32
    %lt3A_50 = arith.cmpi slt, %add3A_48, %lt3A_49 : i32
    %convert_element_type3A_51 = arith.extui %lt3A_50 : i1 to i32
    %cond3A_52 = arith.constant 0 : i32
    %cond3A_53 = arith.cmpi ne, %convert_element_type3A_51, %cond3A_52 : i32
    scf.if %cond3A_53 {
      %mul3A_75 = arith.constant 200 : i32
      %mul3A_76 = arith.muli %add3A_48, %mul3A_75 : i32
      %mul3A_77 = arith.constant 200 : i32
      %mul3A_78 = arith.muli %add3A_48, %mul3A_77 : i32
      "tpu.region"() ({
        %run_scoped3A = tpu.sem_alloc : memref<!tpu.dma_semaphore, #tpu.memory_space<semaphore_mem>>
        %dma_start3A = arith.constant 0 : i32
        %dma_start3A_79 = tpu.memref_slice %arg3[%arg0, %mul3A_78, %dma_start3A] : memref<2x10000x16xf32, #tpu.memory_space<hbm>> -> memref<1x200x16xf32, #tpu.memory_space<hbm>>
        %dma_start3A_80 = tpu.memref_squeeze %dma_start3A_79 : memref<1x200x16xf32, #tpu.memory_space<hbm>> -> memref<200x16xf32, #tpu.memory_space<hbm>>
        %dma_start3A_81 = arith.constant 0 : i32
        %dma_start3A_82 = tpu.memref_slice %arg7[%mul3A_76, %dma_start3A_81] : memref<10000x16xf32, #tpu.memory_space<vmem_shared>> -> memref<200x16xf32, #tpu.memory_space<vmem_shared>>
        tpu.enqueue_dma source(%dma_start3A_82 : memref<200x16xf32, #tpu.memory_space<vmem_shared>>) target(%dma_start3A_80 : memref<200x16xf32, #tpu.memory_space<hbm>>) target_semaphore(%run_scoped3A : memref<!tpu.dma_semaphore, #tpu.memory_space<semaphore_mem>>)
        %dma_wait3A = arith.constant 0 : i32
        %dma_wait3A_83 = tpu.memref_slice %arg3[%arg0, %mul3A_78, %dma_wait3A] : memref<2x10000x16xf32, #tpu.memory_space<hbm>> -> memref<1x200x16xf32, #tpu.memory_space<hbm>>
        %dma_wait3A_84 = tpu.memref_squeeze %dma_wait3A_83 : memref<1x200x16xf32, #tpu.memory_space<hbm>> -> memref<200x16xf32, #tpu.memory_space<hbm>>
        %dma_wait3A_85 = arith.constant 0 : i32
        %dma_wait3A_86 = tpu.memref_slice %arg7[%mul3A_76, %dma_wait3A_85] : memref<10000x16xf32, #tpu.memory_space<vmem_shared>> -> memref<200x16xf32, #tpu.memory_space<vmem_shared>>
        tpu.wait_dma2 semaphore(%run_scoped3A : memref<!tpu.dma_semaphore, #tpu.memory_space<semaphore_mem>>) src(%dma_wait3A_86 : memref<200x16xf32, #tpu.memory_space<vmem_shared>>) dst(%dma_wait3A_84 : memref<200x16xf32, #tpu.memory_space<hbm>>)
        tpu.yield
      }) : () -> ()
    } else {
    }
    %add3A_54 = arith.constant 16 : i32
    %add3A_55 = arith.addi %arg1, %add3A_54 : i32
    %lt3A_56 = arith.constant 50 : i32
    %lt3A_57 = arith.cmpi slt, %add3A_55, %lt3A_56 : i32
    %convert_element_type3A_58 = arith.extui %lt3A_57 : i1 to i32
    %cond3A_59 = arith.constant 0 : i32
    %cond3A_60 = arith.cmpi ne, %convert_element_type3A_58, %cond3A_59 : i32
    scf.if %cond3A_60 {
      %mul3A_75 = arith.constant 200 : i32
      %mul3A_76 = arith.muli %add3A_55, %mul3A_75 : i32
      %mul3A_77 = arith.constant 200 : i32
      %mul3A_78 = arith.muli %add3A_55, %mul3A_77 : i32
      "tpu.region"() ({
        %run_scoped3A = tpu.sem_alloc : memref<!tpu.dma_semaphore, #tpu.memory_space<semaphore_mem>>
        %dma_start3A = arith.constant 0 : i32
        %dma_start3A_79 = tpu.memref_slice %arg3[%arg0, %mul3A_78, %dma_start3A] : memref<2x10000x16xf32, #tpu.memory_space<hbm>> -> memref<1x200x16xf32, #tpu.memory_space<hbm>>
        %dma_start3A_80 = tpu.memref_squeeze %dma_start3A_79 : memref<1x200x16xf32, #tpu.memory_space<hbm>> -> memref<200x16xf32, #tpu.memory_space<hbm>>
        %dma_start3A_81 = arith.constant 0 : i32
        %dma_start3A_82 = tpu.memref_slice %arg7[%mul3A_76, %dma_start3A_81] : memref<10000x16xf32, #tpu.memory_space<vmem_shared>> -> memref<200x16xf32, #tpu.memory_space<vmem_shared>>
        tpu.enqueue_dma source(%dma_start3A_82 : memref<200x16xf32, #tpu.memory_space<vmem_shared>>) target(%dma_start3A_80 : memref<200x16xf32, #tpu.memory_space<hbm>>) target_semaphore(%run_scoped3A : memref<!tpu.dma_semaphore, #tpu.memory_space<semaphore_mem>>)
        %dma_wait3A = arith.constant 0 : i32
        %dma_wait3A_83 = tpu.memref_slice %arg3[%arg0, %mul3A_78, %dma_wait3A] : memref<2x10000x16xf32, #tpu.memory_space<hbm>> -> memref<1x200x16xf32, #tpu.memory_space<hbm>>
        %dma_wait3A_84 = tpu.memref_squeeze %dma_wait3A_83 : memref<1x200x16xf32, #tpu.memory_space<hbm>> -> memref<200x16xf32, #tpu.memory_space<hbm>>
        %dma_wait3A_85 = arith.constant 0 : i32
        %dma_wait3A_86 = tpu.memref_slice %arg7[%mul3A_76, %dma_wait3A_85] : memref<10000x16xf32, #tpu.memory_space<vmem_shared>> -> memref<200x16xf32, #tpu.memory_space<vmem_shared>>
        tpu.wait_dma2 semaphore(%run_scoped3A : memref<!tpu.dma_semaphore, #tpu.memory_space<semaphore_mem>>) src(%dma_wait3A_86 : memref<200x16xf32, #tpu.memory_space<vmem_shared>>) dst(%dma_wait3A_84 : memref<200x16xf32, #tpu.memory_space<hbm>>)
        tpu.yield
      }) : () -> ()
    } else {
    }
    %add3A_61 = arith.constant 32 : i32
    %add3A_62 = arith.addi %arg1, %add3A_61 : i32
    %lt3A_63 = arith.constant 50 : i32
    %lt3A_64 = arith.cmpi slt, %add3A_62, %lt3A_63 : i32
    %convert_element_type3A_65 = arith.extui %lt3A_64 : i1 to i32
    %cond3A_66 = arith.constant 0 : i32
    %cond3A_67 = arith.cmpi ne, %convert_element_type3A_65, %cond3A_66 : i32
    scf.if %cond3A_67 {
      %mul3A_75 = arith.constant 200 : i32
      %mul3A_76 = arith.muli %add3A_62, %mul3A_75 : i32
      %mul3A_77 = arith.constant 200 : i32
      %mul3A_78 = arith.muli %add3A_62, %mul3A_77 : i32
      "tpu.region"() ({
        %run_scoped3A = tpu.sem_alloc : memref<!tpu.dma_semaphore, #tpu.memory_space<semaphore_mem>>
        %dma_start3A = arith.constant 0 : i32
        %dma_start3A_79 = tpu.memref_slice %arg3[%arg0, %mul3A_78, %dma_start3A] : memref<2x10000x16xf32, #tpu.memory_space<hbm>> -> memref<1x200x16xf32, #tpu.memory_space<hbm>>
        %dma_start3A_80 = tpu.memref_squeeze %dma_start3A_79 : memref<1x200x16xf32, #tpu.memory_space<hbm>> -> memref<200x16xf32, #tpu.memory_space<hbm>>
        %dma_start3A_81 = arith.constant 0 : i32
        %dma_start3A_82 = tpu.memref_slice %arg7[%mul3A_76, %dma_start3A_81] : memref<10000x16xf32, #tpu.memory_space<vmem_shared>> -> memref<200x16xf32, #tpu.memory_space<vmem_shared>>
        tpu.enqueue_dma source(%dma_start3A_82 : memref<200x16xf32, #tpu.memory_space<vmem_shared>>) target(%dma_start3A_80 : memref<200x16xf32, #tpu.memory_space<hbm>>) target_semaphore(%run_scoped3A : memref<!tpu.dma_semaphore, #tpu.memory_space<semaphore_mem>>)
        %dma_wait3A = arith.constant 0 : i32
        %dma_wait3A_83 = tpu.memref_slice %arg3[%arg0, %mul3A_78, %dma_wait3A] : memref<2x10000x16xf32, #tpu.memory_space<hbm>> -> memref<1x200x16xf32, #tpu.memory_space<hbm>>
        %dma_wait3A_84 = tpu.memref_squeeze %dma_wait3A_83 : memref<1x200x16xf32, #tpu.memory_space<hbm>> -> memref<200x16xf32, #tpu.memory_space<hbm>>
        %dma_wait3A_85 = arith.constant 0 : i32
        %dma_wait3A_86 = tpu.memref_slice %arg7[%mul3A_76, %dma_wait3A_85] : memref<10000x16xf32, #tpu.memory_space<vmem_shared>> -> memref<200x16xf32, #tpu.memory_space<vmem_shared>>
        tpu.wait_dma2 semaphore(%run_scoped3A : memref<!tpu.dma_semaphore, #tpu.memory_space<semaphore_mem>>) src(%dma_wait3A_86 : memref<200x16xf32, #tpu.memory_space<vmem_shared>>) dst(%dma_wait3A_84 : memref<200x16xf32, #tpu.memory_space<hbm>>)
        tpu.yield
      }) : () -> ()
    } else {
    }
    %add3A_68 = arith.constant 48 : i32
    %add3A_69 = arith.addi %arg1, %add3A_68 : i32
    %lt3A_70 = arith.constant 50 : i32
    %lt3A_71 = arith.cmpi slt, %add3A_69, %lt3A_70 : i32
    %convert_element_type3A_72 = arith.extui %lt3A_71 : i1 to i32
    %cond3A_73 = arith.constant 0 : i32
    %cond3A_74 = arith.cmpi ne, %convert_element_type3A_72, %cond3A_73 : i32
    scf.if %cond3A_74 {
      %mul3A_75 = arith.constant 200 : i32
      %mul3A_76 = arith.muli %add3A_69, %mul3A_75 : i32
      %mul3A_77 = arith.constant 200 : i32
      %mul3A_78 = arith.muli %add3A_69, %mul3A_77 : i32
      "tpu.region"() ({
        %run_scoped3A = tpu.sem_alloc : memref<!tpu.dma_semaphore, #tpu.memory_space<semaphore_mem>>
        %dma_start3A = arith.constant 0 : i32
        %dma_start3A_79 = tpu.memref_slice %arg3[%arg0, %mul3A_78, %dma_start3A] : memref<2x10000x16xf32, #tpu.memory_space<hbm>> -> memref<1x200x16xf32, #tpu.memory_space<hbm>>
        %dma_start3A_80 = tpu.memref_squeeze %dma_start3A_79 : memref<1x200x16xf32, #tpu.memory_space<hbm>> -> memref<200x16xf32, #tpu.memory_space<hbm>>
        %dma_start3A_81 = arith.constant 0 : i32
        %dma_start3A_82 = tpu.memref_slice %arg7[%mul3A_76, %dma_start3A_81] : memref<10000x16xf32, #tpu.memory_space<vmem_shared>> -> memref<200x16xf32, #tpu.memory_space<vmem_shared>>
        tpu.enqueue_dma source(%dma_start3A_82 : memref<200x16xf32, #tpu.memory_space<vmem_shared>>) target(%dma_start3A_80 : memref<200x16xf32, #tpu.memory_space<hbm>>) target_semaphore(%run_scoped3A : memref<!tpu.dma_semaphore, #tpu.memory_space<semaphore_mem>>)
        %dma_wait3A = arith.constant 0 : i32
        %dma_wait3A_83 = tpu.memref_slice %arg3[%arg0, %mul3A_78, %dma_wait3A] : memref<2x10000x16xf32, #tpu.memory_space<hbm>> -> memref<1x200x16xf32, #tpu.memory_space<hbm>>
        %dma_wait3A_84 = tpu.memref_squeeze %dma_wait3A_83 : memref<1x200x16xf32, #tpu.memory_space<hbm>> -> memref<200x16xf32, #tpu.memory_space<hbm>>
        %dma_wait3A_85 = arith.constant 0 : i32
        %dma_wait3A_86 = tpu.memref_slice %arg7[%mul3A_76, %dma_wait3A_85] : memref<10000x16xf32, #tpu.memory_space<vmem_shared>> -> memref<200x16xf32, #tpu.memory_space<vmem_shared>>
        tpu.wait_dma2 semaphore(%run_scoped3A : memref<!tpu.dma_semaphore, #tpu.memory_space<semaphore_mem>>) src(%dma_wait3A_86 : memref<200x16xf32, #tpu.memory_space<vmem_shared>>) dst(%dma_wait3A_84 : memref<200x16xf32, #tpu.memory_space<hbm>>)
        tpu.yield
      }) : () -> ()
    } else {
    }
    return
  }
}

#map = affine_map<(d0, d1) -> (0, 0)>
#map1 = affine_map<(d0, d1) -> (0, 0, 0)>
module attributes {stable_mosaic.version = 14 : i64} {
  func.func @_agg_kernel(%arg0: i32, %arg1: i32, %arg2: memref<20000x128xf32, #tpu.memory_space<hbm>>, %arg3: memref<16x125x80xi32, #tpu.memory_space<hbm>>, %arg4: memref<16x125x80xi32, #tpu.memory_space<hbm>>, %arg5: memref<20000x128xf32, #tpu.memory_space<hbm>>, %arg6: memref<125x80xi32, #tpu.memory_space<vmem>>, %arg7: memref<125x80xi32, #tpu.memory_space<vmem>>, %arg8: memref<80x128xf32, #tpu.memory_space<vmem>>, %arg9: memref<10000x128xf32, #tpu.memory_space<vmem_shared>>, %arg10: memref<!tpu.dma_semaphore, #tpu.memory_space<semaphore_mem>>) attributes {dimension_semantics = [#tpu.dimension_semantics<core_parallel>, #tpu.dimension_semantics<subcore_parallel>], iteration_bounds = array<i64: 2, 16>, scalar_prefetch = 0 : i64, scratch_operands = 5 : i64, tpu.core_type = #tpu.core_type<sc_vector_subcore>, window_params = [{transform_indices = #map}, {transform_indices = #map1}, {transform_indices = #map1}, {transform_indices = #map}]} {
    %broadcast_in_dim3A = arith.constant 0.000000e+00 : f32
    %broadcast_in_dim3A_0 = vector.broadcast %broadcast_in_dim3A : f32 to vector<16xf32>
    %scan3A = arith.constant 0 : i32
    %scan3A_1 = arith.constant 80 : i32
    %scan3A_2 = arith.addi %scan3A, %scan3A_1 : i32
    %scan3A_3 = arith.constant 1 : i32
    scf.for %scan3A_125 = %scan3A to %scan3A_2 step %scan3A_3  : i32 {
      %scan3A_126 = arith.constant 0 : i32
      %scan3A_127 = arith.constant 8 : i32
      %scan3A_128 = arith.addi %scan3A_126, %scan3A_127 : i32
      %scan3A_129 = arith.constant 1 : i32
      scf.for %scan3A_131 = %scan3A_126 to %scan3A_128 step %scan3A_129  : i32 {
        %mul3A_132 = arith.constant 16 : i32
        %mul3A_133 = arith.muli %scan3A_131, %mul3A_132 : i32
        %swap3A = arith.index_cast %scan3A_125 : i32 to index
        %swap3A_134 = arith.index_cast %mul3A_133 : i32 to index
        %swap3A_135 = tpu.vector_load %arg8[%swap3A, %swap3A_134] {strides = array<i32>} : memref<80x128xf32, #tpu.memory_space<vmem>>, vector<1x16xf32>,
        %swap3A_136 = vector.shape_cast %swap3A_135 : vector<1x16xf32> to vector<16xf32>
        %swap3A_137 = vector.shape_cast %broadcast_in_dim3A_0 : vector<16xf32> to vector<1x16xf32>
        tpu.vector_store %arg8[%swap3A, %swap3A_134], %swap3A_137 {strides = array<i32>} : memref<80x128xf32, #tpu.memory_space<vmem>>, vector<1x16xf32>,
      }
      %scan3A_130 = arith.constant 8 : i32
    }
    %scan3A_4 = arith.constant 80 : i32
    %add3A = arith.constant 0 : i32
    %add3A_5 = arith.addi %arg1, %add3A : i32
    %lt3A = arith.constant 125 : i32
    %lt3A_6 = arith.cmpi slt, %add3A_5, %lt3A : i32
    %convert_element_type3A = arith.extui %lt3A_6 : i1 to i32
    %cond3A = arith.constant 0 : i32
    %cond3A_7 = arith.cmpi ne, %convert_element_type3A, %cond3A : i32
    scf.if %cond3A_7 {
      %mul3A_125 = arith.constant 80 : i32
      %mul3A_126 = arith.muli %add3A_5, %mul3A_125 : i32
      "tpu.region"() ({
        %run_scoped3A = tpu.sem_alloc : memref<!tpu.dma_semaphore, #tpu.memory_space<semaphore_mem>>
        %dma_start3A = arith.constant 0 : i32
        %dma_start3A_127 = arith.constant 0 : i32
        %dma_start3A_128 = tpu.memref_slice %arg8[%dma_start3A, %dma_start3A_127] : memref<80x128xf32, #tpu.memory_space<vmem>> -> memref<80x128xf32, #tpu.memory_space<vmem>>
        %dma_start3A_129 = arith.constant 0 : i32
        %dma_start3A_130 = tpu.memref_slice %arg9[%mul3A_126, %dma_start3A_129] : memref<10000x128xf32, #tpu.memory_space<vmem_shared>> -> memref<80x128xf32, #tpu.memory_space<vmem_shared>>
        %dma_start3A_131 = arith.constant 0 : i32
        %dma_start3A_132 = tpu.memref_slice %arg9[%mul3A_126, %dma_start3A_131] : memref<10000x128xf32, #tpu.memory_space<vmem_shared>> -> memref<80x128xf32, #tpu.memory_space<vmem_shared>>
        %dma_start3A_133 = arith.constant 0 : i32
        %dma_start3A_134 = arith.constant 0 : i32
        %dma_start3A_135 = tpu.memref_slice %arg8[%dma_start3A_133, %dma_start3A_134] : memref<80x128xf32, #tpu.memory_space<vmem>> -> memref<80x128xf32, #tpu.memory_space<vmem>>
        tpu.enqueue_dma source(%dma_start3A_135 : memref<80x128xf32, #tpu.memory_space<vmem>>) target(%dma_start3A_132 : memref<80x128xf32, #tpu.memory_space<vmem_shared>>) target_semaphore(%run_scoped3A : memref<!tpu.dma_semaphore, #tpu.memory_space<semaphore_mem>>)
        %dma_wait3A = arith.constant 0 : i32
        %dma_wait3A_136 = arith.constant 0 : i32
        %dma_wait3A_137 = tpu.memref_slice %arg8[%dma_wait3A, %dma_wait3A_136] : memref<80x128xf32, #tpu.memory_space<vmem>> -> memref<80x128xf32, #tpu.memory_space<vmem>>
        %dma_wait3A_138 = arith.constant 0 : i32
        %dma_wait3A_139 = tpu.memref_slice %arg9[%mul3A_126, %dma_wait3A_138] : memref<10000x128xf32, #tpu.memory_space<vmem_shared>> -> memref<80x128xf32, #tpu.memory_space<vmem_shared>>
        %dma_wait3A_140 = arith.constant 0 : i32
        %dma_wait3A_141 = tpu.memref_slice %arg9[%mul3A_126, %dma_wait3A_140] : memref<10000x128xf32, #tpu.memory_space<vmem_shared>> -> memref<80x128xf32, #tpu.memory_space<vmem_shared>>
        %dma_wait3A_142 = arith.constant 0 : i32
        %dma_wait3A_143 = arith.constant 0 : i32
        %dma_wait3A_144 = tpu.memref_slice %arg8[%dma_wait3A_142, %dma_wait3A_143] : memref<80x128xf32, #tpu.memory_space<vmem>> -> memref<80x128xf32, #tpu.memory_space<vmem>>
        tpu.wait_dma2 semaphore(%run_scoped3A : memref<!tpu.dma_semaphore, #tpu.memory_space<semaphore_mem>>) src(%dma_wait3A_144 : memref<80x128xf32, #tpu.memory_space<vmem>>) dst(%dma_wait3A_141 : memref<80x128xf32, #tpu.memory_space<vmem_shared>>)
        tpu.yield
      }) : () -> ()
    } else {
    }
    %add3A_8 = arith.constant 16 : i32
    %add3A_9 = arith.addi %arg1, %add3A_8 : i32
    %lt3A_10 = arith.constant 125 : i32
    %lt3A_11 = arith.cmpi slt, %add3A_9, %lt3A_10 : i32
    %convert_element_type3A_12 = arith.extui %lt3A_11 : i1 to i32
    %cond3A_13 = arith.constant 0 : i32
    %cond3A_14 = arith.cmpi ne, %convert_element_type3A_12, %cond3A_13 : i32
    scf.if %cond3A_14 {
      %mul3A_125 = arith.constant 80 : i32
      %mul3A_126 = arith.muli %add3A_9, %mul3A_125 : i32
      "tpu.region"() ({
        %run_scoped3A = tpu.sem_alloc : memref<!tpu.dma_semaphore, #tpu.memory_space<semaphore_mem>>
        %dma_start3A = arith.constant 0 : i32
        %dma_start3A_127 = arith.constant 0 : i32
        %dma_start3A_128 = tpu.memref_slice %arg8[%dma_start3A, %dma_start3A_127] : memref<80x128xf32, #tpu.memory_space<vmem>> -> memref<80x128xf32, #tpu.memory_space<vmem>>
        %dma_start3A_129 = arith.constant 0 : i32
        %dma_start3A_130 = tpu.memref_slice %arg9[%mul3A_126, %dma_start3A_129] : memref<10000x128xf32, #tpu.memory_space<vmem_shared>> -> memref<80x128xf32, #tpu.memory_space<vmem_shared>>
        %dma_start3A_131 = arith.constant 0 : i32
        %dma_start3A_132 = tpu.memref_slice %arg9[%mul3A_126, %dma_start3A_131] : memref<10000x128xf32, #tpu.memory_space<vmem_shared>> -> memref<80x128xf32, #tpu.memory_space<vmem_shared>>
        %dma_start3A_133 = arith.constant 0 : i32
        %dma_start3A_134 = arith.constant 0 : i32
        %dma_start3A_135 = tpu.memref_slice %arg8[%dma_start3A_133, %dma_start3A_134] : memref<80x128xf32, #tpu.memory_space<vmem>> -> memref<80x128xf32, #tpu.memory_space<vmem>>
        tpu.enqueue_dma source(%dma_start3A_135 : memref<80x128xf32, #tpu.memory_space<vmem>>) target(%dma_start3A_132 : memref<80x128xf32, #tpu.memory_space<vmem_shared>>) target_semaphore(%run_scoped3A : memref<!tpu.dma_semaphore, #tpu.memory_space<semaphore_mem>>)
        %dma_wait3A = arith.constant 0 : i32
        %dma_wait3A_136 = arith.constant 0 : i32
        %dma_wait3A_137 = tpu.memref_slice %arg8[%dma_wait3A, %dma_wait3A_136] : memref<80x128xf32, #tpu.memory_space<vmem>> -> memref<80x128xf32, #tpu.memory_space<vmem>>
        %dma_wait3A_138 = arith.constant 0 : i32
        %dma_wait3A_139 = tpu.memref_slice %arg9[%mul3A_126, %dma_wait3A_138] : memref<10000x128xf32, #tpu.memory_space<vmem_shared>> -> memref<80x128xf32, #tpu.memory_space<vmem_shared>>
        %dma_wait3A_140 = arith.constant 0 : i32
        %dma_wait3A_141 = tpu.memref_slice %arg9[%mul3A_126, %dma_wait3A_140] : memref<10000x128xf32, #tpu.memory_space<vmem_shared>> -> memref<80x128xf32, #tpu.memory_space<vmem_shared>>
        %dma_wait3A_142 = arith.constant 0 : i32
        %dma_wait3A_143 = arith.constant 0 : i32
        %dma_wait3A_144 = tpu.memref_slice %arg8[%dma_wait3A_142, %dma_wait3A_143] : memref<80x128xf32, #tpu.memory_space<vmem>> -> memref<80x128xf32, #tpu.memory_space<vmem>>
        tpu.wait_dma2 semaphore(%run_scoped3A : memref<!tpu.dma_semaphore, #tpu.memory_space<semaphore_mem>>) src(%dma_wait3A_144 : memref<80x128xf32, #tpu.memory_space<vmem>>) dst(%dma_wait3A_141 : memref<80x128xf32, #tpu.memory_space<vmem_shared>>)
        tpu.yield
      }) : () -> ()
    } else {
    }
    %add3A_15 = arith.constant 32 : i32
    %add3A_16 = arith.addi %arg1, %add3A_15 : i32
    %lt3A_17 = arith.constant 125 : i32
    %lt3A_18 = arith.cmpi slt, %add3A_16, %lt3A_17 : i32
    %convert_element_type3A_19 = arith.extui %lt3A_18 : i1 to i32
    %cond3A_20 = arith.constant 0 : i32
    %cond3A_21 = arith.cmpi ne, %convert_element_type3A_19, %cond3A_20 : i32
    scf.if %cond3A_21 {
      %mul3A_125 = arith.constant 80 : i32
      %mul3A_126 = arith.muli %add3A_16, %mul3A_125 : i32
      "tpu.region"() ({
        %run_scoped3A = tpu.sem_alloc : memref<!tpu.dma_semaphore, #tpu.memory_space<semaphore_mem>>
        %dma_start3A = arith.constant 0 : i32
        %dma_start3A_127 = arith.constant 0 : i32
        %dma_start3A_128 = tpu.memref_slice %arg8[%dma_start3A, %dma_start3A_127] : memref<80x128xf32, #tpu.memory_space<vmem>> -> memref<80x128xf32, #tpu.memory_space<vmem>>
        %dma_start3A_129 = arith.constant 0 : i32
        %dma_start3A_130 = tpu.memref_slice %arg9[%mul3A_126, %dma_start3A_129] : memref<10000x128xf32, #tpu.memory_space<vmem_shared>> -> memref<80x128xf32, #tpu.memory_space<vmem_shared>>
        %dma_start3A_131 = arith.constant 0 : i32
        %dma_start3A_132 = tpu.memref_slice %arg9[%mul3A_126, %dma_start3A_131] : memref<10000x128xf32, #tpu.memory_space<vmem_shared>> -> memref<80x128xf32, #tpu.memory_space<vmem_shared>>
        %dma_start3A_133 = arith.constant 0 : i32
        %dma_start3A_134 = arith.constant 0 : i32
        %dma_start3A_135 = tpu.memref_slice %arg8[%dma_start3A_133, %dma_start3A_134] : memref<80x128xf32, #tpu.memory_space<vmem>> -> memref<80x128xf32, #tpu.memory_space<vmem>>
        tpu.enqueue_dma source(%dma_start3A_135 : memref<80x128xf32, #tpu.memory_space<vmem>>) target(%dma_start3A_132 : memref<80x128xf32, #tpu.memory_space<vmem_shared>>) target_semaphore(%run_scoped3A : memref<!tpu.dma_semaphore, #tpu.memory_space<semaphore_mem>>)
        %dma_wait3A = arith.constant 0 : i32
        %dma_wait3A_136 = arith.constant 0 : i32
        %dma_wait3A_137 = tpu.memref_slice %arg8[%dma_wait3A, %dma_wait3A_136] : memref<80x128xf32, #tpu.memory_space<vmem>> -> memref<80x128xf32, #tpu.memory_space<vmem>>
        %dma_wait3A_138 = arith.constant 0 : i32
        %dma_wait3A_139 = tpu.memref_slice %arg9[%mul3A_126, %dma_wait3A_138] : memref<10000x128xf32, #tpu.memory_space<vmem_shared>> -> memref<80x128xf32, #tpu.memory_space<vmem_shared>>
        %dma_wait3A_140 = arith.constant 0 : i32
        %dma_wait3A_141 = tpu.memref_slice %arg9[%mul3A_126, %dma_wait3A_140] : memref<10000x128xf32, #tpu.memory_space<vmem_shared>> -> memref<80x128xf32, #tpu.memory_space<vmem_shared>>
        %dma_wait3A_142 = arith.constant 0 : i32
        %dma_wait3A_143 = arith.constant 0 : i32
        %dma_wait3A_144 = tpu.memref_slice %arg8[%dma_wait3A_142, %dma_wait3A_143] : memref<80x128xf32, #tpu.memory_space<vmem>> -> memref<80x128xf32, #tpu.memory_space<vmem>>
        tpu.wait_dma2 semaphore(%run_scoped3A : memref<!tpu.dma_semaphore, #tpu.memory_space<semaphore_mem>>) src(%dma_wait3A_144 : memref<80x128xf32, #tpu.memory_space<vmem>>) dst(%dma_wait3A_141 : memref<80x128xf32, #tpu.memory_space<vmem_shared>>)
        tpu.yield
      }) : () -> ()
    } else {
    }
    %add3A_22 = arith.constant 48 : i32
    %add3A_23 = arith.addi %arg1, %add3A_22 : i32
    %lt3A_24 = arith.constant 125 : i32
    %lt3A_25 = arith.cmpi slt, %add3A_23, %lt3A_24 : i32
    %convert_element_type3A_26 = arith.extui %lt3A_25 : i1 to i32
    %cond3A_27 = arith.constant 0 : i32
    %cond3A_28 = arith.cmpi ne, %convert_element_type3A_26, %cond3A_27 : i32
    scf.if %cond3A_28 {
      %mul3A_125 = arith.constant 80 : i32
      %mul3A_126 = arith.muli %add3A_23, %mul3A_125 : i32
      "tpu.region"() ({
        %run_scoped3A = tpu.sem_alloc : memref<!tpu.dma_semaphore, #tpu.memory_space<semaphore_mem>>
        %dma_start3A = arith.constant 0 : i32
        %dma_start3A_127 = arith.constant 0 : i32
        %dma_start3A_128 = tpu.memref_slice %arg8[%dma_start3A, %dma_start3A_127] : memref<80x128xf32, #tpu.memory_space<vmem>> -> memref<80x128xf32, #tpu.memory_space<vmem>>
        %dma_start3A_129 = arith.constant 0 : i32
        %dma_start3A_130 = tpu.memref_slice %arg9[%mul3A_126, %dma_start3A_129] : memref<10000x128xf32, #tpu.memory_space<vmem_shared>> -> memref<80x128xf32, #tpu.memory_space<vmem_shared>>
        %dma_start3A_131 = arith.constant 0 : i32
        %dma_start3A_132 = tpu.memref_slice %arg9[%mul3A_126, %dma_start3A_131] : memref<10000x128xf32, #tpu.memory_space<vmem_shared>> -> memref<80x128xf32, #tpu.memory_space<vmem_shared>>
        %dma_start3A_133 = arith.constant 0 : i32
        %dma_start3A_134 = arith.constant 0 : i32
        %dma_start3A_135 = tpu.memref_slice %arg8[%dma_start3A_133, %dma_start3A_134] : memref<80x128xf32, #tpu.memory_space<vmem>> -> memref<80x128xf32, #tpu.memory_space<vmem>>
        tpu.enqueue_dma source(%dma_start3A_135 : memref<80x128xf32, #tpu.memory_space<vmem>>) target(%dma_start3A_132 : memref<80x128xf32, #tpu.memory_space<vmem_shared>>) target_semaphore(%run_scoped3A : memref<!tpu.dma_semaphore, #tpu.memory_space<semaphore_mem>>)
        %dma_wait3A = arith.constant 0 : i32
        %dma_wait3A_136 = arith.constant 0 : i32
        %dma_wait3A_137 = tpu.memref_slice %arg8[%dma_wait3A, %dma_wait3A_136] : memref<80x128xf32, #tpu.memory_space<vmem>> -> memref<80x128xf32, #tpu.memory_space<vmem>>
        %dma_wait3A_138 = arith.constant 0 : i32
        %dma_wait3A_139 = tpu.memref_slice %arg9[%mul3A_126, %dma_wait3A_138] : memref<10000x128xf32, #tpu.memory_space<vmem_shared>> -> memref<80x128xf32, #tpu.memory_space<vmem_shared>>
        %dma_wait3A_140 = arith.constant 0 : i32
        %dma_wait3A_141 = tpu.memref_slice %arg9[%mul3A_126, %dma_wait3A_140] : memref<10000x128xf32, #tpu.memory_space<vmem_shared>> -> memref<80x128xf32, #tpu.memory_space<vmem_shared>>
        %dma_wait3A_142 = arith.constant 0 : i32
        %dma_wait3A_143 = arith.constant 0 : i32
        %dma_wait3A_144 = tpu.memref_slice %arg8[%dma_wait3A_142, %dma_wait3A_143] : memref<80x128xf32, #tpu.memory_space<vmem>> -> memref<80x128xf32, #tpu.memory_space<vmem>>
        tpu.wait_dma2 semaphore(%run_scoped3A : memref<!tpu.dma_semaphore, #tpu.memory_space<semaphore_mem>>) src(%dma_wait3A_144 : memref<80x128xf32, #tpu.memory_space<vmem>>) dst(%dma_wait3A_141 : memref<80x128xf32, #tpu.memory_space<vmem_shared>>)
        tpu.yield
      }) : () -> ()
    } else {
    }
    %add3A_29 = arith.constant 64 : i32
    %add3A_30 = arith.addi %arg1, %add3A_29 : i32
    %lt3A_31 = arith.constant 125 : i32
    %lt3A_32 = arith.cmpi slt, %add3A_30, %lt3A_31 : i32
    %convert_element_type3A_33 = arith.extui %lt3A_32 : i1 to i32
    %cond3A_34 = arith.constant 0 : i32
    %cond3A_35 = arith.cmpi ne, %convert_element_type3A_33, %cond3A_34 : i32
    scf.if %cond3A_35 {
      %mul3A_125 = arith.constant 80 : i32
      %mul3A_126 = arith.muli %add3A_30, %mul3A_125 : i32
      "tpu.region"() ({
        %run_scoped3A = tpu.sem_alloc : memref<!tpu.dma_semaphore, #tpu.memory_space<semaphore_mem>>
        %dma_start3A = arith.constant 0 : i32
        %dma_start3A_127 = arith.constant 0 : i32
        %dma_start3A_128 = tpu.memref_slice %arg8[%dma_start3A, %dma_start3A_127] : memref<80x128xf32, #tpu.memory_space<vmem>> -> memref<80x128xf32, #tpu.memory_space<vmem>>
        %dma_start3A_129 = arith.constant 0 : i32
        %dma_start3A_130 = tpu.memref_slice %arg9[%mul3A_126, %dma_start3A_129] : memref<10000x128xf32, #tpu.memory_space<vmem_shared>> -> memref<80x128xf32, #tpu.memory_space<vmem_shared>>
        %dma_start3A_131 = arith.constant 0 : i32
        %dma_start3A_132 = tpu.memref_slice %arg9[%mul3A_126, %dma_start3A_131] : memref<10000x128xf32, #tpu.memory_space<vmem_shared>> -> memref<80x128xf32, #tpu.memory_space<vmem_shared>>
        %dma_start3A_133 = arith.constant 0 : i32
        %dma_start3A_134 = arith.constant 0 : i32
        %dma_start3A_135 = tpu.memref_slice %arg8[%dma_start3A_133, %dma_start3A_134] : memref<80x128xf32, #tpu.memory_space<vmem>> -> memref<80x128xf32, #tpu.memory_space<vmem>>
        tpu.enqueue_dma source(%dma_start3A_135 : memref<80x128xf32, #tpu.memory_space<vmem>>) target(%dma_start3A_132 : memref<80x128xf32, #tpu.memory_space<vmem_shared>>) target_semaphore(%run_scoped3A : memref<!tpu.dma_semaphore, #tpu.memory_space<semaphore_mem>>)
        %dma_wait3A = arith.constant 0 : i32
        %dma_wait3A_136 = arith.constant 0 : i32
        %dma_wait3A_137 = tpu.memref_slice %arg8[%dma_wait3A, %dma_wait3A_136] : memref<80x128xf32, #tpu.memory_space<vmem>> -> memref<80x128xf32, #tpu.memory_space<vmem>>
        %dma_wait3A_138 = arith.constant 0 : i32
        %dma_wait3A_139 = tpu.memref_slice %arg9[%mul3A_126, %dma_wait3A_138] : memref<10000x128xf32, #tpu.memory_space<vmem_shared>> -> memref<80x128xf32, #tpu.memory_space<vmem_shared>>
        %dma_wait3A_140 = arith.constant 0 : i32
        %dma_wait3A_141 = tpu.memref_slice %arg9[%mul3A_126, %dma_wait3A_140] : memref<10000x128xf32, #tpu.memory_space<vmem_shared>> -> memref<80x128xf32, #tpu.memory_space<vmem_shared>>
        %dma_wait3A_142 = arith.constant 0 : i32
        %dma_wait3A_143 = arith.constant 0 : i32
        %dma_wait3A_144 = tpu.memref_slice %arg8[%dma_wait3A_142, %dma_wait3A_143] : memref<80x128xf32, #tpu.memory_space<vmem>> -> memref<80x128xf32, #tpu.memory_space<vmem>>
        tpu.wait_dma2 semaphore(%run_scoped3A : memref<!tpu.dma_semaphore, #tpu.memory_space<semaphore_mem>>) src(%dma_wait3A_144 : memref<80x128xf32, #tpu.memory_space<vmem>>) dst(%dma_wait3A_141 : memref<80x128xf32, #tpu.memory_space<vmem_shared>>)
        tpu.yield
      }) : () -> ()
    } else {
    }
    %add3A_36 = arith.constant 80 : i32
    %add3A_37 = arith.addi %arg1, %add3A_36 : i32
    %lt3A_38 = arith.constant 125 : i32
    %lt3A_39 = arith.cmpi slt, %add3A_37, %lt3A_38 : i32
    %convert_element_type3A_40 = arith.extui %lt3A_39 : i1 to i32
    %cond3A_41 = arith.constant 0 : i32
    %cond3A_42 = arith.cmpi ne, %convert_element_type3A_40, %cond3A_41 : i32
    scf.if %cond3A_42 {
      %mul3A_125 = arith.constant 80 : i32
      %mul3A_126 = arith.muli %add3A_37, %mul3A_125 : i32
      "tpu.region"() ({
        %run_scoped3A = tpu.sem_alloc : memref<!tpu.dma_semaphore, #tpu.memory_space<semaphore_mem>>
        %dma_start3A = arith.constant 0 : i32
        %dma_start3A_127 = arith.constant 0 : i32
        %dma_start3A_128 = tpu.memref_slice %arg8[%dma_start3A, %dma_start3A_127] : memref<80x128xf32, #tpu.memory_space<vmem>> -> memref<80x128xf32, #tpu.memory_space<vmem>>
        %dma_start3A_129 = arith.constant 0 : i32
        %dma_start3A_130 = tpu.memref_slice %arg9[%mul3A_126, %dma_start3A_129] : memref<10000x128xf32, #tpu.memory_space<vmem_shared>> -> memref<80x128xf32, #tpu.memory_space<vmem_shared>>
        %dma_start3A_131 = arith.constant 0 : i32
        %dma_start3A_132 = tpu.memref_slice %arg9[%mul3A_126, %dma_start3A_131] : memref<10000x128xf32, #tpu.memory_space<vmem_shared>> -> memref<80x128xf32, #tpu.memory_space<vmem_shared>>
        %dma_start3A_133 = arith.constant 0 : i32
        %dma_start3A_134 = arith.constant 0 : i32
        %dma_start3A_135 = tpu.memref_slice %arg8[%dma_start3A_133, %dma_start3A_134] : memref<80x128xf32, #tpu.memory_space<vmem>> -> memref<80x128xf32, #tpu.memory_space<vmem>>
        tpu.enqueue_dma source(%dma_start3A_135 : memref<80x128xf32, #tpu.memory_space<vmem>>) target(%dma_start3A_132 : memref<80x128xf32, #tpu.memory_space<vmem_shared>>) target_semaphore(%run_scoped3A : memref<!tpu.dma_semaphore, #tpu.memory_space<semaphore_mem>>)
        %dma_wait3A = arith.constant 0 : i32
        %dma_wait3A_136 = arith.constant 0 : i32
        %dma_wait3A_137 = tpu.memref_slice %arg8[%dma_wait3A, %dma_wait3A_136] : memref<80x128xf32, #tpu.memory_space<vmem>> -> memref<80x128xf32, #tpu.memory_space<vmem>>
        %dma_wait3A_138 = arith.constant 0 : i32
        %dma_wait3A_139 = tpu.memref_slice %arg9[%mul3A_126, %dma_wait3A_138] : memref<10000x128xf32, #tpu.memory_space<vmem_shared>> -> memref<80x128xf32, #tpu.memory_space<vmem_shared>>
        %dma_wait3A_140 = arith.constant 0 : i32
        %dma_wait3A_141 = tpu.memref_slice %arg9[%mul3A_126, %dma_wait3A_140] : memref<10000x128xf32, #tpu.memory_space<vmem_shared>> -> memref<80x128xf32, #tpu.memory_space<vmem_shared>>
        %dma_wait3A_142 = arith.constant 0 : i32
        %dma_wait3A_143 = arith.constant 0 : i32
        %dma_wait3A_144 = tpu.memref_slice %arg8[%dma_wait3A_142, %dma_wait3A_143] : memref<80x128xf32, #tpu.memory_space<vmem>> -> memref<80x128xf32, #tpu.memory_space<vmem>>
        tpu.wait_dma2 semaphore(%run_scoped3A : memref<!tpu.dma_semaphore, #tpu.memory_space<semaphore_mem>>) src(%dma_wait3A_144 : memref<80x128xf32, #tpu.memory_space<vmem>>) dst(%dma_wait3A_141 : memref<80x128xf32, #tpu.memory_space<vmem_shared>>)
        tpu.yield
      }) : () -> ()
    } else {
    }
    %add3A_43 = arith.constant 96 : i32
    %add3A_44 = arith.addi %arg1, %add3A_43 : i32
    %lt3A_45 = arith.constant 125 : i32
    %lt3A_46 = arith.cmpi slt, %add3A_44, %lt3A_45 : i32
    %convert_element_type3A_47 = arith.extui %lt3A_46 : i1 to i32
    %cond3A_48 = arith.constant 0 : i32
    %cond3A_49 = arith.cmpi ne, %convert_element_type3A_47, %cond3A_48 : i32
    scf.if %cond3A_49 {
      %mul3A_125 = arith.constant 80 : i32
      %mul3A_126 = arith.muli %add3A_44, %mul3A_125 : i32
      "tpu.region"() ({
        %run_scoped3A = tpu.sem_alloc : memref<!tpu.dma_semaphore, #tpu.memory_space<semaphore_mem>>
        %dma_start3A = arith.constant 0 : i32
        %dma_start3A_127 = arith.constant 0 : i32
        %dma_start3A_128 = tpu.memref_slice %arg8[%dma_start3A, %dma_start3A_127] : memref<80x128xf32, #tpu.memory_space<vmem>> -> memref<80x128xf32, #tpu.memory_space<vmem>>
        %dma_start3A_129 = arith.constant 0 : i32
        %dma_start3A_130 = tpu.memref_slice %arg9[%mul3A_126, %dma_start3A_129] : memref<10000x128xf32, #tpu.memory_space<vmem_shared>> -> memref<80x128xf32, #tpu.memory_space<vmem_shared>>
        %dma_start3A_131 = arith.constant 0 : i32
        %dma_start3A_132 = tpu.memref_slice %arg9[%mul3A_126, %dma_start3A_131] : memref<10000x128xf32, #tpu.memory_space<vmem_shared>> -> memref<80x128xf32, #tpu.memory_space<vmem_shared>>
        %dma_start3A_133 = arith.constant 0 : i32
        %dma_start3A_134 = arith.constant 0 : i32
        %dma_start3A_135 = tpu.memref_slice %arg8[%dma_start3A_133, %dma_start3A_134] : memref<80x128xf32, #tpu.memory_space<vmem>> -> memref<80x128xf32, #tpu.memory_space<vmem>>
        tpu.enqueue_dma source(%dma_start3A_135 : memref<80x128xf32, #tpu.memory_space<vmem>>) target(%dma_start3A_132 : memref<80x128xf32, #tpu.memory_space<vmem_shared>>) target_semaphore(%run_scoped3A : memref<!tpu.dma_semaphore, #tpu.memory_space<semaphore_mem>>)
        %dma_wait3A = arith.constant 0 : i32
        %dma_wait3A_136 = arith.constant 0 : i32
        %dma_wait3A_137 = tpu.memref_slice %arg8[%dma_wait3A, %dma_wait3A_136] : memref<80x128xf32, #tpu.memory_space<vmem>> -> memref<80x128xf32, #tpu.memory_space<vmem>>
        %dma_wait3A_138 = arith.constant 0 : i32
        %dma_wait3A_139 = tpu.memref_slice %arg9[%mul3A_126, %dma_wait3A_138] : memref<10000x128xf32, #tpu.memory_space<vmem_shared>> -> memref<80x128xf32, #tpu.memory_space<vmem_shared>>
        %dma_wait3A_140 = arith.constant 0 : i32
        %dma_wait3A_141 = tpu.memref_slice %arg9[%mul3A_126, %dma_wait3A_140] : memref<10000x128xf32, #tpu.memory_space<vmem_shared>> -> memref<80x128xf32, #tpu.memory_space<vmem_shared>>
        %dma_wait3A_142 = arith.constant 0 : i32
        %dma_wait3A_143 = arith.constant 0 : i32
        %dma_wait3A_144 = tpu.memref_slice %arg8[%dma_wait3A_142, %dma_wait3A_143] : memref<80x128xf32, #tpu.memory_space<vmem>> -> memref<80x128xf32, #tpu.memory_space<vmem>>
        tpu.wait_dma2 semaphore(%run_scoped3A : memref<!tpu.dma_semaphore, #tpu.memory_space<semaphore_mem>>) src(%dma_wait3A_144 : memref<80x128xf32, #tpu.memory_space<vmem>>) dst(%dma_wait3A_141 : memref<80x128xf32, #tpu.memory_space<vmem_shared>>)
        tpu.yield
      }) : () -> ()
    } else {
    }
    %add3A_50 = arith.constant 112 : i32
    %add3A_51 = arith.addi %arg1, %add3A_50 : i32
    %lt3A_52 = arith.constant 125 : i32
    %lt3A_53 = arith.cmpi slt, %add3A_51, %lt3A_52 : i32
    %convert_element_type3A_54 = arith.extui %lt3A_53 : i1 to i32
    %cond3A_55 = arith.constant 0 : i32
    %cond3A_56 = arith.cmpi ne, %convert_element_type3A_54, %cond3A_55 : i32
    scf.if %cond3A_56 {
      %mul3A_125 = arith.constant 80 : i32
      %mul3A_126 = arith.muli %add3A_51, %mul3A_125 : i32
      "tpu.region"() ({
        %run_scoped3A = tpu.sem_alloc : memref<!tpu.dma_semaphore, #tpu.memory_space<semaphore_mem>>
        %dma_start3A = arith.constant 0 : i32
        %dma_start3A_127 = arith.constant 0 : i32
        %dma_start3A_128 = tpu.memref_slice %arg8[%dma_start3A, %dma_start3A_127] : memref<80x128xf32, #tpu.memory_space<vmem>> -> memref<80x128xf32, #tpu.memory_space<vmem>>
        %dma_start3A_129 = arith.constant 0 : i32
        %dma_start3A_130 = tpu.memref_slice %arg9[%mul3A_126, %dma_start3A_129] : memref<10000x128xf32, #tpu.memory_space<vmem_shared>> -> memref<80x128xf32, #tpu.memory_space<vmem_shared>>
        %dma_start3A_131 = arith.constant 0 : i32
        %dma_start3A_132 = tpu.memref_slice %arg9[%mul3A_126, %dma_start3A_131] : memref<10000x128xf32, #tpu.memory_space<vmem_shared>> -> memref<80x128xf32, #tpu.memory_space<vmem_shared>>
        %dma_start3A_133 = arith.constant 0 : i32
        %dma_start3A_134 = arith.constant 0 : i32
        %dma_start3A_135 = tpu.memref_slice %arg8[%dma_start3A_133, %dma_start3A_134] : memref<80x128xf32, #tpu.memory_space<vmem>> -> memref<80x128xf32, #tpu.memory_space<vmem>>
        tpu.enqueue_dma source(%dma_start3A_135 : memref<80x128xf32, #tpu.memory_space<vmem>>) target(%dma_start3A_132 : memref<80x128xf32, #tpu.memory_space<vmem_shared>>) target_semaphore(%run_scoped3A : memref<!tpu.dma_semaphore, #tpu.memory_space<semaphore_mem>>)
        %dma_wait3A = arith.constant 0 : i32
        %dma_wait3A_136 = arith.constant 0 : i32
        %dma_wait3A_137 = tpu.memref_slice %arg8[%dma_wait3A, %dma_wait3A_136] : memref<80x128xf32, #tpu.memory_space<vmem>> -> memref<80x128xf32, #tpu.memory_space<vmem>>
        %dma_wait3A_138 = arith.constant 0 : i32
        %dma_wait3A_139 = tpu.memref_slice %arg9[%mul3A_126, %dma_wait3A_138] : memref<10000x128xf32, #tpu.memory_space<vmem_shared>> -> memref<80x128xf32, #tpu.memory_space<vmem_shared>>
        %dma_wait3A_140 = arith.constant 0 : i32
        %dma_wait3A_141 = tpu.memref_slice %arg9[%mul3A_126, %dma_wait3A_140] : memref<10000x128xf32, #tpu.memory_space<vmem_shared>> -> memref<80x128xf32, #tpu.memory_space<vmem_shared>>
        %dma_wait3A_142 = arith.constant 0 : i32
        %dma_wait3A_143 = arith.constant 0 : i32
        %dma_wait3A_144 = tpu.memref_slice %arg8[%dma_wait3A_142, %dma_wait3A_143] : memref<80x128xf32, #tpu.memory_space<vmem>> -> memref<80x128xf32, #tpu.memory_space<vmem>>
        tpu.wait_dma2 semaphore(%run_scoped3A : memref<!tpu.dma_semaphore, #tpu.memory_space<semaphore_mem>>) src(%dma_wait3A_144 : memref<80x128xf32, #tpu.memory_space<vmem>>) dst(%dma_wait3A_141 : memref<80x128xf32, #tpu.memory_space<vmem_shared>>)
        tpu.yield
      }) : () -> ()
    } else {
    }
    "tpu.region"() ({
      %run_scoped3A = tpu.sem_alloc : memref<!tpu.dma_semaphore, #tpu.memory_space<semaphore_mem>>
      %dma_start3A = arith.constant 0 : i32
      %dma_start3A_125 = arith.constant 0 : i32
      %dma_start3A_126 = tpu.memref_slice %arg3[%arg1, %dma_start3A, %dma_start3A_125] : memref<16x125x80xi32, #tpu.memory_space<hbm>> -> memref<1x125x80xi32, #tpu.memory_space<hbm>>
      %dma_start3A_127 = tpu.memref_squeeze %dma_start3A_126 : memref<1x125x80xi32, #tpu.memory_space<hbm>> -> memref<125x80xi32, #tpu.memory_space<hbm>>
      %dma_start3A_128 = arith.constant 0 : i32
      %dma_start3A_129 = arith.constant 0 : i32
      %dma_start3A_130 = tpu.memref_slice %arg3[%arg1, %dma_start3A_128, %dma_start3A_129] : memref<16x125x80xi32, #tpu.memory_space<hbm>> -> memref<1x125x80xi32, #tpu.memory_space<hbm>>
      %dma_start3A_131 = tpu.memref_squeeze %dma_start3A_130 : memref<1x125x80xi32, #tpu.memory_space<hbm>> -> memref<125x80xi32, #tpu.memory_space<hbm>>
      tpu.enqueue_dma source(%dma_start3A_131 : memref<125x80xi32, #tpu.memory_space<hbm>>) target(%arg6 : memref<125x80xi32, #tpu.memory_space<vmem>>) target_semaphore(%run_scoped3A : memref<!tpu.dma_semaphore, #tpu.memory_space<semaphore_mem>>)
      %dma_wait3A = arith.constant 0 : i32
      %dma_wait3A_132 = arith.constant 0 : i32
      %dma_wait3A_133 = tpu.memref_slice %arg3[%arg1, %dma_wait3A, %dma_wait3A_132] : memref<16x125x80xi32, #tpu.memory_space<hbm>> -> memref<1x125x80xi32, #tpu.memory_space<hbm>>
      %dma_wait3A_134 = tpu.memref_squeeze %dma_wait3A_133 : memref<1x125x80xi32, #tpu.memory_space<hbm>> -> memref<125x80xi32, #tpu.memory_space<hbm>>
      %dma_wait3A_135 = arith.constant 0 : i32
      %dma_wait3A_136 = arith.constant 0 : i32
      %dma_wait3A_137 = tpu.memref_slice %arg3[%arg1, %dma_wait3A_135, %dma_wait3A_136] : memref<16x125x80xi32, #tpu.memory_space<hbm>> -> memref<1x125x80xi32, #tpu.memory_space<hbm>>
      %dma_wait3A_138 = tpu.memref_squeeze %dma_wait3A_137 : memref<1x125x80xi32, #tpu.memory_space<hbm>> -> memref<125x80xi32, #tpu.memory_space<hbm>>
      tpu.wait_dma2 semaphore(%run_scoped3A : memref<!tpu.dma_semaphore, #tpu.memory_space<semaphore_mem>>) src(%dma_wait3A_138 : memref<125x80xi32, #tpu.memory_space<hbm>>) dst(%arg6 : memref<125x80xi32, #tpu.memory_space<vmem>>)
      tpu.yield
    }) : () -> ()
    "tpu.region"() ({
      %run_scoped3A = tpu.sem_alloc : memref<!tpu.dma_semaphore, #tpu.memory_space<semaphore_mem>>
      %dma_start3A = arith.constant 0 : i32
      %dma_start3A_125 = arith.constant 0 : i32
      %dma_start3A_126 = tpu.memref_slice %arg4[%arg1, %dma_start3A, %dma_start3A_125] : memref<16x125x80xi32, #tpu.memory_space<hbm>> -> memref<1x125x80xi32, #tpu.memory_space<hbm>>
      %dma_start3A_127 = tpu.memref_squeeze %dma_start3A_126 : memref<1x125x80xi32, #tpu.memory_space<hbm>> -> memref<125x80xi32, #tpu.memory_space<hbm>>
      %dma_start3A_128 = arith.constant 0 : i32
      %dma_start3A_129 = arith.constant 0 : i32
      %dma_start3A_130 = tpu.memref_slice %arg4[%arg1, %dma_start3A_128, %dma_start3A_129] : memref<16x125x80xi32, #tpu.memory_space<hbm>> -> memref<1x125x80xi32, #tpu.memory_space<hbm>>
      %dma_start3A_131 = tpu.memref_squeeze %dma_start3A_130 : memref<1x125x80xi32, #tpu.memory_space<hbm>> -> memref<125x80xi32, #tpu.memory_space<hbm>>
      tpu.enqueue_dma source(%dma_start3A_131 : memref<125x80xi32, #tpu.memory_space<hbm>>) target(%arg7 : memref<125x80xi32, #tpu.memory_space<vmem>>) target_semaphore(%run_scoped3A : memref<!tpu.dma_semaphore, #tpu.memory_space<semaphore_mem>>)
      %dma_wait3A = arith.constant 0 : i32
      %dma_wait3A_132 = arith.constant 0 : i32
      %dma_wait3A_133 = tpu.memref_slice %arg4[%arg1, %dma_wait3A, %dma_wait3A_132] : memref<16x125x80xi32, #tpu.memory_space<hbm>> -> memref<1x125x80xi32, #tpu.memory_space<hbm>>
      %dma_wait3A_134 = tpu.memref_squeeze %dma_wait3A_133 : memref<1x125x80xi32, #tpu.memory_space<hbm>> -> memref<125x80xi32, #tpu.memory_space<hbm>>
      %dma_wait3A_135 = arith.constant 0 : i32
      %dma_wait3A_136 = arith.constant 0 : i32
      %dma_wait3A_137 = tpu.memref_slice %arg4[%arg1, %dma_wait3A_135, %dma_wait3A_136] : memref<16x125x80xi32, #tpu.memory_space<hbm>> -> memref<1x125x80xi32, #tpu.memory_space<hbm>>
      %dma_wait3A_138 = tpu.memref_squeeze %dma_wait3A_137 : memref<1x125x80xi32, #tpu.memory_space<hbm>> -> memref<125x80xi32, #tpu.memory_space<hbm>>
      tpu.wait_dma2 semaphore(%run_scoped3A : memref<!tpu.dma_semaphore, #tpu.memory_space<semaphore_mem>>) src(%dma_wait3A_138 : memref<125x80xi32, #tpu.memory_space<hbm>>) dst(%arg7 : memref<125x80xi32, #tpu.memory_space<vmem>>)
      tpu.yield
    }) : () -> ()
    %mul3A = arith.constant 10000 : i32
    %mul3A_57 = arith.muli %arg0, %mul3A : i32
    %scan3A_58 = arith.constant 0 : i32
    %scan3A_59 = arith.constant 125 : i32
    %scan3A_60 = arith.addi %scan3A_58, %scan3A_59 : i32
    %scan3A_61 = arith.constant 1 : i32
    scf.for %scan3A_125 = %scan3A_58 to %scan3A_60 step %scan3A_61  : i32 {
      %scan3A_126 = arith.constant 0 : i32
      %scan3A_127 = arith.constant 5 : i32
      %scan3A_128 = arith.addi %scan3A_126, %scan3A_127 : i32
      %scan3A_129 = arith.constant 1 : i32
      scf.for %scan3A_131 = %scan3A_126 to %scan3A_128 step %scan3A_129  : i32 {
        %mul3A_132 = arith.constant 16 : i32
        %mul3A_133 = arith.muli %scan3A_131, %mul3A_132 : i32
        %get3A = arith.index_cast %scan3A_125 : i32 to index
        %get3A_134 = arith.index_cast %mul3A_133 : i32 to index
        %get3A_135 = tpu.vector_load %arg6[%get3A, %get3A_134] {strides = array<i32>} : memref<125x80xi32, #tpu.memory_space<vmem>>, vector<1x16xi32>,
        %get3A_136 = vector.shape_cast %get3A_135 : vector<1x16xi32> to vector<16xi32>
        %add3A_137 = vector.broadcast %mul3A_57 : i32 to vector<16xi32>
        %add3A_138 = arith.addi %get3A_136, %add3A_137 : vector<16xi32>
        %mul3A_139 = arith.constant 16 : i32
        %mul3A_140 = arith.muli %scan3A_131, %mul3A_139 : i32
        %swap3A = arith.index_cast %scan3A_125 : i32 to index
        %swap3A_141 = arith.index_cast %mul3A_140 : i32 to index
        %swap3A_142 = tpu.vector_load %arg6[%swap3A, %swap3A_141] {strides = array<i32>} : memref<125x80xi32, #tpu.memory_space<vmem>>, vector<1x16xi32>,
        %swap3A_143 = vector.shape_cast %swap3A_142 : vector<1x16xi32> to vector<16xi32>
        %swap3A_144 = vector.shape_cast %add3A_138 : vector<16xi32> to vector<1x16xi32>
        tpu.vector_store %arg6[%swap3A, %swap3A_141], %swap3A_144 {strides = array<i32>} : memref<125x80xi32, #tpu.memory_space<vmem>>, vector<1x16xi32>,
      }
      %scan3A_130 = arith.constant 5 : i32
    }
    %scan3A_62 = arith.constant 125 : i32
    %barrier3A = arith.constant 0 : index
    tpu.barrier barrier_id(%barrier3A)
    %scan3A_63 = arith.constant 0 : i32
    %scan3A_64 = arith.constant 125 : i32
    %scan3A_65 = arith.addi %scan3A_63, %scan3A_64 : i32
    %scan3A_66 = arith.constant 1 : i32
    scf.for %scan3A_125 = %scan3A_63 to %scan3A_65 step %scan3A_66  : i32 {
      %dma_start3A = arith.constant 0 : i32
      %dma_start3A_126 = tpu.memref_slice %arg6[%scan3A_125, %dma_start3A] : memref<125x80xi32, #tpu.memory_space<vmem>> -> memref<1x80xi32, #tpu.memory_space<vmem>>
      %dma_start3A_127 = tpu.memref_squeeze %dma_start3A_126 : memref<1x80xi32, #tpu.memory_space<vmem>> -> memref<80xi32, #tpu.memory_space<vmem>>
      %dma_start3A_128 = arith.constant 0 : i32
      %dma_start3A_129 = arith.constant 0 : i32
      %dma_start3A_130 = tpu.memref_slice %arg2[%dma_start3A_128, %dma_start3A_129] : memref<20000x128xf32, #tpu.memory_space<hbm>> -> memref<20000x128xf32, #tpu.memory_space<hbm>>
      tpu.enqueue_indirect_dma source(%dma_start3A_130 : memref<20000x128xf32, #tpu.memory_space<hbm>>) target(%arg8 : memref<80x128xf32, #tpu.memory_space<vmem>>) offsets(%dma_start3A_127 : memref<80xi32, #tpu.memory_space<vmem>>) semaphore(%arg10 : memref<!tpu.dma_semaphore, #tpu.memory_space<semaphore_mem>>)
      %dma_wait3A = arith.constant 0 : i32
      %dma_wait3A_131 = tpu.memref_slice %arg6[%scan3A_125, %dma_wait3A] : memref<125x80xi32, #tpu.memory_space<vmem>> -> memref<1x80xi32, #tpu.memory_space<vmem>>
      %dma_wait3A_132 = tpu.memref_squeeze %dma_wait3A_131 : memref<1x80xi32, #tpu.memory_space<vmem>> -> memref<80xi32, #tpu.memory_space<vmem>>
      %dma_wait3A_133 = arith.constant 0 : i32
      %dma_wait3A_134 = arith.constant 0 : i32
      %dma_wait3A_135 = tpu.memref_slice %arg2[%dma_wait3A_133, %dma_wait3A_134] : memref<20000x128xf32, #tpu.memory_space<hbm>> -> memref<20000x128xf32, #tpu.memory_space<hbm>>
      tpu.wait_indirect_dma semaphore(%arg10 : memref<!tpu.dma_semaphore, #tpu.memory_space<semaphore_mem>>) src(%dma_wait3A_135 : memref<20000x128xf32, #tpu.memory_space<hbm>>) dst(%arg8 : memref<80x128xf32, #tpu.memory_space<vmem>>)
      "tpu.region"() ({
        %run_scoped3A = tpu.sem_alloc : memref<!tpu.dma_semaphore, #tpu.memory_space<semaphore_mem>>
        %dma_start3A_136 = arith.constant 0 : i32
        %dma_start3A_137 = tpu.memref_slice %arg7[%scan3A_125, %dma_start3A_136] : memref<125x80xi32, #tpu.memory_space<vmem>> -> memref<1x80xi32, #tpu.memory_space<vmem>>
        %dma_start3A_138 = tpu.memref_squeeze %dma_start3A_137 : memref<1x80xi32, #tpu.memory_space<vmem>> -> memref<80xi32, #tpu.memory_space<vmem>>
        %dma_start3A_139 = arith.constant 0 : i32
        %dma_start3A_140 = arith.constant 0 : i32
        %dma_start3A_141 = tpu.memref_slice %arg9[%dma_start3A_139, %dma_start3A_140] : memref<10000x128xf32, #tpu.memory_space<vmem_shared>> -> memref<10000x128xf32, #tpu.memory_space<vmem_shared>>
        tpu.enqueue_indirect_dma source(%arg8 : memref<80x128xf32, #tpu.memory_space<vmem>>) target(%dma_start3A_141 : memref<10000x128xf32, #tpu.memory_space<vmem_shared>>) offsets(%dma_start3A_138 : memref<80xi32, #tpu.memory_space<vmem>>) semaphore(%run_scoped3A : memref<!tpu.dma_semaphore, #tpu.memory_space<semaphore_mem>>) {add = true}
        %dma_wait3A_142 = arith.constant 0 : i32
        %dma_wait3A_143 = tpu.memref_slice %arg7[%scan3A_125, %dma_wait3A_142] : memref<125x80xi32, #tpu.memory_space<vmem>> -> memref<1x80xi32, #tpu.memory_space<vmem>>
        %dma_wait3A_144 = tpu.memref_squeeze %dma_wait3A_143 : memref<1x80xi32, #tpu.memory_space<vmem>> -> memref<80xi32, #tpu.memory_space<vmem>>
        %dma_wait3A_145 = arith.constant 0 : i32
        %dma_wait3A_146 = arith.constant 0 : i32
        %dma_wait3A_147 = tpu.memref_slice %arg9[%dma_wait3A_145, %dma_wait3A_146] : memref<10000x128xf32, #tpu.memory_space<vmem_shared>> -> memref<10000x128xf32, #tpu.memory_space<vmem_shared>>
        tpu.wait_indirect_dma semaphore(%run_scoped3A : memref<!tpu.dma_semaphore, #tpu.memory_space<semaphore_mem>>) src(%arg8 : memref<80x128xf32, #tpu.memory_space<vmem>>) dst(%dma_wait3A_147 : memref<10000x128xf32, #tpu.memory_space<vmem_shared>>)
        tpu.yield
      }) : () -> ()
    }
    %scan3A_67 = arith.constant 125 : i32
    %barrier3A_68 = arith.constant 0 : index
    tpu.barrier barrier_id(%barrier3A_68)
    %add3A_69 = arith.constant 0 : i32
    %add3A_70 = arith.addi %arg1, %add3A_69 : i32
    %lt3A_71 = arith.constant 125 : i32
    %lt3A_72 = arith.cmpi slt, %add3A_70, %lt3A_71 : i32
    %convert_element_type3A_73 = arith.extui %lt3A_72 : i1 to i32
    %cond3A_74 = arith.constant 0 : i32
    %cond3A_75 = arith.cmpi ne, %convert_element_type3A_73, %cond3A_74 : i32
    scf.if %cond3A_75 {
      %mul3A_125 = arith.constant 80 : i32
      %mul3A_126 = arith.muli %add3A_70, %mul3A_125 : i32
      %mul3A_127 = arith.constant 10000 : i32
      %mul3A_128 = arith.muli %arg0, %mul3A_127 : i32
      %mul3A_129 = arith.constant 80 : i32
      %mul3A_130 = arith.muli %add3A_70, %mul3A_129 : i32
      %add3A_131 = arith.addi %mul3A_128, %mul3A_130 : i32
      "tpu.region"() ({
        %run_scoped3A = tpu.sem_alloc : memref<!tpu.dma_semaphore, #tpu.memory_space<semaphore_mem>>
        %dma_start3A = arith.constant 0 : i32
        %dma_start3A_132 = tpu.memref_slice %arg5[%add3A_131, %dma_start3A] : memref<20000x128xf32, #tpu.memory_space<hbm>> -> memref<80x128xf32, #tpu.memory_space<hbm>>
        %dma_start3A_133 = arith.constant 0 : i32
        %dma_start3A_134 = tpu.memref_slice %arg9[%mul3A_126, %dma_start3A_133] : memref<10000x128xf32, #tpu.memory_space<vmem_shared>> -> memref<80x128xf32, #tpu.memory_space<vmem_shared>>
        tpu.enqueue_dma source(%dma_start3A_134 : memref<80x128xf32, #tpu.memory_space<vmem_shared>>) target(%dma_start3A_132 : memref<80x128xf32, #tpu.memory_space<hbm>>) target_semaphore(%run_scoped3A : memref<!tpu.dma_semaphore, #tpu.memory_space<semaphore_mem>>)
        %dma_wait3A = arith.constant 0 : i32
        %dma_wait3A_135 = tpu.memref_slice %arg5[%add3A_131, %dma_wait3A] : memref<20000x128xf32, #tpu.memory_space<hbm>> -> memref<80x128xf32, #tpu.memory_space<hbm>>
        %dma_wait3A_136 = arith.constant 0 : i32
        %dma_wait3A_137 = tpu.memref_slice %arg9[%mul3A_126, %dma_wait3A_136] : memref<10000x128xf32, #tpu.memory_space<vmem_shared>> -> memref<80x128xf32, #tpu.memory_space<vmem_shared>>
        tpu.wait_dma2 semaphore(%run_scoped3A : memref<!tpu.dma_semaphore, #tpu.memory_space<semaphore_mem>>) src(%dma_wait3A_137 : memref<80x128xf32, #tpu.memory_space<vmem_shared>>) dst(%dma_wait3A_135 : memref<80x128xf32, #tpu.memory_space<hbm>>)
        tpu.yield
      }) : () -> ()
    } else {
    }
    %add3A_76 = arith.constant 16 : i32
    %add3A_77 = arith.addi %arg1, %add3A_76 : i32
    %lt3A_78 = arith.constant 125 : i32
    %lt3A_79 = arith.cmpi slt, %add3A_77, %lt3A_78 : i32
    %convert_element_type3A_80 = arith.extui %lt3A_79 : i1 to i32
    %cond3A_81 = arith.constant 0 : i32
    %cond3A_82 = arith.cmpi ne, %convert_element_type3A_80, %cond3A_81 : i32
    scf.if %cond3A_82 {
      %mul3A_125 = arith.constant 80 : i32
      %mul3A_126 = arith.muli %add3A_77, %mul3A_125 : i32
      %mul3A_127 = arith.constant 10000 : i32
      %mul3A_128 = arith.muli %arg0, %mul3A_127 : i32
      %mul3A_129 = arith.constant 80 : i32
      %mul3A_130 = arith.muli %add3A_77, %mul3A_129 : i32
      %add3A_131 = arith.addi %mul3A_128, %mul3A_130 : i32
      "tpu.region"() ({
        %run_scoped3A = tpu.sem_alloc : memref<!tpu.dma_semaphore, #tpu.memory_space<semaphore_mem>>
        %dma_start3A = arith.constant 0 : i32
        %dma_start3A_132 = tpu.memref_slice %arg5[%add3A_131, %dma_start3A] : memref<20000x128xf32, #tpu.memory_space<hbm>> -> memref<80x128xf32, #tpu.memory_space<hbm>>
        %dma_start3A_133 = arith.constant 0 : i32
        %dma_start3A_134 = tpu.memref_slice %arg9[%mul3A_126, %dma_start3A_133] : memref<10000x128xf32, #tpu.memory_space<vmem_shared>> -> memref<80x128xf32, #tpu.memory_space<vmem_shared>>
        tpu.enqueue_dma source(%dma_start3A_134 : memref<80x128xf32, #tpu.memory_space<vmem_shared>>) target(%dma_start3A_132 : memref<80x128xf32, #tpu.memory_space<hbm>>) target_semaphore(%run_scoped3A : memref<!tpu.dma_semaphore, #tpu.memory_space<semaphore_mem>>)
        %dma_wait3A = arith.constant 0 : i32
        %dma_wait3A_135 = tpu.memref_slice %arg5[%add3A_131, %dma_wait3A] : memref<20000x128xf32, #tpu.memory_space<hbm>> -> memref<80x128xf32, #tpu.memory_space<hbm>>
        %dma_wait3A_136 = arith.constant 0 : i32
        %dma_wait3A_137 = tpu.memref_slice %arg9[%mul3A_126, %dma_wait3A_136] : memref<10000x128xf32, #tpu.memory_space<vmem_shared>> -> memref<80x128xf32, #tpu.memory_space<vmem_shared>>
        tpu.wait_dma2 semaphore(%run_scoped3A : memref<!tpu.dma_semaphore, #tpu.memory_space<semaphore_mem>>) src(%dma_wait3A_137 : memref<80x128xf32, #tpu.memory_space<vmem_shared>>) dst(%dma_wait3A_135 : memref<80x128xf32, #tpu.memory_space<hbm>>)
        tpu.yield
      }) : () -> ()
    } else {
    }
    %add3A_83 = arith.constant 32 : i32
    %add3A_84 = arith.addi %arg1, %add3A_83 : i32
    %lt3A_85 = arith.constant 125 : i32
    %lt3A_86 = arith.cmpi slt, %add3A_84, %lt3A_85 : i32
    %convert_element_type3A_87 = arith.extui %lt3A_86 : i1 to i32
    %cond3A_88 = arith.constant 0 : i32
    %cond3A_89 = arith.cmpi ne, %convert_element_type3A_87, %cond3A_88 : i32
    scf.if %cond3A_89 {
      %mul3A_125 = arith.constant 80 : i32
      %mul3A_126 = arith.muli %add3A_84, %mul3A_125 : i32
      %mul3A_127 = arith.constant 10000 : i32
      %mul3A_128 = arith.muli %arg0, %mul3A_127 : i32
      %mul3A_129 = arith.constant 80 : i32
      %mul3A_130 = arith.muli %add3A_84, %mul3A_129 : i32
      %add3A_131 = arith.addi %mul3A_128, %mul3A_130 : i32
      "tpu.region"() ({
        %run_scoped3A = tpu.sem_alloc : memref<!tpu.dma_semaphore, #tpu.memory_space<semaphore_mem>>
        %dma_start3A = arith.constant 0 : i32
        %dma_start3A_132 = tpu.memref_slice %arg5[%add3A_131, %dma_start3A] : memref<20000x128xf32, #tpu.memory_space<hbm>> -> memref<80x128xf32, #tpu.memory_space<hbm>>
        %dma_start3A_133 = arith.constant 0 : i32
        %dma_start3A_134 = tpu.memref_slice %arg9[%mul3A_126, %dma_start3A_133] : memref<10000x128xf32, #tpu.memory_space<vmem_shared>> -> memref<80x128xf32, #tpu.memory_space<vmem_shared>>
        tpu.enqueue_dma source(%dma_start3A_134 : memref<80x128xf32, #tpu.memory_space<vmem_shared>>) target(%dma_start3A_132 : memref<80x128xf32, #tpu.memory_space<hbm>>) target_semaphore(%run_scoped3A : memref<!tpu.dma_semaphore, #tpu.memory_space<semaphore_mem>>)
        %dma_wait3A = arith.constant 0 : i32
        %dma_wait3A_135 = tpu.memref_slice %arg5[%add3A_131, %dma_wait3A] : memref<20000x128xf32, #tpu.memory_space<hbm>> -> memref<80x128xf32, #tpu.memory_space<hbm>>
        %dma_wait3A_136 = arith.constant 0 : i32
        %dma_wait3A_137 = tpu.memref_slice %arg9[%mul3A_126, %dma_wait3A_136] : memref<10000x128xf32, #tpu.memory_space<vmem_shared>> -> memref<80x128xf32, #tpu.memory_space<vmem_shared>>
        tpu.wait_dma2 semaphore(%run_scoped3A : memref<!tpu.dma_semaphore, #tpu.memory_space<semaphore_mem>>) src(%dma_wait3A_137 : memref<80x128xf32, #tpu.memory_space<vmem_shared>>) dst(%dma_wait3A_135 : memref<80x128xf32, #tpu.memory_space<hbm>>)
        tpu.yield
      }) : () -> ()
    } else {
    }
    %add3A_90 = arith.constant 48 : i32
    %add3A_91 = arith.addi %arg1, %add3A_90 : i32
    %lt3A_92 = arith.constant 125 : i32
    %lt3A_93 = arith.cmpi slt, %add3A_91, %lt3A_92 : i32
    %convert_element_type3A_94 = arith.extui %lt3A_93 : i1 to i32
    %cond3A_95 = arith.constant 0 : i32
    %cond3A_96 = arith.cmpi ne, %convert_element_type3A_94, %cond3A_95 : i32
    scf.if %cond3A_96 {
      %mul3A_125 = arith.constant 80 : i32
      %mul3A_126 = arith.muli %add3A_91, %mul3A_125 : i32
      %mul3A_127 = arith.constant 10000 : i32
      %mul3A_128 = arith.muli %arg0, %mul3A_127 : i32
      %mul3A_129 = arith.constant 80 : i32
      %mul3A_130 = arith.muli %add3A_91, %mul3A_129 : i32
      %add3A_131 = arith.addi %mul3A_128, %mul3A_130 : i32
      "tpu.region"() ({
        %run_scoped3A = tpu.sem_alloc : memref<!tpu.dma_semaphore, #tpu.memory_space<semaphore_mem>>
        %dma_start3A = arith.constant 0 : i32
        %dma_start3A_132 = tpu.memref_slice %arg5[%add3A_131, %dma_start3A] : memref<20000x128xf32, #tpu.memory_space<hbm>> -> memref<80x128xf32, #tpu.memory_space<hbm>>
        %dma_start3A_133 = arith.constant 0 : i32
        %dma_start3A_134 = tpu.memref_slice %arg9[%mul3A_126, %dma_start3A_133] : memref<10000x128xf32, #tpu.memory_space<vmem_shared>> -> memref<80x128xf32, #tpu.memory_space<vmem_shared>>
        tpu.enqueue_dma source(%dma_start3A_134 : memref<80x128xf32, #tpu.memory_space<vmem_shared>>) target(%dma_start3A_132 : memref<80x128xf32, #tpu.memory_space<hbm>>) target_semaphore(%run_scoped3A : memref<!tpu.dma_semaphore, #tpu.memory_space<semaphore_mem>>)
        %dma_wait3A = arith.constant 0 : i32
        %dma_wait3A_135 = tpu.memref_slice %arg5[%add3A_131, %dma_wait3A] : memref<20000x128xf32, #tpu.memory_space<hbm>> -> memref<80x128xf32, #tpu.memory_space<hbm>>
        %dma_wait3A_136 = arith.constant 0 : i32
        %dma_wait3A_137 = tpu.memref_slice %arg9[%mul3A_126, %dma_wait3A_136] : memref<10000x128xf32, #tpu.memory_space<vmem_shared>> -> memref<80x128xf32, #tpu.memory_space<vmem_shared>>
        tpu.wait_dma2 semaphore(%run_scoped3A : memref<!tpu.dma_semaphore, #tpu.memory_space<semaphore_mem>>) src(%dma_wait3A_137 : memref<80x128xf32, #tpu.memory_space<vmem_shared>>) dst(%dma_wait3A_135 : memref<80x128xf32, #tpu.memory_space<hbm>>)
        tpu.yield
      }) : () -> ()
    } else {
    }
    %add3A_97 = arith.constant 64 : i32
    %add3A_98 = arith.addi %arg1, %add3A_97 : i32
    %lt3A_99 = arith.constant 125 : i32
    %lt3A_100 = arith.cmpi slt, %add3A_98, %lt3A_99 : i32
    %convert_element_type3A_101 = arith.extui %lt3A_100 : i1 to i32
    %cond3A_102 = arith.constant 0 : i32
    %cond3A_103 = arith.cmpi ne, %convert_element_type3A_101, %cond3A_102 : i32
    scf.if %cond3A_103 {
      %mul3A_125 = arith.constant 80 : i32
      %mul3A_126 = arith.muli %add3A_98, %mul3A_125 : i32
      %mul3A_127 = arith.constant 10000 : i32
      %mul3A_128 = arith.muli %arg0, %mul3A_127 : i32
      %mul3A_129 = arith.constant 80 : i32
      %mul3A_130 = arith.muli %add3A_98, %mul3A_129 : i32
      %add3A_131 = arith.addi %mul3A_128, %mul3A_130 : i32
      "tpu.region"() ({
        %run_scoped3A = tpu.sem_alloc : memref<!tpu.dma_semaphore, #tpu.memory_space<semaphore_mem>>
        %dma_start3A = arith.constant 0 : i32
        %dma_start3A_132 = tpu.memref_slice %arg5[%add3A_131, %dma_start3A] : memref<20000x128xf32, #tpu.memory_space<hbm>> -> memref<80x128xf32, #tpu.memory_space<hbm>>
        %dma_start3A_133 = arith.constant 0 : i32
        %dma_start3A_134 = tpu.memref_slice %arg9[%mul3A_126, %dma_start3A_133] : memref<10000x128xf32, #tpu.memory_space<vmem_shared>> -> memref<80x128xf32, #tpu.memory_space<vmem_shared>>
        tpu.enqueue_dma source(%dma_start3A_134 : memref<80x128xf32, #tpu.memory_space<vmem_shared>>) target(%dma_start3A_132 : memref<80x128xf32, #tpu.memory_space<hbm>>) target_semaphore(%run_scoped3A : memref<!tpu.dma_semaphore, #tpu.memory_space<semaphore_mem>>)
        %dma_wait3A = arith.constant 0 : i32
        %dma_wait3A_135 = tpu.memref_slice %arg5[%add3A_131, %dma_wait3A] : memref<20000x128xf32, #tpu.memory_space<hbm>> -> memref<80x128xf32, #tpu.memory_space<hbm>>
        %dma_wait3A_136 = arith.constant 0 : i32
        %dma_wait3A_137 = tpu.memref_slice %arg9[%mul3A_126, %dma_wait3A_136] : memref<10000x128xf32, #tpu.memory_space<vmem_shared>> -> memref<80x128xf32, #tpu.memory_space<vmem_shared>>
        tpu.wait_dma2 semaphore(%run_scoped3A : memref<!tpu.dma_semaphore, #tpu.memory_space<semaphore_mem>>) src(%dma_wait3A_137 : memref<80x128xf32, #tpu.memory_space<vmem_shared>>) dst(%dma_wait3A_135 : memref<80x128xf32, #tpu.memory_space<hbm>>)
        tpu.yield
      }) : () -> ()
    } else {
    }
    %add3A_104 = arith.constant 80 : i32
    %add3A_105 = arith.addi %arg1, %add3A_104 : i32
    %lt3A_106 = arith.constant 125 : i32
    %lt3A_107 = arith.cmpi slt, %add3A_105, %lt3A_106 : i32
    %convert_element_type3A_108 = arith.extui %lt3A_107 : i1 to i32
    %cond3A_109 = arith.constant 0 : i32
    %cond3A_110 = arith.cmpi ne, %convert_element_type3A_108, %cond3A_109 : i32
    scf.if %cond3A_110 {
      %mul3A_125 = arith.constant 80 : i32
      %mul3A_126 = arith.muli %add3A_105, %mul3A_125 : i32
      %mul3A_127 = arith.constant 10000 : i32
      %mul3A_128 = arith.muli %arg0, %mul3A_127 : i32
      %mul3A_129 = arith.constant 80 : i32
      %mul3A_130 = arith.muli %add3A_105, %mul3A_129 : i32
      %add3A_131 = arith.addi %mul3A_128, %mul3A_130 : i32
      "tpu.region"() ({
        %run_scoped3A = tpu.sem_alloc : memref<!tpu.dma_semaphore, #tpu.memory_space<semaphore_mem>>
        %dma_start3A = arith.constant 0 : i32
        %dma_start3A_132 = tpu.memref_slice %arg5[%add3A_131, %dma_start3A] : memref<20000x128xf32, #tpu.memory_space<hbm>> -> memref<80x128xf32, #tpu.memory_space<hbm>>
        %dma_start3A_133 = arith.constant 0 : i32
        %dma_start3A_134 = tpu.memref_slice %arg9[%mul3A_126, %dma_start3A_133] : memref<10000x128xf32, #tpu.memory_space<vmem_shared>> -> memref<80x128xf32, #tpu.memory_space<vmem_shared>>
        tpu.enqueue_dma source(%dma_start3A_134 : memref<80x128xf32, #tpu.memory_space<vmem_shared>>) target(%dma_start3A_132 : memref<80x128xf32, #tpu.memory_space<hbm>>) target_semaphore(%run_scoped3A : memref<!tpu.dma_semaphore, #tpu.memory_space<semaphore_mem>>)
        %dma_wait3A = arith.constant 0 : i32
        %dma_wait3A_135 = tpu.memref_slice %arg5[%add3A_131, %dma_wait3A] : memref<20000x128xf32, #tpu.memory_space<hbm>> -> memref<80x128xf32, #tpu.memory_space<hbm>>
        %dma_wait3A_136 = arith.constant 0 : i32
        %dma_wait3A_137 = tpu.memref_slice %arg9[%mul3A_126, %dma_wait3A_136] : memref<10000x128xf32, #tpu.memory_space<vmem_shared>> -> memref<80x128xf32, #tpu.memory_space<vmem_shared>>
        tpu.wait_dma2 semaphore(%run_scoped3A : memref<!tpu.dma_semaphore, #tpu.memory_space<semaphore_mem>>) src(%dma_wait3A_137 : memref<80x128xf32, #tpu.memory_space<vmem_shared>>) dst(%dma_wait3A_135 : memref<80x128xf32, #tpu.memory_space<hbm>>)
        tpu.yield
      }) : () -> ()
    } else {
    }
    %add3A_111 = arith.constant 96 : i32
    %add3A_112 = arith.addi %arg1, %add3A_111 : i32
    %lt3A_113 = arith.constant 125 : i32
    %lt3A_114 = arith.cmpi slt, %add3A_112, %lt3A_113 : i32
    %convert_element_type3A_115 = arith.extui %lt3A_114 : i1 to i32
    %cond3A_116 = arith.constant 0 : i32
    %cond3A_117 = arith.cmpi ne, %convert_element_type3A_115, %cond3A_116 : i32
    scf.if %cond3A_117 {
      %mul3A_125 = arith.constant 80 : i32
      %mul3A_126 = arith.muli %add3A_112, %mul3A_125 : i32
      %mul3A_127 = arith.constant 10000 : i32
      %mul3A_128 = arith.muli %arg0, %mul3A_127 : i32
      %mul3A_129 = arith.constant 80 : i32
      %mul3A_130 = arith.muli %add3A_112, %mul3A_129 : i32
      %add3A_131 = arith.addi %mul3A_128, %mul3A_130 : i32
      "tpu.region"() ({
        %run_scoped3A = tpu.sem_alloc : memref<!tpu.dma_semaphore, #tpu.memory_space<semaphore_mem>>
        %dma_start3A = arith.constant 0 : i32
        %dma_start3A_132 = tpu.memref_slice %arg5[%add3A_131, %dma_start3A] : memref<20000x128xf32, #tpu.memory_space<hbm>> -> memref<80x128xf32, #tpu.memory_space<hbm>>
        %dma_start3A_133 = arith.constant 0 : i32
        %dma_start3A_134 = tpu.memref_slice %arg9[%mul3A_126, %dma_start3A_133] : memref<10000x128xf32, #tpu.memory_space<vmem_shared>> -> memref<80x128xf32, #tpu.memory_space<vmem_shared>>
        tpu.enqueue_dma source(%dma_start3A_134 : memref<80x128xf32, #tpu.memory_space<vmem_shared>>) target(%dma_start3A_132 : memref<80x128xf32, #tpu.memory_space<hbm>>) target_semaphore(%run_scoped3A : memref<!tpu.dma_semaphore, #tpu.memory_space<semaphore_mem>>)
        %dma_wait3A = arith.constant 0 : i32
        %dma_wait3A_135 = tpu.memref_slice %arg5[%add3A_131, %dma_wait3A] : memref<20000x128xf32, #tpu.memory_space<hbm>> -> memref<80x128xf32, #tpu.memory_space<hbm>>
        %dma_wait3A_136 = arith.constant 0 : i32
        %dma_wait3A_137 = tpu.memref_slice %arg9[%mul3A_126, %dma_wait3A_136] : memref<10000x128xf32, #tpu.memory_space<vmem_shared>> -> memref<80x128xf32, #tpu.memory_space<vmem_shared>>
        tpu.wait_dma2 semaphore(%run_scoped3A : memref<!tpu.dma_semaphore, #tpu.memory_space<semaphore_mem>>) src(%dma_wait3A_137 : memref<80x128xf32, #tpu.memory_space<vmem_shared>>) dst(%dma_wait3A_135 : memref<80x128xf32, #tpu.memory_space<hbm>>)
        tpu.yield
      }) : () -> ()
    } else {
    }
    %add3A_118 = arith.constant 112 : i32
    %add3A_119 = arith.addi %arg1, %add3A_118 : i32
    %lt3A_120 = arith.constant 125 : i32
    %lt3A_121 = arith.cmpi slt, %add3A_119, %lt3A_120 : i32
    %convert_element_type3A_122 = arith.extui %lt3A_121 : i1 to i32
    %cond3A_123 = arith.constant 0 : i32
    %cond3A_124 = arith.cmpi ne, %convert_element_type3A_122, %cond3A_123 : i32
    scf.if %cond3A_124 {
      %mul3A_125 = arith.constant 80 : i32
      %mul3A_126 = arith.muli %add3A_119, %mul3A_125 : i32
      %mul3A_127 = arith.constant 10000 : i32
      %mul3A_128 = arith.muli %arg0, %mul3A_127 : i32
      %mul3A_129 = arith.constant 80 : i32
      %mul3A_130 = arith.muli %add3A_119, %mul3A_129 : i32
      %add3A_131 = arith.addi %mul3A_128, %mul3A_130 : i32
      "tpu.region"() ({
        %run_scoped3A = tpu.sem_alloc : memref<!tpu.dma_semaphore, #tpu.memory_space<semaphore_mem>>
        %dma_start3A = arith.constant 0 : i32
        %dma_start3A_132 = tpu.memref_slice %arg5[%add3A_131, %dma_start3A] : memref<20000x128xf32, #tpu.memory_space<hbm>> -> memref<80x128xf32, #tpu.memory_space<hbm>>
        %dma_start3A_133 = arith.constant 0 : i32
        %dma_start3A_134 = tpu.memref_slice %arg9[%mul3A_126, %dma_start3A_133] : memref<10000x128xf32, #tpu.memory_space<vmem_shared>> -> memref<80x128xf32, #tpu.memory_space<vmem_shared>>
        tpu.enqueue_dma source(%dma_start3A_134 : memref<80x128xf32, #tpu.memory_space<vmem_shared>>) target(%dma_start3A_132 : memref<80x128xf32, #tpu.memory_space<hbm>>) target_semaphore(%run_scoped3A : memref<!tpu.dma_semaphore, #tpu.memory_space<semaphore_mem>>)
        %dma_wait3A = arith.constant 0 : i32
        %dma_wait3A_135 = tpu.memref_slice %arg5[%add3A_131, %dma_wait3A] : memref<20000x128xf32, #tpu.memory_space<hbm>> -> memref<80x128xf32, #tpu.memory_space<hbm>>
        %dma_wait3A_136 = arith.constant 0 : i32
        %dma_wait3A_137 = tpu.memref_slice %arg9[%mul3A_126, %dma_wait3A_136] : memref<10000x128xf32, #tpu.memory_space<vmem_shared>> -> memref<80x128xf32, #tpu.memory_space<vmem_shared>>
        tpu.wait_dma2 semaphore(%run_scoped3A : memref<!tpu.dma_semaphore, #tpu.memory_space<semaphore_mem>>) src(%dma_wait3A_137 : memref<80x128xf32, #tpu.memory_space<vmem_shared>>) dst(%dma_wait3A_135 : memref<80x128xf32, #tpu.memory_space<hbm>>)
        tpu.yield
      }) : () -> ()
    } else {
    }
    return
  }
}

#map = affine_map<(d0, d1) -> (0, 0)>
#map1 = affine_map<(d0, d1) -> (0, 0, 0)>
module attributes {stable_mosaic.version = 14 : i64} {
  func.func @_agg_kernel(%arg0: i32, %arg1: i32, %arg2: memref<20000x128xf32, #tpu.memory_space<hbm>>, %arg3: memref<16x125x80xi32, #tpu.memory_space<hbm>>, %arg4: memref<16x125x80xi32, #tpu.memory_space<hbm>>, %arg5: memref<20000x128xf32, #tpu.memory_space<hbm>>, %arg6: memref<125x80xi32, #tpu.memory_space<vmem>>, %arg7: memref<125x80xi32, #tpu.memory_space<vmem>>, %arg8: memref<80x128xf32, #tpu.memory_space<vmem>>, %arg9: memref<10000x128xf32, #tpu.memory_space<vmem_shared>>, %arg10: memref<!tpu.dma_semaphore, #tpu.memory_space<semaphore_mem>>) attributes {dimension_semantics = [#tpu.dimension_semantics<core_parallel>, #tpu.dimension_semantics<subcore_parallel>], iteration_bounds = array<i64: 2, 16>, scalar_prefetch = 0 : i64, scratch_operands = 5 : i64, tpu.core_type = #tpu.core_type<sc_vector_subcore>, window_params = [{transform_indices = #map}, {transform_indices = #map1}, {transform_indices = #map1}, {transform_indices = #map}]} {
    %broadcast_in_dim3A = arith.constant 0.000000e+00 : f32
    %broadcast_in_dim3A_0 = vector.broadcast %broadcast_in_dim3A : f32 to vector<16xf32>
    %scan3A = arith.constant 0 : i32
    %scan3A_1 = arith.constant 80 : i32
    %scan3A_2 = arith.addi %scan3A, %scan3A_1 : i32
    %scan3A_3 = arith.constant 1 : i32
    scf.for %scan3A_125 = %scan3A to %scan3A_2 step %scan3A_3  : i32 {
      %scan3A_126 = arith.constant 0 : i32
      %scan3A_127 = arith.constant 8 : i32
      %scan3A_128 = arith.addi %scan3A_126, %scan3A_127 : i32
      %scan3A_129 = arith.constant 1 : i32
      scf.for %scan3A_131 = %scan3A_126 to %scan3A_128 step %scan3A_129  : i32 {
        %mul3A_132 = arith.constant 16 : i32
        %mul3A_133 = arith.muli %scan3A_131, %mul3A_132 : i32
        %swap3A = arith.index_cast %scan3A_125 : i32 to index
        %swap3A_134 = arith.index_cast %mul3A_133 : i32 to index
        %swap3A_135 = tpu.vector_load %arg8[%swap3A, %swap3A_134] {strides = array<i32>} : memref<80x128xf32, #tpu.memory_space<vmem>>, vector<1x16xf32>,
        %swap3A_136 = vector.shape_cast %swap3A_135 : vector<1x16xf32> to vector<16xf32>
        %swap3A_137 = vector.shape_cast %broadcast_in_dim3A_0 : vector<16xf32> to vector<1x16xf32>
        tpu.vector_store %arg8[%swap3A, %swap3A_134], %swap3A_137 {strides = array<i32>} : memref<80x128xf32, #tpu.memory_space<vmem>>, vector<1x16xf32>,
      }
      %scan3A_130 = arith.constant 8 : i32
    }
    %scan3A_4 = arith.constant 80 : i32
    %add3A = arith.constant 0 : i32
    %add3A_5 = arith.addi %arg1, %add3A : i32
    %lt3A = arith.constant 125 : i32
    %lt3A_6 = arith.cmpi slt, %add3A_5, %lt3A : i32
    %convert_element_type3A = arith.extui %lt3A_6 : i1 to i32
    %cond3A = arith.constant 0 : i32
    %cond3A_7 = arith.cmpi ne, %convert_element_type3A, %cond3A : i32
    scf.if %cond3A_7 {
      %mul3A_125 = arith.constant 80 : i32
      %mul3A_126 = arith.muli %add3A_5, %mul3A_125 : i32
      "tpu.region"() ({
        %run_scoped3A = tpu.sem_alloc : memref<!tpu.dma_semaphore, #tpu.memory_space<semaphore_mem>>
        %dma_start3A = arith.constant 0 : i32
        %dma_start3A_127 = arith.constant 0 : i32
        %dma_start3A_128 = tpu.memref_slice %arg8[%dma_start3A, %dma_start3A_127] : memref<80x128xf32, #tpu.memory_space<vmem>> -> memref<80x128xf32, #tpu.memory_space<vmem>>
        %dma_start3A_129 = arith.constant 0 : i32
        %dma_start3A_130 = tpu.memref_slice %arg9[%mul3A_126, %dma_start3A_129] : memref<10000x128xf32, #tpu.memory_space<vmem_shared>> -> memref<80x128xf32, #tpu.memory_space<vmem_shared>>
        %dma_start3A_131 = arith.constant 0 : i32
        %dma_start3A_132 = tpu.memref_slice %arg9[%mul3A_126, %dma_start3A_131] : memref<10000x128xf32, #tpu.memory_space<vmem_shared>> -> memref<80x128xf32, #tpu.memory_space<vmem_shared>>
        %dma_start3A_133 = arith.constant 0 : i32
        %dma_start3A_134 = arith.constant 0 : i32
        %dma_start3A_135 = tpu.memref_slice %arg8[%dma_start3A_133, %dma_start3A_134] : memref<80x128xf32, #tpu.memory_space<vmem>> -> memref<80x128xf32, #tpu.memory_space<vmem>>
        tpu.enqueue_dma source(%dma_start3A_135 : memref<80x128xf32, #tpu.memory_space<vmem>>) target(%dma_start3A_132 : memref<80x128xf32, #tpu.memory_space<vmem_shared>>) target_semaphore(%run_scoped3A : memref<!tpu.dma_semaphore, #tpu.memory_space<semaphore_mem>>)
        %dma_wait3A = arith.constant 0 : i32
        %dma_wait3A_136 = arith.constant 0 : i32
        %dma_wait3A_137 = tpu.memref_slice %arg8[%dma_wait3A, %dma_wait3A_136] : memref<80x128xf32, #tpu.memory_space<vmem>> -> memref<80x128xf32, #tpu.memory_space<vmem>>
        %dma_wait3A_138 = arith.constant 0 : i32
        %dma_wait3A_139 = tpu.memref_slice %arg9[%mul3A_126, %dma_wait3A_138] : memref<10000x128xf32, #tpu.memory_space<vmem_shared>> -> memref<80x128xf32, #tpu.memory_space<vmem_shared>>
        %dma_wait3A_140 = arith.constant 0 : i32
        %dma_wait3A_141 = tpu.memref_slice %arg9[%mul3A_126, %dma_wait3A_140] : memref<10000x128xf32, #tpu.memory_space<vmem_shared>> -> memref<80x128xf32, #tpu.memory_space<vmem_shared>>
        %dma_wait3A_142 = arith.constant 0 : i32
        %dma_wait3A_143 = arith.constant 0 : i32
        %dma_wait3A_144 = tpu.memref_slice %arg8[%dma_wait3A_142, %dma_wait3A_143] : memref<80x128xf32, #tpu.memory_space<vmem>> -> memref<80x128xf32, #tpu.memory_space<vmem>>
        tpu.wait_dma2 semaphore(%run_scoped3A : memref<!tpu.dma_semaphore, #tpu.memory_space<semaphore_mem>>) src(%dma_wait3A_144 : memref<80x128xf32, #tpu.memory_space<vmem>>) dst(%dma_wait3A_141 : memref<80x128xf32, #tpu.memory_space<vmem_shared>>)
        tpu.yield
      }) : () -> ()
    } else {
    }
    %add3A_8 = arith.constant 16 : i32
    %add3A_9 = arith.addi %arg1, %add3A_8 : i32
    %lt3A_10 = arith.constant 125 : i32
    %lt3A_11 = arith.cmpi slt, %add3A_9, %lt3A_10 : i32
    %convert_element_type3A_12 = arith.extui %lt3A_11 : i1 to i32
    %cond3A_13 = arith.constant 0 : i32
    %cond3A_14 = arith.cmpi ne, %convert_element_type3A_12, %cond3A_13 : i32
    scf.if %cond3A_14 {
      %mul3A_125 = arith.constant 80 : i32
      %mul3A_126 = arith.muli %add3A_9, %mul3A_125 : i32
      "tpu.region"() ({
        %run_scoped3A = tpu.sem_alloc : memref<!tpu.dma_semaphore, #tpu.memory_space<semaphore_mem>>
        %dma_start3A = arith.constant 0 : i32
        %dma_start3A_127 = arith.constant 0 : i32
        %dma_start3A_128 = tpu.memref_slice %arg8[%dma_start3A, %dma_start3A_127] : memref<80x128xf32, #tpu.memory_space<vmem>> -> memref<80x128xf32, #tpu.memory_space<vmem>>
        %dma_start3A_129 = arith.constant 0 : i32
        %dma_start3A_130 = tpu.memref_slice %arg9[%mul3A_126, %dma_start3A_129] : memref<10000x128xf32, #tpu.memory_space<vmem_shared>> -> memref<80x128xf32, #tpu.memory_space<vmem_shared>>
        %dma_start3A_131 = arith.constant 0 : i32
        %dma_start3A_132 = tpu.memref_slice %arg9[%mul3A_126, %dma_start3A_131] : memref<10000x128xf32, #tpu.memory_space<vmem_shared>> -> memref<80x128xf32, #tpu.memory_space<vmem_shared>>
        %dma_start3A_133 = arith.constant 0 : i32
        %dma_start3A_134 = arith.constant 0 : i32
        %dma_start3A_135 = tpu.memref_slice %arg8[%dma_start3A_133, %dma_start3A_134] : memref<80x128xf32, #tpu.memory_space<vmem>> -> memref<80x128xf32, #tpu.memory_space<vmem>>
        tpu.enqueue_dma source(%dma_start3A_135 : memref<80x128xf32, #tpu.memory_space<vmem>>) target(%dma_start3A_132 : memref<80x128xf32, #tpu.memory_space<vmem_shared>>) target_semaphore(%run_scoped3A : memref<!tpu.dma_semaphore, #tpu.memory_space<semaphore_mem>>)
        %dma_wait3A = arith.constant 0 : i32
        %dma_wait3A_136 = arith.constant 0 : i32
        %dma_wait3A_137 = tpu.memref_slice %arg8[%dma_wait3A, %dma_wait3A_136] : memref<80x128xf32, #tpu.memory_space<vmem>> -> memref<80x128xf32, #tpu.memory_space<vmem>>
        %dma_wait3A_138 = arith.constant 0 : i32
        %dma_wait3A_139 = tpu.memref_slice %arg9[%mul3A_126, %dma_wait3A_138] : memref<10000x128xf32, #tpu.memory_space<vmem_shared>> -> memref<80x128xf32, #tpu.memory_space<vmem_shared>>
        %dma_wait3A_140 = arith.constant 0 : i32
        %dma_wait3A_141 = tpu.memref_slice %arg9[%mul3A_126, %dma_wait3A_140] : memref<10000x128xf32, #tpu.memory_space<vmem_shared>> -> memref<80x128xf32, #tpu.memory_space<vmem_shared>>
        %dma_wait3A_142 = arith.constant 0 : i32
        %dma_wait3A_143 = arith.constant 0 : i32
        %dma_wait3A_144 = tpu.memref_slice %arg8[%dma_wait3A_142, %dma_wait3A_143] : memref<80x128xf32, #tpu.memory_space<vmem>> -> memref<80x128xf32, #tpu.memory_space<vmem>>
        tpu.wait_dma2 semaphore(%run_scoped3A : memref<!tpu.dma_semaphore, #tpu.memory_space<semaphore_mem>>) src(%dma_wait3A_144 : memref<80x128xf32, #tpu.memory_space<vmem>>) dst(%dma_wait3A_141 : memref<80x128xf32, #tpu.memory_space<vmem_shared>>)
        tpu.yield
      }) : () -> ()
    } else {
    }
    %add3A_15 = arith.constant 32 : i32
    %add3A_16 = arith.addi %arg1, %add3A_15 : i32
    %lt3A_17 = arith.constant 125 : i32
    %lt3A_18 = arith.cmpi slt, %add3A_16, %lt3A_17 : i32
    %convert_element_type3A_19 = arith.extui %lt3A_18 : i1 to i32
    %cond3A_20 = arith.constant 0 : i32
    %cond3A_21 = arith.cmpi ne, %convert_element_type3A_19, %cond3A_20 : i32
    scf.if %cond3A_21 {
      %mul3A_125 = arith.constant 80 : i32
      %mul3A_126 = arith.muli %add3A_16, %mul3A_125 : i32
      "tpu.region"() ({
        %run_scoped3A = tpu.sem_alloc : memref<!tpu.dma_semaphore, #tpu.memory_space<semaphore_mem>>
        %dma_start3A = arith.constant 0 : i32
        %dma_start3A_127 = arith.constant 0 : i32
        %dma_start3A_128 = tpu.memref_slice %arg8[%dma_start3A, %dma_start3A_127] : memref<80x128xf32, #tpu.memory_space<vmem>> -> memref<80x128xf32, #tpu.memory_space<vmem>>
        %dma_start3A_129 = arith.constant 0 : i32
        %dma_start3A_130 = tpu.memref_slice %arg9[%mul3A_126, %dma_start3A_129] : memref<10000x128xf32, #tpu.memory_space<vmem_shared>> -> memref<80x128xf32, #tpu.memory_space<vmem_shared>>
        %dma_start3A_131 = arith.constant 0 : i32
        %dma_start3A_132 = tpu.memref_slice %arg9[%mul3A_126, %dma_start3A_131] : memref<10000x128xf32, #tpu.memory_space<vmem_shared>> -> memref<80x128xf32, #tpu.memory_space<vmem_shared>>
        %dma_start3A_133 = arith.constant 0 : i32
        %dma_start3A_134 = arith.constant 0 : i32
        %dma_start3A_135 = tpu.memref_slice %arg8[%dma_start3A_133, %dma_start3A_134] : memref<80x128xf32, #tpu.memory_space<vmem>> -> memref<80x128xf32, #tpu.memory_space<vmem>>
        tpu.enqueue_dma source(%dma_start3A_135 : memref<80x128xf32, #tpu.memory_space<vmem>>) target(%dma_start3A_132 : memref<80x128xf32, #tpu.memory_space<vmem_shared>>) target_semaphore(%run_scoped3A : memref<!tpu.dma_semaphore, #tpu.memory_space<semaphore_mem>>)
        %dma_wait3A = arith.constant 0 : i32
        %dma_wait3A_136 = arith.constant 0 : i32
        %dma_wait3A_137 = tpu.memref_slice %arg8[%dma_wait3A, %dma_wait3A_136] : memref<80x128xf32, #tpu.memory_space<vmem>> -> memref<80x128xf32, #tpu.memory_space<vmem>>
        %dma_wait3A_138 = arith.constant 0 : i32
        %dma_wait3A_139 = tpu.memref_slice %arg9[%mul3A_126, %dma_wait3A_138] : memref<10000x128xf32, #tpu.memory_space<vmem_shared>> -> memref<80x128xf32, #tpu.memory_space<vmem_shared>>
        %dma_wait3A_140 = arith.constant 0 : i32
        %dma_wait3A_141 = tpu.memref_slice %arg9[%mul3A_126, %dma_wait3A_140] : memref<10000x128xf32, #tpu.memory_space<vmem_shared>> -> memref<80x128xf32, #tpu.memory_space<vmem_shared>>
        %dma_wait3A_142 = arith.constant 0 : i32
        %dma_wait3A_143 = arith.constant 0 : i32
        %dma_wait3A_144 = tpu.memref_slice %arg8[%dma_wait3A_142, %dma_wait3A_143] : memref<80x128xf32, #tpu.memory_space<vmem>> -> memref<80x128xf32, #tpu.memory_space<vmem>>
        tpu.wait_dma2 semaphore(%run_scoped3A : memref<!tpu.dma_semaphore, #tpu.memory_space<semaphore_mem>>) src(%dma_wait3A_144 : memref<80x128xf32, #tpu.memory_space<vmem>>) dst(%dma_wait3A_141 : memref<80x128xf32, #tpu.memory_space<vmem_shared>>)
        tpu.yield
      }) : () -> ()
    } else {
    }
    %add3A_22 = arith.constant 48 : i32
    %add3A_23 = arith.addi %arg1, %add3A_22 : i32
    %lt3A_24 = arith.constant 125 : i32
    %lt3A_25 = arith.cmpi slt, %add3A_23, %lt3A_24 : i32
    %convert_element_type3A_26 = arith.extui %lt3A_25 : i1 to i32
    %cond3A_27 = arith.constant 0 : i32
    %cond3A_28 = arith.cmpi ne, %convert_element_type3A_26, %cond3A_27 : i32
    scf.if %cond3A_28 {
      %mul3A_125 = arith.constant 80 : i32
      %mul3A_126 = arith.muli %add3A_23, %mul3A_125 : i32
      "tpu.region"() ({
        %run_scoped3A = tpu.sem_alloc : memref<!tpu.dma_semaphore, #tpu.memory_space<semaphore_mem>>
        %dma_start3A = arith.constant 0 : i32
        %dma_start3A_127 = arith.constant 0 : i32
        %dma_start3A_128 = tpu.memref_slice %arg8[%dma_start3A, %dma_start3A_127] : memref<80x128xf32, #tpu.memory_space<vmem>> -> memref<80x128xf32, #tpu.memory_space<vmem>>
        %dma_start3A_129 = arith.constant 0 : i32
        %dma_start3A_130 = tpu.memref_slice %arg9[%mul3A_126, %dma_start3A_129] : memref<10000x128xf32, #tpu.memory_space<vmem_shared>> -> memref<80x128xf32, #tpu.memory_space<vmem_shared>>
        %dma_start3A_131 = arith.constant 0 : i32
        %dma_start3A_132 = tpu.memref_slice %arg9[%mul3A_126, %dma_start3A_131] : memref<10000x128xf32, #tpu.memory_space<vmem_shared>> -> memref<80x128xf32, #tpu.memory_space<vmem_shared>>
        %dma_start3A_133 = arith.constant 0 : i32
        %dma_start3A_134 = arith.constant 0 : i32
        %dma_start3A_135 = tpu.memref_slice %arg8[%dma_start3A_133, %dma_start3A_134] : memref<80x128xf32, #tpu.memory_space<vmem>> -> memref<80x128xf32, #tpu.memory_space<vmem>>
        tpu.enqueue_dma source(%dma_start3A_135 : memref<80x128xf32, #tpu.memory_space<vmem>>) target(%dma_start3A_132 : memref<80x128xf32, #tpu.memory_space<vmem_shared>>) target_semaphore(%run_scoped3A : memref<!tpu.dma_semaphore, #tpu.memory_space<semaphore_mem>>)
        %dma_wait3A = arith.constant 0 : i32
        %dma_wait3A_136 = arith.constant 0 : i32
        %dma_wait3A_137 = tpu.memref_slice %arg8[%dma_wait3A, %dma_wait3A_136] : memref<80x128xf32, #tpu.memory_space<vmem>> -> memref<80x128xf32, #tpu.memory_space<vmem>>
        %dma_wait3A_138 = arith.constant 0 : i32
        %dma_wait3A_139 = tpu.memref_slice %arg9[%mul3A_126, %dma_wait3A_138] : memref<10000x128xf32, #tpu.memory_space<vmem_shared>> -> memref<80x128xf32, #tpu.memory_space<vmem_shared>>
        %dma_wait3A_140 = arith.constant 0 : i32
        %dma_wait3A_141 = tpu.memref_slice %arg9[%mul3A_126, %dma_wait3A_140] : memref<10000x128xf32, #tpu.memory_space<vmem_shared>> -> memref<80x128xf32, #tpu.memory_space<vmem_shared>>
        %dma_wait3A_142 = arith.constant 0 : i32
        %dma_wait3A_143 = arith.constant 0 : i32
        %dma_wait3A_144 = tpu.memref_slice %arg8[%dma_wait3A_142, %dma_wait3A_143] : memref<80x128xf32, #tpu.memory_space<vmem>> -> memref<80x128xf32, #tpu.memory_space<vmem>>
        tpu.wait_dma2 semaphore(%run_scoped3A : memref<!tpu.dma_semaphore, #tpu.memory_space<semaphore_mem>>) src(%dma_wait3A_144 : memref<80x128xf32, #tpu.memory_space<vmem>>) dst(%dma_wait3A_141 : memref<80x128xf32, #tpu.memory_space<vmem_shared>>)
        tpu.yield
      }) : () -> ()
    } else {
    }
    %add3A_29 = arith.constant 64 : i32
    %add3A_30 = arith.addi %arg1, %add3A_29 : i32
    %lt3A_31 = arith.constant 125 : i32
    %lt3A_32 = arith.cmpi slt, %add3A_30, %lt3A_31 : i32
    %convert_element_type3A_33 = arith.extui %lt3A_32 : i1 to i32
    %cond3A_34 = arith.constant 0 : i32
    %cond3A_35 = arith.cmpi ne, %convert_element_type3A_33, %cond3A_34 : i32
    scf.if %cond3A_35 {
      %mul3A_125 = arith.constant 80 : i32
      %mul3A_126 = arith.muli %add3A_30, %mul3A_125 : i32
      "tpu.region"() ({
        %run_scoped3A = tpu.sem_alloc : memref<!tpu.dma_semaphore, #tpu.memory_space<semaphore_mem>>
        %dma_start3A = arith.constant 0 : i32
        %dma_start3A_127 = arith.constant 0 : i32
        %dma_start3A_128 = tpu.memref_slice %arg8[%dma_start3A, %dma_start3A_127] : memref<80x128xf32, #tpu.memory_space<vmem>> -> memref<80x128xf32, #tpu.memory_space<vmem>>
        %dma_start3A_129 = arith.constant 0 : i32
        %dma_start3A_130 = tpu.memref_slice %arg9[%mul3A_126, %dma_start3A_129] : memref<10000x128xf32, #tpu.memory_space<vmem_shared>> -> memref<80x128xf32, #tpu.memory_space<vmem_shared>>
        %dma_start3A_131 = arith.constant 0 : i32
        %dma_start3A_132 = tpu.memref_slice %arg9[%mul3A_126, %dma_start3A_131] : memref<10000x128xf32, #tpu.memory_space<vmem_shared>> -> memref<80x128xf32, #tpu.memory_space<vmem_shared>>
        %dma_start3A_133 = arith.constant 0 : i32
        %dma_start3A_134 = arith.constant 0 : i32
        %dma_start3A_135 = tpu.memref_slice %arg8[%dma_start3A_133, %dma_start3A_134] : memref<80x128xf32, #tpu.memory_space<vmem>> -> memref<80x128xf32, #tpu.memory_space<vmem>>
        tpu.enqueue_dma source(%dma_start3A_135 : memref<80x128xf32, #tpu.memory_space<vmem>>) target(%dma_start3A_132 : memref<80x128xf32, #tpu.memory_space<vmem_shared>>) target_semaphore(%run_scoped3A : memref<!tpu.dma_semaphore, #tpu.memory_space<semaphore_mem>>)
        %dma_wait3A = arith.constant 0 : i32
        %dma_wait3A_136 = arith.constant 0 : i32
        %dma_wait3A_137 = tpu.memref_slice %arg8[%dma_wait3A, %dma_wait3A_136] : memref<80x128xf32, #tpu.memory_space<vmem>> -> memref<80x128xf32, #tpu.memory_space<vmem>>
        %dma_wait3A_138 = arith.constant 0 : i32
        %dma_wait3A_139 = tpu.memref_slice %arg9[%mul3A_126, %dma_wait3A_138] : memref<10000x128xf32, #tpu.memory_space<vmem_shared>> -> memref<80x128xf32, #tpu.memory_space<vmem_shared>>
        %dma_wait3A_140 = arith.constant 0 : i32
        %dma_wait3A_141 = tpu.memref_slice %arg9[%mul3A_126, %dma_wait3A_140] : memref<10000x128xf32, #tpu.memory_space<vmem_shared>> -> memref<80x128xf32, #tpu.memory_space<vmem_shared>>
        %dma_wait3A_142 = arith.constant 0 : i32
        %dma_wait3A_143 = arith.constant 0 : i32
        %dma_wait3A_144 = tpu.memref_slice %arg8[%dma_wait3A_142, %dma_wait3A_143] : memref<80x128xf32, #tpu.memory_space<vmem>> -> memref<80x128xf32, #tpu.memory_space<vmem>>
        tpu.wait_dma2 semaphore(%run_scoped3A : memref<!tpu.dma_semaphore, #tpu.memory_space<semaphore_mem>>) src(%dma_wait3A_144 : memref<80x128xf32, #tpu.memory_space<vmem>>) dst(%dma_wait3A_141 : memref<80x128xf32, #tpu.memory_space<vmem_shared>>)
        tpu.yield
      }) : () -> ()
    } else {
    }
    %add3A_36 = arith.constant 80 : i32
    %add3A_37 = arith.addi %arg1, %add3A_36 : i32
    %lt3A_38 = arith.constant 125 : i32
    %lt3A_39 = arith.cmpi slt, %add3A_37, %lt3A_38 : i32
    %convert_element_type3A_40 = arith.extui %lt3A_39 : i1 to i32
    %cond3A_41 = arith.constant 0 : i32
    %cond3A_42 = arith.cmpi ne, %convert_element_type3A_40, %cond3A_41 : i32
    scf.if %cond3A_42 {
      %mul3A_125 = arith.constant 80 : i32
      %mul3A_126 = arith.muli %add3A_37, %mul3A_125 : i32
      "tpu.region"() ({
        %run_scoped3A = tpu.sem_alloc : memref<!tpu.dma_semaphore, #tpu.memory_space<semaphore_mem>>
        %dma_start3A = arith.constant 0 : i32
        %dma_start3A_127 = arith.constant 0 : i32
        %dma_start3A_128 = tpu.memref_slice %arg8[%dma_start3A, %dma_start3A_127] : memref<80x128xf32, #tpu.memory_space<vmem>> -> memref<80x128xf32, #tpu.memory_space<vmem>>
        %dma_start3A_129 = arith.constant 0 : i32
        %dma_start3A_130 = tpu.memref_slice %arg9[%mul3A_126, %dma_start3A_129] : memref<10000x128xf32, #tpu.memory_space<vmem_shared>> -> memref<80x128xf32, #tpu.memory_space<vmem_shared>>
        %dma_start3A_131 = arith.constant 0 : i32
        %dma_start3A_132 = tpu.memref_slice %arg9[%mul3A_126, %dma_start3A_131] : memref<10000x128xf32, #tpu.memory_space<vmem_shared>> -> memref<80x128xf32, #tpu.memory_space<vmem_shared>>
        %dma_start3A_133 = arith.constant 0 : i32
        %dma_start3A_134 = arith.constant 0 : i32
        %dma_start3A_135 = tpu.memref_slice %arg8[%dma_start3A_133, %dma_start3A_134] : memref<80x128xf32, #tpu.memory_space<vmem>> -> memref<80x128xf32, #tpu.memory_space<vmem>>
        tpu.enqueue_dma source(%dma_start3A_135 : memref<80x128xf32, #tpu.memory_space<vmem>>) target(%dma_start3A_132 : memref<80x128xf32, #tpu.memory_space<vmem_shared>>) target_semaphore(%run_scoped3A : memref<!tpu.dma_semaphore, #tpu.memory_space<semaphore_mem>>)
        %dma_wait3A = arith.constant 0 : i32
        %dma_wait3A_136 = arith.constant 0 : i32
        %dma_wait3A_137 = tpu.memref_slice %arg8[%dma_wait3A, %dma_wait3A_136] : memref<80x128xf32, #tpu.memory_space<vmem>> -> memref<80x128xf32, #tpu.memory_space<vmem>>
        %dma_wait3A_138 = arith.constant 0 : i32
        %dma_wait3A_139 = tpu.memref_slice %arg9[%mul3A_126, %dma_wait3A_138] : memref<10000x128xf32, #tpu.memory_space<vmem_shared>> -> memref<80x128xf32, #tpu.memory_space<vmem_shared>>
        %dma_wait3A_140 = arith.constant 0 : i32
        %dma_wait3A_141 = tpu.memref_slice %arg9[%mul3A_126, %dma_wait3A_140] : memref<10000x128xf32, #tpu.memory_space<vmem_shared>> -> memref<80x128xf32, #tpu.memory_space<vmem_shared>>
        %dma_wait3A_142 = arith.constant 0 : i32
        %dma_wait3A_143 = arith.constant 0 : i32
        %dma_wait3A_144 = tpu.memref_slice %arg8[%dma_wait3A_142, %dma_wait3A_143] : memref<80x128xf32, #tpu.memory_space<vmem>> -> memref<80x128xf32, #tpu.memory_space<vmem>>
        tpu.wait_dma2 semaphore(%run_scoped3A : memref<!tpu.dma_semaphore, #tpu.memory_space<semaphore_mem>>) src(%dma_wait3A_144 : memref<80x128xf32, #tpu.memory_space<vmem>>) dst(%dma_wait3A_141 : memref<80x128xf32, #tpu.memory_space<vmem_shared>>)
        tpu.yield
      }) : () -> ()
    } else {
    }
    %add3A_43 = arith.constant 96 : i32
    %add3A_44 = arith.addi %arg1, %add3A_43 : i32
    %lt3A_45 = arith.constant 125 : i32
    %lt3A_46 = arith.cmpi slt, %add3A_44, %lt3A_45 : i32
    %convert_element_type3A_47 = arith.extui %lt3A_46 : i1 to i32
    %cond3A_48 = arith.constant 0 : i32
    %cond3A_49 = arith.cmpi ne, %convert_element_type3A_47, %cond3A_48 : i32
    scf.if %cond3A_49 {
      %mul3A_125 = arith.constant 80 : i32
      %mul3A_126 = arith.muli %add3A_44, %mul3A_125 : i32
      "tpu.region"() ({
        %run_scoped3A = tpu.sem_alloc : memref<!tpu.dma_semaphore, #tpu.memory_space<semaphore_mem>>
        %dma_start3A = arith.constant 0 : i32
        %dma_start3A_127 = arith.constant 0 : i32
        %dma_start3A_128 = tpu.memref_slice %arg8[%dma_start3A, %dma_start3A_127] : memref<80x128xf32, #tpu.memory_space<vmem>> -> memref<80x128xf32, #tpu.memory_space<vmem>>
        %dma_start3A_129 = arith.constant 0 : i32
        %dma_start3A_130 = tpu.memref_slice %arg9[%mul3A_126, %dma_start3A_129] : memref<10000x128xf32, #tpu.memory_space<vmem_shared>> -> memref<80x128xf32, #tpu.memory_space<vmem_shared>>
        %dma_start3A_131 = arith.constant 0 : i32
        %dma_start3A_132 = tpu.memref_slice %arg9[%mul3A_126, %dma_start3A_131] : memref<10000x128xf32, #tpu.memory_space<vmem_shared>> -> memref<80x128xf32, #tpu.memory_space<vmem_shared>>
        %dma_start3A_133 = arith.constant 0 : i32
        %dma_start3A_134 = arith.constant 0 : i32
        %dma_start3A_135 = tpu.memref_slice %arg8[%dma_start3A_133, %dma_start3A_134] : memref<80x128xf32, #tpu.memory_space<vmem>> -> memref<80x128xf32, #tpu.memory_space<vmem>>
        tpu.enqueue_dma source(%dma_start3A_135 : memref<80x128xf32, #tpu.memory_space<vmem>>) target(%dma_start3A_132 : memref<80x128xf32, #tpu.memory_space<vmem_shared>>) target_semaphore(%run_scoped3A : memref<!tpu.dma_semaphore, #tpu.memory_space<semaphore_mem>>)
        %dma_wait3A = arith.constant 0 : i32
        %dma_wait3A_136 = arith.constant 0 : i32
        %dma_wait3A_137 = tpu.memref_slice %arg8[%dma_wait3A, %dma_wait3A_136] : memref<80x128xf32, #tpu.memory_space<vmem>> -> memref<80x128xf32, #tpu.memory_space<vmem>>
        %dma_wait3A_138 = arith.constant 0 : i32
        %dma_wait3A_139 = tpu.memref_slice %arg9[%mul3A_126, %dma_wait3A_138] : memref<10000x128xf32, #tpu.memory_space<vmem_shared>> -> memref<80x128xf32, #tpu.memory_space<vmem_shared>>
        %dma_wait3A_140 = arith.constant 0 : i32
        %dma_wait3A_141 = tpu.memref_slice %arg9[%mul3A_126, %dma_wait3A_140] : memref<10000x128xf32, #tpu.memory_space<vmem_shared>> -> memref<80x128xf32, #tpu.memory_space<vmem_shared>>
        %dma_wait3A_142 = arith.constant 0 : i32
        %dma_wait3A_143 = arith.constant 0 : i32
        %dma_wait3A_144 = tpu.memref_slice %arg8[%dma_wait3A_142, %dma_wait3A_143] : memref<80x128xf32, #tpu.memory_space<vmem>> -> memref<80x128xf32, #tpu.memory_space<vmem>>
        tpu.wait_dma2 semaphore(%run_scoped3A : memref<!tpu.dma_semaphore, #tpu.memory_space<semaphore_mem>>) src(%dma_wait3A_144 : memref<80x128xf32, #tpu.memory_space<vmem>>) dst(%dma_wait3A_141 : memref<80x128xf32, #tpu.memory_space<vmem_shared>>)
        tpu.yield
      }) : () -> ()
    } else {
    }
    %add3A_50 = arith.constant 112 : i32
    %add3A_51 = arith.addi %arg1, %add3A_50 : i32
    %lt3A_52 = arith.constant 125 : i32
    %lt3A_53 = arith.cmpi slt, %add3A_51, %lt3A_52 : i32
    %convert_element_type3A_54 = arith.extui %lt3A_53 : i1 to i32
    %cond3A_55 = arith.constant 0 : i32
    %cond3A_56 = arith.cmpi ne, %convert_element_type3A_54, %cond3A_55 : i32
    scf.if %cond3A_56 {
      %mul3A_125 = arith.constant 80 : i32
      %mul3A_126 = arith.muli %add3A_51, %mul3A_125 : i32
      "tpu.region"() ({
        %run_scoped3A = tpu.sem_alloc : memref<!tpu.dma_semaphore, #tpu.memory_space<semaphore_mem>>
        %dma_start3A = arith.constant 0 : i32
        %dma_start3A_127 = arith.constant 0 : i32
        %dma_start3A_128 = tpu.memref_slice %arg8[%dma_start3A, %dma_start3A_127] : memref<80x128xf32, #tpu.memory_space<vmem>> -> memref<80x128xf32, #tpu.memory_space<vmem>>
        %dma_start3A_129 = arith.constant 0 : i32
        %dma_start3A_130 = tpu.memref_slice %arg9[%mul3A_126, %dma_start3A_129] : memref<10000x128xf32, #tpu.memory_space<vmem_shared>> -> memref<80x128xf32, #tpu.memory_space<vmem_shared>>
        %dma_start3A_131 = arith.constant 0 : i32
        %dma_start3A_132 = tpu.memref_slice %arg9[%mul3A_126, %dma_start3A_131] : memref<10000x128xf32, #tpu.memory_space<vmem_shared>> -> memref<80x128xf32, #tpu.memory_space<vmem_shared>>
        %dma_start3A_133 = arith.constant 0 : i32
        %dma_start3A_134 = arith.constant 0 : i32
        %dma_start3A_135 = tpu.memref_slice %arg8[%dma_start3A_133, %dma_start3A_134] : memref<80x128xf32, #tpu.memory_space<vmem>> -> memref<80x128xf32, #tpu.memory_space<vmem>>
        tpu.enqueue_dma source(%dma_start3A_135 : memref<80x128xf32, #tpu.memory_space<vmem>>) target(%dma_start3A_132 : memref<80x128xf32, #tpu.memory_space<vmem_shared>>) target_semaphore(%run_scoped3A : memref<!tpu.dma_semaphore, #tpu.memory_space<semaphore_mem>>)
        %dma_wait3A = arith.constant 0 : i32
        %dma_wait3A_136 = arith.constant 0 : i32
        %dma_wait3A_137 = tpu.memref_slice %arg8[%dma_wait3A, %dma_wait3A_136] : memref<80x128xf32, #tpu.memory_space<vmem>> -> memref<80x128xf32, #tpu.memory_space<vmem>>
        %dma_wait3A_138 = arith.constant 0 : i32
        %dma_wait3A_139 = tpu.memref_slice %arg9[%mul3A_126, %dma_wait3A_138] : memref<10000x128xf32, #tpu.memory_space<vmem_shared>> -> memref<80x128xf32, #tpu.memory_space<vmem_shared>>
        %dma_wait3A_140 = arith.constant 0 : i32
        %dma_wait3A_141 = tpu.memref_slice %arg9[%mul3A_126, %dma_wait3A_140] : memref<10000x128xf32, #tpu.memory_space<vmem_shared>> -> memref<80x128xf32, #tpu.memory_space<vmem_shared>>
        %dma_wait3A_142 = arith.constant 0 : i32
        %dma_wait3A_143 = arith.constant 0 : i32
        %dma_wait3A_144 = tpu.memref_slice %arg8[%dma_wait3A_142, %dma_wait3A_143] : memref<80x128xf32, #tpu.memory_space<vmem>> -> memref<80x128xf32, #tpu.memory_space<vmem>>
        tpu.wait_dma2 semaphore(%run_scoped3A : memref<!tpu.dma_semaphore, #tpu.memory_space<semaphore_mem>>) src(%dma_wait3A_144 : memref<80x128xf32, #tpu.memory_space<vmem>>) dst(%dma_wait3A_141 : memref<80x128xf32, #tpu.memory_space<vmem_shared>>)
        tpu.yield
      }) : () -> ()
    } else {
    }
    "tpu.region"() ({
      %run_scoped3A = tpu.sem_alloc : memref<!tpu.dma_semaphore, #tpu.memory_space<semaphore_mem>>
      %dma_start3A = arith.constant 0 : i32
      %dma_start3A_125 = arith.constant 0 : i32
      %dma_start3A_126 = tpu.memref_slice %arg3[%arg1, %dma_start3A, %dma_start3A_125] : memref<16x125x80xi32, #tpu.memory_space<hbm>> -> memref<1x125x80xi32, #tpu.memory_space<hbm>>
      %dma_start3A_127 = tpu.memref_squeeze %dma_start3A_126 : memref<1x125x80xi32, #tpu.memory_space<hbm>> -> memref<125x80xi32, #tpu.memory_space<hbm>>
      %dma_start3A_128 = arith.constant 0 : i32
      %dma_start3A_129 = arith.constant 0 : i32
      %dma_start3A_130 = tpu.memref_slice %arg3[%arg1, %dma_start3A_128, %dma_start3A_129] : memref<16x125x80xi32, #tpu.memory_space<hbm>> -> memref<1x125x80xi32, #tpu.memory_space<hbm>>
      %dma_start3A_131 = tpu.memref_squeeze %dma_start3A_130 : memref<1x125x80xi32, #tpu.memory_space<hbm>> -> memref<125x80xi32, #tpu.memory_space<hbm>>
      tpu.enqueue_dma source(%dma_start3A_131 : memref<125x80xi32, #tpu.memory_space<hbm>>) target(%arg6 : memref<125x80xi32, #tpu.memory_space<vmem>>) target_semaphore(%run_scoped3A : memref<!tpu.dma_semaphore, #tpu.memory_space<semaphore_mem>>)
      %dma_wait3A = arith.constant 0 : i32
      %dma_wait3A_132 = arith.constant 0 : i32
      %dma_wait3A_133 = tpu.memref_slice %arg3[%arg1, %dma_wait3A, %dma_wait3A_132] : memref<16x125x80xi32, #tpu.memory_space<hbm>> -> memref<1x125x80xi32, #tpu.memory_space<hbm>>
      %dma_wait3A_134 = tpu.memref_squeeze %dma_wait3A_133 : memref<1x125x80xi32, #tpu.memory_space<hbm>> -> memref<125x80xi32, #tpu.memory_space<hbm>>
      %dma_wait3A_135 = arith.constant 0 : i32
      %dma_wait3A_136 = arith.constant 0 : i32
      %dma_wait3A_137 = tpu.memref_slice %arg3[%arg1, %dma_wait3A_135, %dma_wait3A_136] : memref<16x125x80xi32, #tpu.memory_space<hbm>> -> memref<1x125x80xi32, #tpu.memory_space<hbm>>
      %dma_wait3A_138 = tpu.memref_squeeze %dma_wait3A_137 : memref<1x125x80xi32, #tpu.memory_space<hbm>> -> memref<125x80xi32, #tpu.memory_space<hbm>>
      tpu.wait_dma2 semaphore(%run_scoped3A : memref<!tpu.dma_semaphore, #tpu.memory_space<semaphore_mem>>) src(%dma_wait3A_138 : memref<125x80xi32, #tpu.memory_space<hbm>>) dst(%arg6 : memref<125x80xi32, #tpu.memory_space<vmem>>)
      tpu.yield
    }) : () -> ()
    "tpu.region"() ({
      %run_scoped3A = tpu.sem_alloc : memref<!tpu.dma_semaphore, #tpu.memory_space<semaphore_mem>>
      %dma_start3A = arith.constant 0 : i32
      %dma_start3A_125 = arith.constant 0 : i32
      %dma_start3A_126 = tpu.memref_slice %arg4[%arg1, %dma_start3A, %dma_start3A_125] : memref<16x125x80xi32, #tpu.memory_space<hbm>> -> memref<1x125x80xi32, #tpu.memory_space<hbm>>
      %dma_start3A_127 = tpu.memref_squeeze %dma_start3A_126 : memref<1x125x80xi32, #tpu.memory_space<hbm>> -> memref<125x80xi32, #tpu.memory_space<hbm>>
      %dma_start3A_128 = arith.constant 0 : i32
      %dma_start3A_129 = arith.constant 0 : i32
      %dma_start3A_130 = tpu.memref_slice %arg4[%arg1, %dma_start3A_128, %dma_start3A_129] : memref<16x125x80xi32, #tpu.memory_space<hbm>> -> memref<1x125x80xi32, #tpu.memory_space<hbm>>
      %dma_start3A_131 = tpu.memref_squeeze %dma_start3A_130 : memref<1x125x80xi32, #tpu.memory_space<hbm>> -> memref<125x80xi32, #tpu.memory_space<hbm>>
      tpu.enqueue_dma source(%dma_start3A_131 : memref<125x80xi32, #tpu.memory_space<hbm>>) target(%arg7 : memref<125x80xi32, #tpu.memory_space<vmem>>) target_semaphore(%run_scoped3A : memref<!tpu.dma_semaphore, #tpu.memory_space<semaphore_mem>>)
      %dma_wait3A = arith.constant 0 : i32
      %dma_wait3A_132 = arith.constant 0 : i32
      %dma_wait3A_133 = tpu.memref_slice %arg4[%arg1, %dma_wait3A, %dma_wait3A_132] : memref<16x125x80xi32, #tpu.memory_space<hbm>> -> memref<1x125x80xi32, #tpu.memory_space<hbm>>
      %dma_wait3A_134 = tpu.memref_squeeze %dma_wait3A_133 : memref<1x125x80xi32, #tpu.memory_space<hbm>> -> memref<125x80xi32, #tpu.memory_space<hbm>>
      %dma_wait3A_135 = arith.constant 0 : i32
      %dma_wait3A_136 = arith.constant 0 : i32
      %dma_wait3A_137 = tpu.memref_slice %arg4[%arg1, %dma_wait3A_135, %dma_wait3A_136] : memref<16x125x80xi32, #tpu.memory_space<hbm>> -> memref<1x125x80xi32, #tpu.memory_space<hbm>>
      %dma_wait3A_138 = tpu.memref_squeeze %dma_wait3A_137 : memref<1x125x80xi32, #tpu.memory_space<hbm>> -> memref<125x80xi32, #tpu.memory_space<hbm>>
      tpu.wait_dma2 semaphore(%run_scoped3A : memref<!tpu.dma_semaphore, #tpu.memory_space<semaphore_mem>>) src(%dma_wait3A_138 : memref<125x80xi32, #tpu.memory_space<hbm>>) dst(%arg7 : memref<125x80xi32, #tpu.memory_space<vmem>>)
      tpu.yield
    }) : () -> ()
    %mul3A = arith.constant 10000 : i32
    %mul3A_57 = arith.muli %arg0, %mul3A : i32
    %scan3A_58 = arith.constant 0 : i32
    %scan3A_59 = arith.constant 125 : i32
    %scan3A_60 = arith.addi %scan3A_58, %scan3A_59 : i32
    %scan3A_61 = arith.constant 1 : i32
    scf.for %scan3A_125 = %scan3A_58 to %scan3A_60 step %scan3A_61  : i32 {
      %scan3A_126 = arith.constant 0 : i32
      %scan3A_127 = arith.constant 5 : i32
      %scan3A_128 = arith.addi %scan3A_126, %scan3A_127 : i32
      %scan3A_129 = arith.constant 1 : i32
      scf.for %scan3A_131 = %scan3A_126 to %scan3A_128 step %scan3A_129  : i32 {
        %mul3A_132 = arith.constant 16 : i32
        %mul3A_133 = arith.muli %scan3A_131, %mul3A_132 : i32
        %get3A = arith.index_cast %scan3A_125 : i32 to index
        %get3A_134 = arith.index_cast %mul3A_133 : i32 to index
        %get3A_135 = tpu.vector_load %arg6[%get3A, %get3A_134] {strides = array<i32>} : memref<125x80xi32, #tpu.memory_space<vmem>>, vector<1x16xi32>,
        %get3A_136 = vector.shape_cast %get3A_135 : vector<1x16xi32> to vector<16xi32>
        %add3A_137 = vector.broadcast %mul3A_57 : i32 to vector<16xi32>
        %add3A_138 = arith.addi %get3A_136, %add3A_137 : vector<16xi32>
        %mul3A_139 = arith.constant 16 : i32
        %mul3A_140 = arith.muli %scan3A_131, %mul3A_139 : i32
        %swap3A = arith.index_cast %scan3A_125 : i32 to index
        %swap3A_141 = arith.index_cast %mul3A_140 : i32 to index
        %swap3A_142 = tpu.vector_load %arg6[%swap3A, %swap3A_141] {strides = array<i32>} : memref<125x80xi32, #tpu.memory_space<vmem>>, vector<1x16xi32>,
        %swap3A_143 = vector.shape_cast %swap3A_142 : vector<1x16xi32> to vector<16xi32>
        %swap3A_144 = vector.shape_cast %add3A_138 : vector<16xi32> to vector<1x16xi32>
        tpu.vector_store %arg6[%swap3A, %swap3A_141], %swap3A_144 {strides = array<i32>} : memref<125x80xi32, #tpu.memory_space<vmem>>, vector<1x16xi32>,
      }
      %scan3A_130 = arith.constant 5 : i32
    }
    %scan3A_62 = arith.constant 125 : i32
    %barrier3A = arith.constant 0 : index
    tpu.barrier barrier_id(%barrier3A)
    %scan3A_63 = arith.constant 0 : i32
    %scan3A_64 = arith.constant 125 : i32
    %scan3A_65 = arith.addi %scan3A_63, %scan3A_64 : i32
    %scan3A_66 = arith.constant 1 : i32
    scf.for %scan3A_125 = %scan3A_63 to %scan3A_65 step %scan3A_66  : i32 {
      %dma_start3A = arith.constant 0 : i32
      %dma_start3A_126 = tpu.memref_slice %arg6[%scan3A_125, %dma_start3A] : memref<125x80xi32, #tpu.memory_space<vmem>> -> memref<1x80xi32, #tpu.memory_space<vmem>>
      %dma_start3A_127 = tpu.memref_squeeze %dma_start3A_126 : memref<1x80xi32, #tpu.memory_space<vmem>> -> memref<80xi32, #tpu.memory_space<vmem>>
      %dma_start3A_128 = arith.constant 0 : i32
      %dma_start3A_129 = arith.constant 0 : i32
      %dma_start3A_130 = tpu.memref_slice %arg2[%dma_start3A_128, %dma_start3A_129] : memref<20000x128xf32, #tpu.memory_space<hbm>> -> memref<20000x128xf32, #tpu.memory_space<hbm>>
      tpu.enqueue_indirect_dma source(%dma_start3A_130 : memref<20000x128xf32, #tpu.memory_space<hbm>>) target(%arg8 : memref<80x128xf32, #tpu.memory_space<vmem>>) offsets(%dma_start3A_127 : memref<80xi32, #tpu.memory_space<vmem>>) semaphore(%arg10 : memref<!tpu.dma_semaphore, #tpu.memory_space<semaphore_mem>>)
      %dma_wait3A = arith.constant 0 : i32
      %dma_wait3A_131 = tpu.memref_slice %arg6[%scan3A_125, %dma_wait3A] : memref<125x80xi32, #tpu.memory_space<vmem>> -> memref<1x80xi32, #tpu.memory_space<vmem>>
      %dma_wait3A_132 = tpu.memref_squeeze %dma_wait3A_131 : memref<1x80xi32, #tpu.memory_space<vmem>> -> memref<80xi32, #tpu.memory_space<vmem>>
      %dma_wait3A_133 = arith.constant 0 : i32
      %dma_wait3A_134 = arith.constant 0 : i32
      %dma_wait3A_135 = tpu.memref_slice %arg2[%dma_wait3A_133, %dma_wait3A_134] : memref<20000x128xf32, #tpu.memory_space<hbm>> -> memref<20000x128xf32, #tpu.memory_space<hbm>>
      tpu.wait_indirect_dma semaphore(%arg10 : memref<!tpu.dma_semaphore, #tpu.memory_space<semaphore_mem>>) src(%dma_wait3A_135 : memref<20000x128xf32, #tpu.memory_space<hbm>>) dst(%arg8 : memref<80x128xf32, #tpu.memory_space<vmem>>)
      "tpu.region"() ({
        %run_scoped3A = tpu.sem_alloc : memref<!tpu.dma_semaphore, #tpu.memory_space<semaphore_mem>>
        %dma_start3A_136 = arith.constant 0 : i32
        %dma_start3A_137 = tpu.memref_slice %arg7[%scan3A_125, %dma_start3A_136] : memref<125x80xi32, #tpu.memory_space<vmem>> -> memref<1x80xi32, #tpu.memory_space<vmem>>
        %dma_start3A_138 = tpu.memref_squeeze %dma_start3A_137 : memref<1x80xi32, #tpu.memory_space<vmem>> -> memref<80xi32, #tpu.memory_space<vmem>>
        %dma_start3A_139 = arith.constant 0 : i32
        %dma_start3A_140 = arith.constant 0 : i32
        %dma_start3A_141 = tpu.memref_slice %arg9[%dma_start3A_139, %dma_start3A_140] : memref<10000x128xf32, #tpu.memory_space<vmem_shared>> -> memref<10000x128xf32, #tpu.memory_space<vmem_shared>>
        tpu.enqueue_indirect_dma source(%arg8 : memref<80x128xf32, #tpu.memory_space<vmem>>) target(%dma_start3A_141 : memref<10000x128xf32, #tpu.memory_space<vmem_shared>>) offsets(%dma_start3A_138 : memref<80xi32, #tpu.memory_space<vmem>>) semaphore(%run_scoped3A : memref<!tpu.dma_semaphore, #tpu.memory_space<semaphore_mem>>) {add = true}
        %dma_wait3A_142 = arith.constant 0 : i32
        %dma_wait3A_143 = tpu.memref_slice %arg7[%scan3A_125, %dma_wait3A_142] : memref<125x80xi32, #tpu.memory_space<vmem>> -> memref<1x80xi32, #tpu.memory_space<vmem>>
        %dma_wait3A_144 = tpu.memref_squeeze %dma_wait3A_143 : memref<1x80xi32, #tpu.memory_space<vmem>> -> memref<80xi32, #tpu.memory_space<vmem>>
        %dma_wait3A_145 = arith.constant 0 : i32
        %dma_wait3A_146 = arith.constant 0 : i32
        %dma_wait3A_147 = tpu.memref_slice %arg9[%dma_wait3A_145, %dma_wait3A_146] : memref<10000x128xf32, #tpu.memory_space<vmem_shared>> -> memref<10000x128xf32, #tpu.memory_space<vmem_shared>>
        tpu.wait_indirect_dma semaphore(%run_scoped3A : memref<!tpu.dma_semaphore, #tpu.memory_space<semaphore_mem>>) src(%arg8 : memref<80x128xf32, #tpu.memory_space<vmem>>) dst(%dma_wait3A_147 : memref<10000x128xf32, #tpu.memory_space<vmem_shared>>)
        tpu.yield
      }) : () -> ()
    }
    %scan3A_67 = arith.constant 125 : i32
    %barrier3A_68 = arith.constant 0 : index
    tpu.barrier barrier_id(%barrier3A_68)
    %add3A_69 = arith.constant 0 : i32
    %add3A_70 = arith.addi %arg1, %add3A_69 : i32
    %lt3A_71 = arith.constant 125 : i32
    %lt3A_72 = arith.cmpi slt, %add3A_70, %lt3A_71 : i32
    %convert_element_type3A_73 = arith.extui %lt3A_72 : i1 to i32
    %cond3A_74 = arith.constant 0 : i32
    %cond3A_75 = arith.cmpi ne, %convert_element_type3A_73, %cond3A_74 : i32
    scf.if %cond3A_75 {
      %mul3A_125 = arith.constant 80 : i32
      %mul3A_126 = arith.muli %add3A_70, %mul3A_125 : i32
      %mul3A_127 = arith.constant 10000 : i32
      %mul3A_128 = arith.muli %arg0, %mul3A_127 : i32
      %mul3A_129 = arith.constant 80 : i32
      %mul3A_130 = arith.muli %add3A_70, %mul3A_129 : i32
      %add3A_131 = arith.addi %mul3A_128, %mul3A_130 : i32
      "tpu.region"() ({
        %run_scoped3A = tpu.sem_alloc : memref<!tpu.dma_semaphore, #tpu.memory_space<semaphore_mem>>
        %dma_start3A = arith.constant 0 : i32
        %dma_start3A_132 = tpu.memref_slice %arg5[%add3A_131, %dma_start3A] : memref<20000x128xf32, #tpu.memory_space<hbm>> -> memref<80x128xf32, #tpu.memory_space<hbm>>
        %dma_start3A_133 = arith.constant 0 : i32
        %dma_start3A_134 = tpu.memref_slice %arg9[%mul3A_126, %dma_start3A_133] : memref<10000x128xf32, #tpu.memory_space<vmem_shared>> -> memref<80x128xf32, #tpu.memory_space<vmem_shared>>
        tpu.enqueue_dma source(%dma_start3A_134 : memref<80x128xf32, #tpu.memory_space<vmem_shared>>) target(%dma_start3A_132 : memref<80x128xf32, #tpu.memory_space<hbm>>) target_semaphore(%run_scoped3A : memref<!tpu.dma_semaphore, #tpu.memory_space<semaphore_mem>>)
        %dma_wait3A = arith.constant 0 : i32
        %dma_wait3A_135 = tpu.memref_slice %arg5[%add3A_131, %dma_wait3A] : memref<20000x128xf32, #tpu.memory_space<hbm>> -> memref<80x128xf32, #tpu.memory_space<hbm>>
        %dma_wait3A_136 = arith.constant 0 : i32
        %dma_wait3A_137 = tpu.memref_slice %arg9[%mul3A_126, %dma_wait3A_136] : memref<10000x128xf32, #tpu.memory_space<vmem_shared>> -> memref<80x128xf32, #tpu.memory_space<vmem_shared>>
        tpu.wait_dma2 semaphore(%run_scoped3A : memref<!tpu.dma_semaphore, #tpu.memory_space<semaphore_mem>>) src(%dma_wait3A_137 : memref<80x128xf32, #tpu.memory_space<vmem_shared>>) dst(%dma_wait3A_135 : memref<80x128xf32, #tpu.memory_space<hbm>>)
        tpu.yield
      }) : () -> ()
    } else {
    }
    %add3A_76 = arith.constant 16 : i32
    %add3A_77 = arith.addi %arg1, %add3A_76 : i32
    %lt3A_78 = arith.constant 125 : i32
    %lt3A_79 = arith.cmpi slt, %add3A_77, %lt3A_78 : i32
    %convert_element_type3A_80 = arith.extui %lt3A_79 : i1 to i32
    %cond3A_81 = arith.constant 0 : i32
    %cond3A_82 = arith.cmpi ne, %convert_element_type3A_80, %cond3A_81 : i32
    scf.if %cond3A_82 {
      %mul3A_125 = arith.constant 80 : i32
      %mul3A_126 = arith.muli %add3A_77, %mul3A_125 : i32
      %mul3A_127 = arith.constant 10000 : i32
      %mul3A_128 = arith.muli %arg0, %mul3A_127 : i32
      %mul3A_129 = arith.constant 80 : i32
      %mul3A_130 = arith.muli %add3A_77, %mul3A_129 : i32
      %add3A_131 = arith.addi %mul3A_128, %mul3A_130 : i32
      "tpu.region"() ({
        %run_scoped3A = tpu.sem_alloc : memref<!tpu.dma_semaphore, #tpu.memory_space<semaphore_mem>>
        %dma_start3A = arith.constant 0 : i32
        %dma_start3A_132 = tpu.memref_slice %arg5[%add3A_131, %dma_start3A] : memref<20000x128xf32, #tpu.memory_space<hbm>> -> memref<80x128xf32, #tpu.memory_space<hbm>>
        %dma_start3A_133 = arith.constant 0 : i32
        %dma_start3A_134 = tpu.memref_slice %arg9[%mul3A_126, %dma_start3A_133] : memref<10000x128xf32, #tpu.memory_space<vmem_shared>> -> memref<80x128xf32, #tpu.memory_space<vmem_shared>>
        tpu.enqueue_dma source(%dma_start3A_134 : memref<80x128xf32, #tpu.memory_space<vmem_shared>>) target(%dma_start3A_132 : memref<80x128xf32, #tpu.memory_space<hbm>>) target_semaphore(%run_scoped3A : memref<!tpu.dma_semaphore, #tpu.memory_space<semaphore_mem>>)
        %dma_wait3A = arith.constant 0 : i32
        %dma_wait3A_135 = tpu.memref_slice %arg5[%add3A_131, %dma_wait3A] : memref<20000x128xf32, #tpu.memory_space<hbm>> -> memref<80x128xf32, #tpu.memory_space<hbm>>
        %dma_wait3A_136 = arith.constant 0 : i32
        %dma_wait3A_137 = tpu.memref_slice %arg9[%mul3A_126, %dma_wait3A_136] : memref<10000x128xf32, #tpu.memory_space<vmem_shared>> -> memref<80x128xf32, #tpu.memory_space<vmem_shared>>
        tpu.wait_dma2 semaphore(%run_scoped3A : memref<!tpu.dma_semaphore, #tpu.memory_space<semaphore_mem>>) src(%dma_wait3A_137 : memref<80x128xf32, #tpu.memory_space<vmem_shared>>) dst(%dma_wait3A_135 : memref<80x128xf32, #tpu.memory_space<hbm>>)
        tpu.yield
      }) : () -> ()
    } else {
    }
    %add3A_83 = arith.constant 32 : i32
    %add3A_84 = arith.addi %arg1, %add3A_83 : i32
    %lt3A_85 = arith.constant 125 : i32
    %lt3A_86 = arith.cmpi slt, %add3A_84, %lt3A_85 : i32
    %convert_element_type3A_87 = arith.extui %lt3A_86 : i1 to i32
    %cond3A_88 = arith.constant 0 : i32
    %cond3A_89 = arith.cmpi ne, %convert_element_type3A_87, %cond3A_88 : i32
    scf.if %cond3A_89 {
      %mul3A_125 = arith.constant 80 : i32
      %mul3A_126 = arith.muli %add3A_84, %mul3A_125 : i32
      %mul3A_127 = arith.constant 10000 : i32
      %mul3A_128 = arith.muli %arg0, %mul3A_127 : i32
      %mul3A_129 = arith.constant 80 : i32
      %mul3A_130 = arith.muli %add3A_84, %mul3A_129 : i32
      %add3A_131 = arith.addi %mul3A_128, %mul3A_130 : i32
      "tpu.region"() ({
        %run_scoped3A = tpu.sem_alloc : memref<!tpu.dma_semaphore, #tpu.memory_space<semaphore_mem>>
        %dma_start3A = arith.constant 0 : i32
        %dma_start3A_132 = tpu.memref_slice %arg5[%add3A_131, %dma_start3A] : memref<20000x128xf32, #tpu.memory_space<hbm>> -> memref<80x128xf32, #tpu.memory_space<hbm>>
        %dma_start3A_133 = arith.constant 0 : i32
        %dma_start3A_134 = tpu.memref_slice %arg9[%mul3A_126, %dma_start3A_133] : memref<10000x128xf32, #tpu.memory_space<vmem_shared>> -> memref<80x128xf32, #tpu.memory_space<vmem_shared>>
        tpu.enqueue_dma source(%dma_start3A_134 : memref<80x128xf32, #tpu.memory_space<vmem_shared>>) target(%dma_start3A_132 : memref<80x128xf32, #tpu.memory_space<hbm>>) target_semaphore(%run_scoped3A : memref<!tpu.dma_semaphore, #tpu.memory_space<semaphore_mem>>)
        %dma_wait3A = arith.constant 0 : i32
        %dma_wait3A_135 = tpu.memref_slice %arg5[%add3A_131, %dma_wait3A] : memref<20000x128xf32, #tpu.memory_space<hbm>> -> memref<80x128xf32, #tpu.memory_space<hbm>>
        %dma_wait3A_136 = arith.constant 0 : i32
        %dma_wait3A_137 = tpu.memref_slice %arg9[%mul3A_126, %dma_wait3A_136] : memref<10000x128xf32, #tpu.memory_space<vmem_shared>> -> memref<80x128xf32, #tpu.memory_space<vmem_shared>>
        tpu.wait_dma2 semaphore(%run_scoped3A : memref<!tpu.dma_semaphore, #tpu.memory_space<semaphore_mem>>) src(%dma_wait3A_137 : memref<80x128xf32, #tpu.memory_space<vmem_shared>>) dst(%dma_wait3A_135 : memref<80x128xf32, #tpu.memory_space<hbm>>)
        tpu.yield
      }) : () -> ()
    } else {
    }
    %add3A_90 = arith.constant 48 : i32
    %add3A_91 = arith.addi %arg1, %add3A_90 : i32
    %lt3A_92 = arith.constant 125 : i32
    %lt3A_93 = arith.cmpi slt, %add3A_91, %lt3A_92 : i32
    %convert_element_type3A_94 = arith.extui %lt3A_93 : i1 to i32
    %cond3A_95 = arith.constant 0 : i32
    %cond3A_96 = arith.cmpi ne, %convert_element_type3A_94, %cond3A_95 : i32
    scf.if %cond3A_96 {
      %mul3A_125 = arith.constant 80 : i32
      %mul3A_126 = arith.muli %add3A_91, %mul3A_125 : i32
      %mul3A_127 = arith.constant 10000 : i32
      %mul3A_128 = arith.muli %arg0, %mul3A_127 : i32
      %mul3A_129 = arith.constant 80 : i32
      %mul3A_130 = arith.muli %add3A_91, %mul3A_129 : i32
      %add3A_131 = arith.addi %mul3A_128, %mul3A_130 : i32
      "tpu.region"() ({
        %run_scoped3A = tpu.sem_alloc : memref<!tpu.dma_semaphore, #tpu.memory_space<semaphore_mem>>
        %dma_start3A = arith.constant 0 : i32
        %dma_start3A_132 = tpu.memref_slice %arg5[%add3A_131, %dma_start3A] : memref<20000x128xf32, #tpu.memory_space<hbm>> -> memref<80x128xf32, #tpu.memory_space<hbm>>
        %dma_start3A_133 = arith.constant 0 : i32
        %dma_start3A_134 = tpu.memref_slice %arg9[%mul3A_126, %dma_start3A_133] : memref<10000x128xf32, #tpu.memory_space<vmem_shared>> -> memref<80x128xf32, #tpu.memory_space<vmem_shared>>
        tpu.enqueue_dma source(%dma_start3A_134 : memref<80x128xf32, #tpu.memory_space<vmem_shared>>) target(%dma_start3A_132 : memref<80x128xf32, #tpu.memory_space<hbm>>) target_semaphore(%run_scoped3A : memref<!tpu.dma_semaphore, #tpu.memory_space<semaphore_mem>>)
        %dma_wait3A = arith.constant 0 : i32
        %dma_wait3A_135 = tpu.memref_slice %arg5[%add3A_131, %dma_wait3A] : memref<20000x128xf32, #tpu.memory_space<hbm>> -> memref<80x128xf32, #tpu.memory_space<hbm>>
        %dma_wait3A_136 = arith.constant 0 : i32
        %dma_wait3A_137 = tpu.memref_slice %arg9[%mul3A_126, %dma_wait3A_136] : memref<10000x128xf32, #tpu.memory_space<vmem_shared>> -> memref<80x128xf32, #tpu.memory_space<vmem_shared>>
        tpu.wait_dma2 semaphore(%run_scoped3A : memref<!tpu.dma_semaphore, #tpu.memory_space<semaphore_mem>>) src(%dma_wait3A_137 : memref<80x128xf32, #tpu.memory_space<vmem_shared>>) dst(%dma_wait3A_135 : memref<80x128xf32, #tpu.memory_space<hbm>>)
        tpu.yield
      }) : () -> ()
    } else {
    }
    %add3A_97 = arith.constant 64 : i32
    %add3A_98 = arith.addi %arg1, %add3A_97 : i32
    %lt3A_99 = arith.constant 125 : i32
    %lt3A_100 = arith.cmpi slt, %add3A_98, %lt3A_99 : i32
    %convert_element_type3A_101 = arith.extui %lt3A_100 : i1 to i32
    %cond3A_102 = arith.constant 0 : i32
    %cond3A_103 = arith.cmpi ne, %convert_element_type3A_101, %cond3A_102 : i32
    scf.if %cond3A_103 {
      %mul3A_125 = arith.constant 80 : i32
      %mul3A_126 = arith.muli %add3A_98, %mul3A_125 : i32
      %mul3A_127 = arith.constant 10000 : i32
      %mul3A_128 = arith.muli %arg0, %mul3A_127 : i32
      %mul3A_129 = arith.constant 80 : i32
      %mul3A_130 = arith.muli %add3A_98, %mul3A_129 : i32
      %add3A_131 = arith.addi %mul3A_128, %mul3A_130 : i32
      "tpu.region"() ({
        %run_scoped3A = tpu.sem_alloc : memref<!tpu.dma_semaphore, #tpu.memory_space<semaphore_mem>>
        %dma_start3A = arith.constant 0 : i32
        %dma_start3A_132 = tpu.memref_slice %arg5[%add3A_131, %dma_start3A] : memref<20000x128xf32, #tpu.memory_space<hbm>> -> memref<80x128xf32, #tpu.memory_space<hbm>>
        %dma_start3A_133 = arith.constant 0 : i32
        %dma_start3A_134 = tpu.memref_slice %arg9[%mul3A_126, %dma_start3A_133] : memref<10000x128xf32, #tpu.memory_space<vmem_shared>> -> memref<80x128xf32, #tpu.memory_space<vmem_shared>>
        tpu.enqueue_dma source(%dma_start3A_134 : memref<80x128xf32, #tpu.memory_space<vmem_shared>>) target(%dma_start3A_132 : memref<80x128xf32, #tpu.memory_space<hbm>>) target_semaphore(%run_scoped3A : memref<!tpu.dma_semaphore, #tpu.memory_space<semaphore_mem>>)
        %dma_wait3A = arith.constant 0 : i32
        %dma_wait3A_135 = tpu.memref_slice %arg5[%add3A_131, %dma_wait3A] : memref<20000x128xf32, #tpu.memory_space<hbm>> -> memref<80x128xf32, #tpu.memory_space<hbm>>
        %dma_wait3A_136 = arith.constant 0 : i32
        %dma_wait3A_137 = tpu.memref_slice %arg9[%mul3A_126, %dma_wait3A_136] : memref<10000x128xf32, #tpu.memory_space<vmem_shared>> -> memref<80x128xf32, #tpu.memory_space<vmem_shared>>
        tpu.wait_dma2 semaphore(%run_scoped3A : memref<!tpu.dma_semaphore, #tpu.memory_space<semaphore_mem>>) src(%dma_wait3A_137 : memref<80x128xf32, #tpu.memory_space<vmem_shared>>) dst(%dma_wait3A_135 : memref<80x128xf32, #tpu.memory_space<hbm>>)
        tpu.yield
      }) : () -> ()
    } else {
    }
    %add3A_104 = arith.constant 80 : i32
    %add3A_105 = arith.addi %arg1, %add3A_104 : i32
    %lt3A_106 = arith.constant 125 : i32
    %lt3A_107 = arith.cmpi slt, %add3A_105, %lt3A_106 : i32
    %convert_element_type3A_108 = arith.extui %lt3A_107 : i1 to i32
    %cond3A_109 = arith.constant 0 : i32
    %cond3A_110 = arith.cmpi ne, %convert_element_type3A_108, %cond3A_109 : i32
    scf.if %cond3A_110 {
      %mul3A_125 = arith.constant 80 : i32
      %mul3A_126 = arith.muli %add3A_105, %mul3A_125 : i32
      %mul3A_127 = arith.constant 10000 : i32
      %mul3A_128 = arith.muli %arg0, %mul3A_127 : i32
      %mul3A_129 = arith.constant 80 : i32
      %mul3A_130 = arith.muli %add3A_105, %mul3A_129 : i32
      %add3A_131 = arith.addi %mul3A_128, %mul3A_130 : i32
      "tpu.region"() ({
        %run_scoped3A = tpu.sem_alloc : memref<!tpu.dma_semaphore, #tpu.memory_space<semaphore_mem>>
        %dma_start3A = arith.constant 0 : i32
        %dma_start3A_132 = tpu.memref_slice %arg5[%add3A_131, %dma_start3A] : memref<20000x128xf32, #tpu.memory_space<hbm>> -> memref<80x128xf32, #tpu.memory_space<hbm>>
        %dma_start3A_133 = arith.constant 0 : i32
        %dma_start3A_134 = tpu.memref_slice %arg9[%mul3A_126, %dma_start3A_133] : memref<10000x128xf32, #tpu.memory_space<vmem_shared>> -> memref<80x128xf32, #tpu.memory_space<vmem_shared>>
        tpu.enqueue_dma source(%dma_start3A_134 : memref<80x128xf32, #tpu.memory_space<vmem_shared>>) target(%dma_start3A_132 : memref<80x128xf32, #tpu.memory_space<hbm>>) target_semaphore(%run_scoped3A : memref<!tpu.dma_semaphore, #tpu.memory_space<semaphore_mem>>)
        %dma_wait3A = arith.constant 0 : i32
        %dma_wait3A_135 = tpu.memref_slice %arg5[%add3A_131, %dma_wait3A] : memref<20000x128xf32, #tpu.memory_space<hbm>> -> memref<80x128xf32, #tpu.memory_space<hbm>>
        %dma_wait3A_136 = arith.constant 0 : i32
        %dma_wait3A_137 = tpu.memref_slice %arg9[%mul3A_126, %dma_wait3A_136] : memref<10000x128xf32, #tpu.memory_space<vmem_shared>> -> memref<80x128xf32, #tpu.memory_space<vmem_shared>>
        tpu.wait_dma2 semaphore(%run_scoped3A : memref<!tpu.dma_semaphore, #tpu.memory_space<semaphore_mem>>) src(%dma_wait3A_137 : memref<80x128xf32, #tpu.memory_space<vmem_shared>>) dst(%dma_wait3A_135 : memref<80x128xf32, #tpu.memory_space<hbm>>)
        tpu.yield
      }) : () -> ()
    } else {
    }
    %add3A_111 = arith.constant 96 : i32
    %add3A_112 = arith.addi %arg1, %add3A_111 : i32
    %lt3A_113 = arith.constant 125 : i32
    %lt3A_114 = arith.cmpi slt, %add3A_112, %lt3A_113 : i32
    %convert_element_type3A_115 = arith.extui %lt3A_114 : i1 to i32
    %cond3A_116 = arith.constant 0 : i32
    %cond3A_117 = arith.cmpi ne, %convert_element_type3A_115, %cond3A_116 : i32
    scf.if %cond3A_117 {
      %mul3A_125 = arith.constant 80 : i32
      %mul3A_126 = arith.muli %add3A_112, %mul3A_125 : i32
      %mul3A_127 = arith.constant 10000 : i32
      %mul3A_128 = arith.muli %arg0, %mul3A_127 : i32
      %mul3A_129 = arith.constant 80 : i32
      %mul3A_130 = arith.muli %add3A_112, %mul3A_129 : i32
      %add3A_131 = arith.addi %mul3A_128, %mul3A_130 : i32
      "tpu.region"() ({
        %run_scoped3A = tpu.sem_alloc : memref<!tpu.dma_semaphore, #tpu.memory_space<semaphore_mem>>
        %dma_start3A = arith.constant 0 : i32
        %dma_start3A_132 = tpu.memref_slice %arg5[%add3A_131, %dma_start3A] : memref<20000x128xf32, #tpu.memory_space<hbm>> -> memref<80x128xf32, #tpu.memory_space<hbm>>
        %dma_start3A_133 = arith.constant 0 : i32
        %dma_start3A_134 = tpu.memref_slice %arg9[%mul3A_126, %dma_start3A_133] : memref<10000x128xf32, #tpu.memory_space<vmem_shared>> -> memref<80x128xf32, #tpu.memory_space<vmem_shared>>
        tpu.enqueue_dma source(%dma_start3A_134 : memref<80x128xf32, #tpu.memory_space<vmem_shared>>) target(%dma_start3A_132 : memref<80x128xf32, #tpu.memory_space<hbm>>) target_semaphore(%run_scoped3A : memref<!tpu.dma_semaphore, #tpu.memory_space<semaphore_mem>>)
        %dma_wait3A = arith.constant 0 : i32
        %dma_wait3A_135 = tpu.memref_slice %arg5[%add3A_131, %dma_wait3A] : memref<20000x128xf32, #tpu.memory_space<hbm>> -> memref<80x128xf32, #tpu.memory_space<hbm>>
        %dma_wait3A_136 = arith.constant 0 : i32
        %dma_wait3A_137 = tpu.memref_slice %arg9[%mul3A_126, %dma_wait3A_136] : memref<10000x128xf32, #tpu.memory_space<vmem_shared>> -> memref<80x128xf32, #tpu.memory_space<vmem_shared>>
        tpu.wait_dma2 semaphore(%run_scoped3A : memref<!tpu.dma_semaphore, #tpu.memory_space<semaphore_mem>>) src(%dma_wait3A_137 : memref<80x128xf32, #tpu.memory_space<vmem_shared>>) dst(%dma_wait3A_135 : memref<80x128xf32, #tpu.memory_space<hbm>>)
        tpu.yield
      }) : () -> ()
    } else {
    }
    %add3A_118 = arith.constant 112 : i32
    %add3A_119 = arith.addi %arg1, %add3A_118 : i32
    %lt3A_120 = arith.constant 125 : i32
    %lt3A_121 = arith.cmpi slt, %add3A_119, %lt3A_120 : i32
    %convert_element_type3A_122 = arith.extui %lt3A_121 : i1 to i32
    %cond3A_123 = arith.constant 0 : i32
    %cond3A_124 = arith.cmpi ne, %convert_element_type3A_122, %cond3A_123 : i32
    scf.if %cond3A_124 {
      %mul3A_125 = arith.constant 80 : i32
      %mul3A_126 = arith.muli %add3A_119, %mul3A_125 : i32
      %mul3A_127 = arith.constant 10000 : i32
      %mul3A_128 = arith.muli %arg0, %mul3A_127 : i32
      %mul3A_129 = arith.constant 80 : i32
      %mul3A_130 = arith.muli %add3A_119, %mul3A_129 : i32
      %add3A_131 = arith.addi %mul3A_128, %mul3A_130 : i32
      "tpu.region"() ({
        %run_scoped3A = tpu.sem_alloc : memref<!tpu.dma_semaphore, #tpu.memory_space<semaphore_mem>>
        %dma_start3A = arith.constant 0 : i32
        %dma_start3A_132 = tpu.memref_slice %arg5[%add3A_131, %dma_start3A] : memref<20000x128xf32, #tpu.memory_space<hbm>> -> memref<80x128xf32, #tpu.memory_space<hbm>>
        %dma_start3A_133 = arith.constant 0 : i32
        %dma_start3A_134 = tpu.memref_slice %arg9[%mul3A_126, %dma_start3A_133] : memref<10000x128xf32, #tpu.memory_space<vmem_shared>> -> memref<80x128xf32, #tpu.memory_space<vmem_shared>>
        tpu.enqueue_dma source(%dma_start3A_134 : memref<80x128xf32, #tpu.memory_space<vmem_shared>>) target(%dma_start3A_132 : memref<80x128xf32, #tpu.memory_space<hbm>>) target_semaphore(%run_scoped3A : memref<!tpu.dma_semaphore, #tpu.memory_space<semaphore_mem>>)
        %dma_wait3A = arith.constant 0 : i32
        %dma_wait3A_135 = tpu.memref_slice %arg5[%add3A_131, %dma_wait3A] : memref<20000x128xf32, #tpu.memory_space<hbm>> -> memref<80x128xf32, #tpu.memory_space<hbm>>
        %dma_wait3A_136 = arith.constant 0 : i32
        %dma_wait3A_137 = tpu.memref_slice %arg9[%mul3A_126, %dma_wait3A_136] : memref<10000x128xf32, #tpu.memory_space<vmem_shared>> -> memref<80x128xf32, #tpu.memory_space<vmem_shared>>
        tpu.wait_dma2 semaphore(%run_scoped3A : memref<!tpu.dma_semaphore, #tpu.memory_space<semaphore_mem>>) src(%dma_wait3A_137 : memref<80x128xf32, #tpu.memory_space<vmem_shared>>) dst(%dma_wait3A_135 : memref<80x128xf32, #tpu.memory_space<hbm>>)
        tpu.yield
      }) : () -> ()
    } else {
    }
    return
  }
}

module attributes {stable_mosaic.version = 14 : i64} {
  func.func @_tc1_body(%arg0: i32, %arg1: i32, %arg2: memref<2000x1xf32, #tpu.memory_space<vmem>>, %arg3: memref<2000x1xf32, #tpu.memory_space<vmem>>, %arg4: memref<2000x256xf32, #tpu.memory_space<vmem>>, %arg5: memref<256x128xf32, #tpu.memory_space<vmem>>, %arg6: memref<2000x128xf32, #tpu.memory_space<vmem>>, %arg7: memref<2000x1xf32, #tpu.memory_space<vmem>>) attributes {dimension_semantics = [#tpu.dimension_semantics<arbitrary>, #tpu.dimension_semantics<arbitrary>], iteration_bounds = array<i64: 2, 5>, scalar_prefetch = 0 : i64, scratch_operands = 0 : i64, tpu.core_type = #tpu.core_type<tc>, window_params = [{transform_indices = @transform_0, window_bounds = array<i64: 2000, 1>}, {transform_indices = @transform_1, window_bounds = array<i64: 2000, 1>}, {transform_indices = @transform_2, window_bounds = array<i64: 2000, 256>}, {transform_indices = @transform_3, window_bounds = array<i64: 256, 128>}, {transform_indices = @transform_4, window_bounds = array<i64: 2000, 128>}, {transform_indices = @transform_5, window_bounds = array<i64: 2000, 1>}]} {
    %get3A = arith.constant 0 : index
    %get3A_0 = arith.constant 0 : index
    %get3A_1 = vector.load %arg2[%get3A, %get3A_0] : memref<2000x1xf32, #tpu.memory_space<vmem>>, vector<2000x1xf32>
    %add3A = arith.constant 1.000000e+00 : f32
    %add3A_2 = vector.broadcast %add3A : f32 to vector<2000x1xf32>
    %add3A_3 = arith.addf %add3A_2, %get3A_1 : vector<2000x1xf32>
    %get3A_4 = arith.constant 0 : index
    %get3A_5 = arith.constant 0 : index
    %get3A_6 = vector.load %arg3[%get3A_4, %get3A_5] : memref<2000x1xf32, #tpu.memory_space<vmem>>, vector<2000x1xf32>
    %add3A_7 = arith.addf %add3A_3, %get3A_6 : vector<2000x1xf32>
    %rsqrt3A = math.rsqrt %add3A_7 : vector<2000x1xf32>
    %get3A_8 = arith.constant 0 : index
    %get3A_9 = arith.constant 0 : index
    %get3A_10 = vector.load %arg4[%get3A_8, %get3A_9] : memref<2000x256xf32, #tpu.memory_space<vmem>>, vector<2000x256xf32>
    %get3A_11 = arith.constant 0 : index
    %get3A_12 = arith.constant 0 : index
    %get3A_13 = vector.load %arg5[%get3A_11, %get3A_12] : memref<256x128xf32, #tpu.memory_space<vmem>>, vector<256x128xf32>
    %dot_general3A = arith.constant dense<0.000000e+00> : vector<2000x128xf32>
    %dot_general3A_14 = tpu.matmul %get3A_10, %get3A_13, %dot_general3A {dimension_numbers = #tpu.dot_dimension_numbers<[1], [0], [0], [1], [0, 0, 1, 1], [], []>, transpose_lhs_hint = false} : vector<2000x256xf32>, vector<256x128xf32>, vector<2000x128xf32> -> vector<2000x128xf32>
    %mul3A = vector.broadcast %rsqrt3A : vector<2000x1xf32> to vector<2000x128xf32>
    %mul3A_15 = arith.mulf %mul3A, %dot_general3A_14 : vector<2000x128xf32>
    %swap3A = arith.constant 0 : index
    %swap3A_16 = arith.constant 0 : index
    %swap3A_17 = vector.load %arg6[%swap3A, %swap3A_16] : memref<2000x128xf32, #tpu.memory_space<vmem>>, vector<2000x128xf32>
    tpu.vector_store %arg6[%swap3A, %swap3A_16], %mul3A_15 {strides = array<i32>} : memref<2000x128xf32, #tpu.memory_space<vmem>>, vector<2000x128xf32>,
    %swap3A_18 = arith.constant 0 : index
    %swap3A_19 = arith.constant 0 : index
    %swap3A_20 = vector.load %arg7[%swap3A_18, %swap3A_19] : memref<2000x1xf32, #tpu.memory_space<vmem>>, vector<2000x1xf32>
    tpu.vector_store %arg7[%swap3A_18, %swap3A_19], %rsqrt3A {strides = array<i32>} : memref<2000x1xf32, #tpu.memory_space<vmem>>, vector<2000x1xf32>,
    return
  }
  func.func @transform_0(%arg0: i32, %arg1: i32) -> (i32, i32) {
    %c0_i32 = arith.constant 0 : i32
    %c0_i32_0 = arith.constant 0 : i32
    return %arg1, %c0_i32 : i32, i32
  }
  func.func @transform_1(%arg0: i32, %arg1: i32) -> (i32, i32) {
    %c0_i32 = arith.constant 0 : i32
    %c0_i32_0 = arith.constant 0 : i32
    return %arg1, %c0_i32 : i32, i32
  }
  func.func @transform_2(%arg0: i32, %arg1: i32) -> (i32, i32) {
    %c0_i32 = arith.constant 0 : i32
    %c0_i32_0 = arith.constant 0 : i32
    return %arg1, %c0_i32 : i32, i32
  }
  func.func @transform_3(%arg0: i32, %arg1: i32) -> (i32, i32) {
    %c0_i32 = arith.constant 0 : i32
    %c0_i32_0 = arith.constant 0 : i32
    return %c0_i32, %arg0 : i32, i32
  }
  func.func @transform_4(%arg0: i32, %arg1: i32) -> (i32, i32) {
    %mul3A = arith.constant 5 : i32
    %mul3A_0 = arith.muli %arg0, %mul3A : i32
    %add3A = arith.addi %mul3A_0, %arg1 : i32
    %c0_i32 = arith.constant 0 : i32
    %c0_i32_1 = arith.constant 0 : i32
    return %add3A, %c0_i32 : i32, i32
  }
  func.func @transform_5(%arg0: i32, %arg1: i32) -> (i32, i32) {
    %c0_i32 = arith.constant 0 : i32
    %c0_i32_0 = arith.constant 0 : i32
    return %arg1, %c0_i32 : i32, i32
  }
}

module attributes {stable_mosaic.version = 14 : i64} {
  func.func @_tc2_body(%arg0: i32, %arg1: memref<2x2000x128xf32, #tpu.memory_space<vmem>>, %arg2: memref<2x2000x128xf32, #tpu.memory_space<vmem>>, %arg3: memref<2000x1xf32, #tpu.memory_space<vmem>>, %arg4: memref<1x256xf32, #tpu.memory_space<vmem>>, %arg5: memref<1x1xf32, #tpu.memory_space<vmem>>, %arg6: memref<256x256xf32, #tpu.memory_space<vmem>>, %arg7: memref<2000x256xf32, #tpu.memory_space<vmem>>, %arg8: memref<2x2000x128xf32, #tpu.memory_space<vmem>>) attributes {dimension_semantics = [#tpu.dimension_semantics<arbitrary>], iteration_bounds = array<i64: 5>, scalar_prefetch = 0 : i64, scratch_operands = 0 : i64, tpu.core_type = #tpu.core_type<tc>, window_params = [{transform_indices = @transform_0, window_bounds = array<i64: 2, 2000, 128>}, {transform_indices = @transform_1, window_bounds = array<i64: 2, 2000, 128>}, {transform_indices = @transform_2, window_bounds = array<i64: 2000, 1>}, {pipeline_mode = #tpu.pipeline_mode<synchronous>, transform_indices = @transform_3, window_bounds = array<i64: 1, 256>}, {pipeline_mode = #tpu.pipeline_mode<synchronous>, transform_indices = @transform_4, window_bounds = array<i64: 1, 1>}, {pipeline_mode = #tpu.pipeline_mode<synchronous>, transform_indices = @transform_5, window_bounds = array<i64: 256, 256>}, {transform_indices = @transform_6, window_bounds = array<i64: 2000, 256>}, {transform_indices = @transform_7, window_bounds = array<i64: 2, 2000, 128>}]} {
    %get3A = arith.constant 0 : index
    %get3A_0 = arith.constant 0 : index
    %get3A_1 = vector.load %arg3[%get3A, %get3A_0] : memref<2000x1xf32, #tpu.memory_space<vmem>>, vector<2000x1xf32>
    %get3A_2 = arith.constant 0 : index
    %get3A_3 = arith.constant 0 : index
    %get3A_4 = arith.constant 0 : index
    %get3A_5 = vector.load %arg1[%get3A_2, %get3A_3, %get3A_4] : memref<2x2000x128xf32, #tpu.memory_space<vmem>>, vector<2x2000x128xf32>
    %get3A_6 = arith.constant 0 : index
    %get3A_7 = arith.constant 0 : index
    %get3A_8 = arith.constant 0 : index
    %get3A_9 = vector.load %arg2[%get3A_6, %get3A_7, %get3A_8] : memref<2x2000x128xf32, #tpu.memory_space<vmem>>, vector<2x2000x128xf32>
    %add3A = arith.addf %get3A_5, %get3A_9 : vector<2x2000x128xf32>
    %slice3A = vector.extract_strided_slice %add3A {offsets = [0, 0, 0], sizes = [1, 2000, 128], strides = [1, 1, 1]} : vector<2x2000x128xf32> to vector<1x2000x128xf32>
    %squeeze3A = vector.shape_cast %slice3A : vector<1x2000x128xf32> to vector<2000x128xf32>
    %slice3A_10 = vector.extract_strided_slice %add3A {offsets = [1, 0, 0], sizes = [1, 2000, 128], strides = [1, 1, 1]} : vector<2x2000x128xf32> to vector<1x2000x128xf32>
    %squeeze3A_11 = vector.shape_cast %slice3A_10 : vector<1x2000x128xf32> to vector<2000x128xf32>
    %concatenate3A = tpu.concatenate %squeeze3A, %squeeze3A_11 in 1 : vector<2000x128xf32>, vector<2000x128xf32> -> vector<2000x256xf32>
    %mul3A = vector.broadcast %get3A_1 : vector<2000x1xf32> to vector<2000x256xf32>
    %mul3A_12 = arith.mulf %mul3A, %concatenate3A : vector<2000x256xf32>
    %get3A_13 = arith.constant 0 : index
    %get3A_14 = arith.constant 0 : index
    %get3A_15 = vector.load %arg4[%get3A_13, %get3A_14] : memref<1x256xf32, #tpu.memory_space<vmem>>, vector<1x256xf32>
    %add3A_16 = vector.broadcast %get3A_15 : vector<1x256xf32> to vector<2000x256xf32>
    %add3A_17 = arith.addf %mul3A_12, %add3A_16 : vector<2000x256xf32>
    %swap3A = arith.constant 0 : index
    %swap3A_18 = arith.constant 0 : index
    %swap3A_19 = vector.load %arg7[%swap3A, %swap3A_18] : memref<2000x256xf32, #tpu.memory_space<vmem>>, vector<2000x256xf32>
    tpu.vector_store %arg7[%swap3A, %swap3A_18], %add3A_17 {strides = array<i32>} : memref<2000x256xf32, #tpu.memory_space<vmem>>, vector<2000x256xf32>,
    %get3A_20 = arith.constant 0 : index
    %get3A_21 = arith.constant 0 : index
    %get3A_22 = vector.load %arg5[%get3A_20, %get3A_21] : memref<1x1xf32, #tpu.memory_space<vmem>>, vector<1x1xf32>
    %get3A_23 = vector.extract %get3A_22[0, 0] : f32 from vector<1x1xf32>
    %ge3A = arith.constant 0.000000e+00 : f32
    %ge3A_24 = vector.broadcast %ge3A : f32 to vector<2000x256xf32>
    %ge3A_25 = arith.cmpf oge, %add3A_17, %ge3A_24 : vector<2000x256xf32>
    %mul3A_26 = vector.broadcast %get3A_23 : f32 to vector<2000x256xf32>
    %mul3A_27 = arith.mulf %mul3A_26, %add3A_17 : vector<2000x256xf32>
    %select_n3A = arith.select %ge3A_25, %add3A_17, %mul3A_27 : vector<2000x256xi1>, vector<2000x256xf32>
    %get3A_28 = arith.constant 0 : index
    %get3A_29 = arith.constant 0 : index
    %get3A_30 = vector.load %arg6[%get3A_28, %get3A_29] : memref<256x256xf32, #tpu.memory_space<vmem>>, vector<256x256xf32>
    %dot_general3A = arith.constant dense<0.000000e+00> : vector<2000x256xf32>
    %dot_general3A_31 = tpu.matmul %select_n3A, %get3A_30, %dot_general3A {dimension_numbers = #tpu.dot_dimension_numbers<[1], [0], [0], [1], [0, 0, 1, 1], [], []>, transpose_lhs_hint = false} : vector<2000x256xf32>, vector<256x256xf32>, vector<2000x256xf32> -> vector<2000x256xf32>
    %mul3A_32 = vector.broadcast %get3A_1 : vector<2000x1xf32> to vector<2000x256xf32>
    %mul3A_33 = arith.mulf %dot_general3A_31, %mul3A_32 : vector<2000x256xf32>
    %slice3A_34 = vector.extract_strided_slice %mul3A_33 {offsets = [0, 0], sizes = [2000, 128], strides = [1, 1]} : vector<2000x256xf32> to vector<2000x128xf32>
    %swap3A_35 = arith.constant 0 : index
    %swap3A_36 = arith.constant 0 : index
    %swap3A_37 = arith.constant 0 : index
    %swap3A_38 = vector.load %arg8[%swap3A_35, %swap3A_36, %swap3A_37] : memref<2x2000x128xf32, #tpu.memory_space<vmem>>, vector<1x2000x128xf32>
    %swap3A_39 = vector.shape_cast %swap3A_38 : vector<1x2000x128xf32> to vector<2000x128xf32>
    %swap3A_40 = vector.shape_cast %slice3A_34 : vector<2000x128xf32> to vector<1x2000x128xf32>
    tpu.vector_store %arg8[%swap3A_35, %swap3A_36, %swap3A_37], %swap3A_40 {strides = array<i32>} : memref<2x2000x128xf32, #tpu.memory_space<vmem>>, vector<1x2000x128xf32>,
    %slice3A_41 = vector.extract_strided_slice %mul3A_33 {offsets = [0, 128], sizes = [2000, 128], strides = [1, 1]} : vector<2000x256xf32> to vector<2000x128xf32>
    %swap3A_42 = arith.constant 1 : index
    %swap3A_43 = arith.constant 0 : index
    %swap3A_44 = arith.constant 0 : index
    %swap3A_45 = vector.load %arg8[%swap3A_42, %swap3A_43, %swap3A_44] : memref<2x2000x128xf32, #tpu.memory_space<vmem>>, vector<1x2000x128xf32>
    %swap3A_46 = vector.shape_cast %swap3A_45 : vector<1x2000x128xf32> to vector<2000x128xf32>
    %swap3A_47 = vector.shape_cast %slice3A_41 : vector<2000x128xf32> to vector<1x2000x128xf32>
    tpu.vector_store %arg8[%swap3A_42, %swap3A_43, %swap3A_44], %swap3A_47 {strides = array<i32>} : memref<2x2000x128xf32, #tpu.memory_space<vmem>>, vector<1x2000x128xf32>,
    return
  }
  func.func @transform_0(%arg0: i32) -> (i32, i32, i32) {
    %c0_i32 = arith.constant 0 : i32
    %c0_i32_0 = arith.constant 0 : i32
    %c0_i32_1 = arith.constant 0 : i32
    return %c0_i32, %arg0, %c0_i32_0 : i32, i32, i32
  }
  func.func @transform_1(%arg0: i32) -> (i32, i32, i32) {
    %c0_i32 = arith.constant 0 : i32
    %c0_i32_0 = arith.constant 0 : i32
    %c0_i32_1 = arith.constant 0 : i32
    return %c0_i32, %arg0, %c0_i32_0 : i32, i32, i32
  }
  func.func @transform_2(%arg0: i32) -> (i32, i32) {
    %c0_i32 = arith.constant 0 : i32
    %c0_i32_0 = arith.constant 0 : i32
    return %arg0, %c0_i32 : i32, i32
  }
  func.func @transform_3(%arg0: i32) -> (i32, i32) {
    %c0_i32 = arith.constant 0 : i32
    %c0_i32_0 = arith.constant 0 : i32
    %c0_i32_1 = arith.constant 0 : i32
    return %c0_i32, %c0_i32_0 : i32, i32
  }
  func.func @transform_4(%arg0: i32) -> (i32, i32) {
    %c0_i32 = arith.constant 0 : i32
    %c0_i32_0 = arith.constant 0 : i32
    %c0_i32_1 = arith.constant 0 : i32
    return %c0_i32, %c0_i32_0 : i32, i32
  }
  func.func @transform_5(%arg0: i32) -> (i32, i32) {
    %c0_i32 = arith.constant 0 : i32
    %c0_i32_0 = arith.constant 0 : i32
    %c0_i32_1 = arith.constant 0 : i32
    return %c0_i32, %c0_i32_0 : i32, i32
  }
  func.func @transform_6(%arg0: i32) -> (i32, i32) {
    %c0_i32 = arith.constant 0 : i32
    %c0_i32_0 = arith.constant 0 : i32
    return %arg0, %c0_i32 : i32, i32
  }
  func.func @transform_7(%arg0: i32) -> (i32, i32, i32) {
    %c0_i32 = arith.constant 0 : i32
    %c0_i32_0 = arith.constant 0 : i32
    %c0_i32_1 = arith.constant 0 : i32
    return %c0_i32, %arg0, %c0_i32_0 : i32, i32, i32
  }
}

module attributes {stable_mosaic.version = 14 : i64} {
  func.func @_tc3_body(%arg0: i32, %arg1: memref<2x2000x128xf32, #tpu.memory_space<vmem>>, %arg2: memref<2x2000x128xf32, #tpu.memory_space<vmem>>, %arg3: memref<2000x1xf32, #tpu.memory_space<vmem>>, %arg4: memref<1x256xf32, #tpu.memory_space<vmem>>, %arg5: memref<2000x256xf32, #tpu.memory_space<vmem>>) attributes {dimension_semantics = [#tpu.dimension_semantics<arbitrary>], iteration_bounds = array<i64: 5>, scalar_prefetch = 0 : i64, scratch_operands = 0 : i64, tpu.core_type = #tpu.core_type<tc>, window_params = [{transform_indices = @transform_0, window_bounds = array<i64: 2, 2000, 128>}, {transform_indices = @transform_1, window_bounds = array<i64: 2, 2000, 128>}, {transform_indices = @transform_2, window_bounds = array<i64: 2000, 1>}, {pipeline_mode = #tpu.pipeline_mode<synchronous>, transform_indices = @transform_3, window_bounds = array<i64: 1, 256>}, {transform_indices = @transform_4, window_bounds = array<i64: 2000, 256>}]} {
    %get3A = arith.constant 0 : index
    %get3A_0 = arith.constant 0 : index
    %get3A_1 = arith.constant 0 : index
    %get3A_2 = vector.load %arg1[%get3A, %get3A_0, %get3A_1] : memref<2x2000x128xf32, #tpu.memory_space<vmem>>, vector<2x2000x128xf32>
    %get3A_3 = arith.constant 0 : index
    %get3A_4 = arith.constant 0 : index
    %get3A_5 = arith.constant 0 : index
    %get3A_6 = vector.load %arg2[%get3A_3, %get3A_4, %get3A_5] : memref<2x2000x128xf32, #tpu.memory_space<vmem>>, vector<2x2000x128xf32>
    %add3A = arith.addf %get3A_2, %get3A_6 : vector<2x2000x128xf32>
    %slice3A = vector.extract_strided_slice %add3A {offsets = [0, 0, 0], sizes = [1, 2000, 128], strides = [1, 1, 1]} : vector<2x2000x128xf32> to vector<1x2000x128xf32>
    %squeeze3A = vector.shape_cast %slice3A : vector<1x2000x128xf32> to vector<2000x128xf32>
    %slice3A_7 = vector.extract_strided_slice %add3A {offsets = [1, 0, 0], sizes = [1, 2000, 128], strides = [1, 1, 1]} : vector<2x2000x128xf32> to vector<1x2000x128xf32>
    %squeeze3A_8 = vector.shape_cast %slice3A_7 : vector<1x2000x128xf32> to vector<2000x128xf32>
    %concatenate3A = tpu.concatenate %squeeze3A, %squeeze3A_8 in 1 : vector<2000x128xf32>, vector<2000x128xf32> -> vector<2000x256xf32>
    %get3A_9 = arith.constant 0 : index
    %get3A_10 = arith.constant 0 : index
    %get3A_11 = vector.load %arg3[%get3A_9, %get3A_10] : memref<2000x1xf32, #tpu.memory_space<vmem>>, vector<2000x1xf32>
    %mul3A = vector.broadcast %get3A_11 : vector<2000x1xf32> to vector<2000x256xf32>
    %mul3A_12 = arith.mulf %mul3A, %concatenate3A : vector<2000x256xf32>
    %get3A_13 = arith.constant 0 : index
    %get3A_14 = arith.constant 0 : index
    %get3A_15 = vector.load %arg4[%get3A_13, %get3A_14] : memref<1x256xf32, #tpu.memory_space<vmem>>, vector<1x256xf32>
    %add3A_16 = vector.broadcast %get3A_15 : vector<1x256xf32> to vector<2000x256xf32>
    %add3A_17 = arith.addf %mul3A_12, %add3A_16 : vector<2000x256xf32>
    %swap3A = arith.constant 0 : index
    %swap3A_18 = arith.constant 0 : index
    %swap3A_19 = vector.load %arg5[%swap3A, %swap3A_18] : memref<2000x256xf32, #tpu.memory_space<vmem>>, vector<2000x256xf32>
    tpu.vector_store %arg5[%swap3A, %swap3A_18], %add3A_17 {strides = array<i32>} : memref<2000x256xf32, #tpu.memory_space<vmem>>, vector<2000x256xf32>,
    return
  }
  func.func @transform_0(%arg0: i32) -> (i32, i32, i32) {
    %c0_i32 = arith.constant 0 : i32
    %c0_i32_0 = arith.constant 0 : i32
    %c0_i32_1 = arith.constant 0 : i32
    return %c0_i32, %arg0, %c0_i32_0 : i32, i32, i32
  }
  func.func @transform_1(%arg0: i32) -> (i32, i32, i32) {
    %c0_i32 = arith.constant 0 : i32
    %c0_i32_0 = arith.constant 0 : i32
    %c0_i32_1 = arith.constant 0 : i32
    return %c0_i32, %arg0, %c0_i32_0 : i32, i32, i32
  }
  func.func @transform_2(%arg0: i32) -> (i32, i32) {
    %c0_i32 = arith.constant 0 : i32
    %c0_i32_0 = arith.constant 0 : i32
    return %arg0, %c0_i32 : i32, i32
  }
  func.func @transform_3(%arg0: i32) -> (i32, i32) {
    %c0_i32 = arith.constant 0 : i32
    %c0_i32_0 = arith.constant 0 : i32
    %c0_i32_1 = arith.constant 0 : i32
    return %c0_i32, %c0_i32_0 : i32, i32
  }
  func.func @transform_4(%arg0: i32) -> (i32, i32) {
    %c0_i32 = arith.constant 0 : i32
    %c0_i32_0 = arith.constant 0 : i32
    return %arg0, %c0_i32 : i32, i32
  }
}

</mosaic_0001>

<sc_bundles>
// kernel: kernel.11.cloned.1.call-start
scs
__scs_entry_jumppad:
0x0: {  	(pc) =	sbr.rel $0x88, $3  }
0x1: {  	(tag) =	ssettag $0x0;
	lr =	simm.s32 $0x1  }
0x2: {  	[smem:$0x3F9A] =	sst lr;
	_ =	strace $0xD0000000  }
0x3: {  	_ = 	snop  }
0x4: {  	_ = 	snop  }
0x5: {  	_ = 	snop  }
0x6: {  	_ = 	snop  }
0x7: {  	_ = 	snop  }
__scs_overlays_trampoline_lowered:
0x8: {  	[smem:$0x3FA9] =	sst s0  }
0x9: {  	[smem:$0x3FAA] =	sst s1  }
0xa: {  	[smem:$0x3FAB] =	sst s2  }
0xb: {  	[smem:$0x3FAC] =	sst s3  }
0xc: {  	[smem:$0x3FAD] =	sst s4  }
0xd: {  	[smem:$0x3FAE] =	sst s5  }
0xe: {  	[smem:$0x3FAF] =	sst s6  }
0xf: {  	[smem:$0x3FB0] =	sst s7  }
0x10: {  	[smem:$0x3FB1] =	sst s8  }
0x11: {  	[smem:$0x3FB2] =	sst s9;
	s0 =	simm.s32 @!p0 $0x0  }
0x12: {  	s1 =	sld [smem:$0x3F98];
	s0 =	simm.s32 @p0 $0x1  }
0x13: {  	[smem:$0x3FB3] =	sst s0;
	s0 =	simm.s32 @!p1 $0x0  }
0x14: {  	s2 =	sld [smem:$0x3F97];
	s0 =	simm.s32 @p1 $0x1  }
0x15: {  	[smem:$0x3FB4] =	sst s0;
	s0 =	simm.s32 @!p2 $0x0  }
0x16: {  	s3 =	sld [smem:$0x3FDB];
	s0 =	simm.s32 @p2 $0x1  }
0x17: {  	s4 =	simm.s32 $0x1BF5;
	[smem:$0x3FB6] =	sst s0  }
0x18: {  	s0 =	sld [smem:$0x3F99];
	_ =	swait.ge [sflag:s4], $0x0  }
0x19: {  	s7 =	sld [smem:$0x3F9A]  }
0x1a: {  	s8 =	sadd.s32 $0xFFFFE003, lr  }
0x1b: {  	s9 =	sadd.s32 $0xFFFFFEF7, lr;
	s5 =	simm.s32 $0xFFFFFFFF;
	p2 =	slt.u32 s8, $0xFFFFF086  }
0x1c: {  	p1 =	slt.u32 s9, $0xF7A;
	s5 =	simm.s32 @!p2 $0x0  }
0x1d: {  	s5 =	simm.s32 @p1 $0x1;
	p0 =	seq.s32 s7, s2  }
0x1e: {  	s7 =	smul.u32 @!p0 $0xF7A, s2;
	p2 =	seq.s32 @!p0 s5, $0x0  }
0x1f: {  	s9 =	smul.u32 $0xF7A, s1;
	s8 =	simm.s32 @!p0 $0x1BF5;
	p2 =	por !p2, p0  }
0x20: {  	[sflag:s8] =	ssyncset.s32 @!p0 $0xFFFFF086;
	s6 =	sadd.s32 @!p0 s3, s7;
	s7 =	simm.s32 @!p0 $0x108  }
0x21: {  	s3 =	sadd.s32 s3, s9;
	s6 =	sadd.s32 @!p0 $0x88, s6;
	s7 =	simm.s32 @p2 $0x1082  }
0x22: {  	[simem:s7], [sflag:s8] =	dma.local @!p0 [hbm:s6], $0xF7A  }
0x23: {  	s9 =	sor.u32 $0xD0000000, s2;
	s6 =	simm.s32 $0x108;
	_ =	swait.ge @!p0 [sflag:s8], $0x0  }
0x24: {  	s3 =	sadd.s32 $0x88, s3;
	s6 =	simm.s32 @!p1 $0x1082;
	[sflag:s4] =	ssyncset.s32 $0xFFFFF086  }
0x25: {  	[simem:s6], [sflag:s4] =	dma.local [hbm:s3], $0xF7A  }
0x26: {  	[smem:$0x3F9A] =	sst s1;
	(tag) =	ssettag s2;
	_ =	strace s9  }
0x27: {  	s1 =	sld [smem:$0x3FAA]  }
0x28: {  	s2 =	sld [smem:$0x3FAB]  }
0x29: {  	s4 =	sld [smem:$0x3FAD]  }
0x2a: {  	p0 =	seq.s32 s5, $0x0;
	s5 =	sld [smem:$0x3FAE]  }
0x2b: {  	s6 =	sld [smem:$0x3FAF]  }
0x2c: {  	s7 =	sld [smem:$0x3FB0]  }
0x2d: {  	s3 =	simm.s32 $0x108;
	s8 =	sld [smem:$0x3FB1]  }
0x2e: {  	s3 =	simm.s32 @!p0 $0x1082;
	s9 =	sld [smem:$0x3FB2]  }
0x2f: {  	lr =	sadd.s32 s0, s3;
	s0 =	sld [smem:$0x3FA9]  }
0x30: {  	s3 =	sld [smem:$0x3FAC]  }
0x31: {  	[smem:$0x3FB5] =	sst s10  }
0x32: {  	s10 =	sld [smem:$0x3FB3];
	_ =	sdelay $0x3  }
0x33: {  	p0 =	seq.s32 s10, $0x1;
	s10 =	sld [smem:$0x3FB5];
	_ =	sdelay $0x3  }
0x34: {  	[smem:$0x3FB5] =	sst s10  }
0x35: {  	s10 =	sld [smem:$0x3FB4];
	_ =	sdelay $0x3  }
0x36: {  	p1 =	seq.s32 s10, $0x1;
	s10 =	sld [smem:$0x3FB5];
	_ =	sdelay $0x3  }
0x37: {  	[smem:$0x3FB5] =	sst s10  }
0x38: {  	s10 =	sld [smem:$0x3FB6]  }
0x39: {  	_ = 	snop;
	(pc) =	sbr.ind lr, $3  }
0x3a: {  	_ = 	snop  }
0x3b: {  	_ = 	snop  }
0x3c: {  	p2 =	seq.s32 s10, $0x1;
	s10 =	sld [smem:$0x3FB5]  }
0x3d: {  	_ =	shalt  }
0x3e: {  	_ =	shalt  }
0x3f: {  	_ =	shalt  }
0x40: {  	_ =	shalt  }
0x41: {  	_ =	shalt  }
0x42: {  	_ =	shalt  }
0x43: {  	_ =	shalt  }
0x44: {  	_ =	shalt  }
0x45: {  	_ =	shalt  }
0x46: {  	_ =	shalt  }
0x47: {  	_ =	shalt  }
0x48: {  	_ =	shalt  }
0x49: {  	_ =	shalt  }
0x4a: {  	_ =	shalt  }
0x4b: {  	_ =	shalt  }
0x4c: {  	_ =	shalt  }
0x4d: {  	_ =	shalt  }
0x4e: {  	_ =	shalt  }
0x4f: {  	_ =	shalt  }
0x50: {  	_ =	shalt  }
0x51: {  	_ =	shalt  }
0x52: {  	_ =	shalt  }
0x53: {  	_ =	shalt  }
0x54: {  	_ =	shalt  }
0x55: {  	_ =	shalt  }
0x56: {  	_ =	shalt  }
0x57: {  	_ =	shalt  }
0x58: {  	_ =	shalt  }
0x59: {  	_ =	shalt  }
0x5a: {  	_ =	shalt  }
0x5b: {  	_ =	shalt  }
0x5c: {  	_ =	shalt  }
0x5d: {  	_ =	shalt  }
0x5e: {  	_ =	shalt  }
0x5f: {  	_ =	shalt  }
0x60: {  	_ =	shalt  }
0x61: {  	_ =	shalt  }
0x62: {  	_ =	shalt  }
0x63: {  	_ =	shalt  }
0x64: {  	_ =	shalt  }
0x65: {  	_ =	shalt  }
0x66: {  	_ =	shalt  }
0x67: {  	_ =	shalt  }
0x68: {  	_ =	shalt  }
0x69: {  	_ =	shalt  }
0x6a: {  	_ =	shalt  }
0x6b: {  	_ =	shalt  }
0x6c: {  	_ =	shalt  }
0x6d: {  	_ =	shalt  }
0x6e: {  	_ =	shalt  }
0x6f: {  	_ =	shalt  }
0x70: {  	_ =	shalt  }
0x71: {  	_ =	shalt  }
0x72: {  	_ =	shalt  }
0x73: {  	_ =	shalt  }
0x74: {  	_ =	shalt  }
0x75: {  	_ =	shalt  }
0x76: {  	_ =	shalt  }
0x77: {  	_ =	shalt  }
0x78: {  	_ =	shalt  }
0x79: {  	_ =	shalt  }
0x7a: {  	_ =	shalt  }
0x7b: {  	_ =	shalt  }
0x7c: {  	_ =	shalt  }
0x7d: {  	_ =	shalt  }
0x7e: {  	_ =	shalt  }
0x7f: {  	_ =	shalt  }
0x80: {  	_ =	shalt  }
0x81: {  	_ =	shalt  }
0x82: {  	_ =	shalt  }
0x83: {  	_ =	shalt  }
0x84: {  	_ =	shalt  }
0x85: {  	_ =	shalt  }
0x86: {  	_ =	shalt  }
0x87: {  	_ =	shalt  }
.Lfunc_end0:
.L_simem_size_0:
called_computation.1_lowered:
.L_overlay_start_0:
0x88: {  	s2 =	sld [smem:$0x3FD9]  }
0x89: {  	s3 =	sld [smem:$0x3FFE];
	_ =	sdelay $0x1  }
0x8a: {  	s1 =	srdreg.scid  }
0x8b: {  	s0 =	sand.u32 $0x1, s1  }
0x8c: {  	s14 =	sshll.u32 s0, $0xA;
	s2 =	sadd.s32 s3, s2  }
0x8d: {  	s2 =	sadd.s32 s2, s14  }
0x8e: {  	[smem:$0x3FC1] =	sst s2  }
0x8f: {  	_ = 	snop  }
0x90: {  	s2 =	sld [smem:$0x3FD0];
	_ =	sdelay $0x2  }
0x91: {  	s15 =	simm.s32 $0xA;
	s4 =	simm.s32 $0x10  }
0x92: {  	[smem:s4], [sflag:s15] =	dma.local [hbm:s2], $0x1  }
0x93: {  	_ =	swait.eq [sflag:s15], $0x1  }
0x94: {  	[sflag:s15] =	ssyncset.done $0x0  }
0x95: {  	[sflag:s15] =	ssyncadd.s32 $0xFFFFFFFF  }
0x96: {  	s16 =	sld [smem:$0x11];
	(tm) =	ssettm $0x1  }
0x97: {  	s17 =	sld [smem:$0x3FFB];
	_ =	sdelay $0x3  }
0x98: {  	_ =	strace s17  }
0x99: {  	s3 =	sld [smem:$0x3FFC];
	_ =	sdelay $0x3  }
0x9a: {  	_ =	strace s3  }
0x9b: {  	s3 =	sld [smem:$0x3FFD];
	_ =	sdelay $0x3  }
0x9c: {  	_ =	strace s3  }
0x9d: {  	_ =	strace $0x8FFFFFFF  }
0x9e: {  	s18 =	sld [smem:$0x3FDB];
	_ =	sdelay $0x1  }
0x9f: {  	s19 =	simm.s32 $_scs_section_size  }
0xa0: {  	s5 =	simm.s32 $_size__tile_overlayer_lowered;
	s6 =	simm.s32 $_tile_overlayer_lowered  }
0xa1: {  	s22 =	simm.s32 $0x1BFF;
	s21 =	sshll.u32 s6, $0x1;
	s3 =	sadd.s32 s19, s18  }
0xa2: {  	s7 =	simm.s32 $0x0;
	s20 =	sshll.u32 s5, $0x1;
	s5 =	sadd.s32 s21, s3  }
0xa3: {  	[timem:s7], [sflag:s22] =	dma.local [hbm:s5], s20  }
0xa4: {  	_ =	swait.ge [sflag:s22], s20  }
0xa5: {  	s4 =	ssub.s32 $0x0, s20;
	[sflag:s22] =	ssyncset.done $0x0  }
0xa6: {  	[sflag:s22] =	ssyncadd.s32 s4;
	_ =	sdelay $0x1  }
0xa7: {  	s23 =	simm.s32 $0x1B8B  }
0xa8: {  	_ =	swait.ge [sflag:s23], $0x1  }
0xa9: {  	[sflag:s23] =	ssyncset.done $0x0  }
0xaa: {  	s25 =	simm.s32 $0x1B8E;
	s24 =	sld [smem:$0x3FFE];
	[sflag:s23] =	ssyncadd.s32 $0xFFFFFFFF  }
0xab: {  	s26 =	simm.s32 $execute0_lowered;
	[smem:$0x3FD2] =	sst s25  }
0xac: {  	s5 =	sshll.u32 s26, $0x1;
	_ =	strace $0x80000049;
	[dreg:$0x1] =	wrdreg $0xFFFFFFFF  }
0xad: {  	s28 =	simm.s32 $_size_execute0_lowered;
	s3 =	sadd.s32 s3, s5;
	[dreg:$0x0] =	wrdreg $0x0  }
0xae: {  	s5 =	sshll.u32 s28, $0x1;
	[dreg:$0x2] =	wrdreg s3  }
0xaf: {  	[dreg:$0x3] =	wrdreg s5  }
0xb0: {  	[dreg:$0x4] =	wrdreg $0xC0  }
0xb1: {  	_ =	task [dreg:s7], $0x5FFFF  }
0xb2: {  	[dreg:$0x1] =	wrdreg $0xFFFFFFFF  }
0xb3: {  	[dreg:$0x0] =	wrdreg $0x60  }
0xb4: {  	[dreg:$0x2] =	wrdreg s16  }
0xb5: {  	[dreg:$0x3] =	wrdreg s24  }
0xb6: {  	[dreg:$0x4] =	wrdreg $0xA8000  }
0xb7: {  	[dreg:$0x5] =	wrdreg $0x9  }
0xb8: {  	_ =	task.clear_ibuf [dreg:s7], $0x6FFFF;
	_ =	strace $0x90000049  }
0xb9: {  	s29 =	simm.s32 $0x9;
	_ =	strace $0x8000004B  }
0xba: {  	_ =	swait.ge [sflag:s29], $0x1  }
0xbb: {  	[sflag:s29] =	ssyncadd.s32 $0xFFFFFFFF  }
0xbc: {  	_ =	strace $0x9000004B  }
0xbd: {  	_ =	sfence  }
0xbe: {  	s30 =	sld [smem:$0x0];
	_ =	sdelay $0x2  }
0xbf: {  	s31 =	sshll.u32 s1, $0xD;
	s1 =	sshrl.u32 s1, $0x2  }
0xc0: {  	s3 =	sand.u32 $0x4000, s31;
	s1 =	sadd.s32 s1, s30  }
0xc1: {  	s0 =	sor.u32 s3, s0;
	s1 =	sshll.u32 s1, $0x11  }
0xc2: {  	s0 =	sor.u32 s1, s0  }
0xc3: {  	s0 =	sadd.s32 $0x8F2B, s0  }
0xc4: {  	[sflag:s0] =	ssyncadd.remote.s32 $0x1  }
0xc5: {  	_ =	sfence.sel $0xFFFF  }
0xc6: {  	[dreg:$0x0] =	wrdreg $0xFFFFFFFF;
	(pc) =	sbr.abs _section_cstart, $3  }
0xc7: {  	[dreg:$0x1] =	wrdreg $0xFFFFFFFF  }
0xc8: {  	_ =	task.clear_ibuf [dreg:s7], $0x2FFFF;
	_ =	strace $0x9FFFFFFF  }
0xc9: {  	(tm) =	ssettm $0x7FFFFFFF  }
tec
execute0_lowered:
.L_overlay_start_1:
0x0: {  	(tag) =	ssettag $0x1  }
0x1: {  	s1 =	rddreg [dreg:$0x0]  }
0x2: {  	s0 =	rddreg [dreg:$0x1]  }
0x3: {  	s2 =	rddreg [dreg:$0x2];
	s3 =	stileid.u32  }
0x4: {  	s4 =	simm.s32 $0x0;
	s5 =	srdreg.scid;
	s7 =	smul.u32 $0xA000, s3  }
0x5: {  	s28 =	simm.s32 $0x50;
	s24 =	sor.u32 $0x10, s3;
	s21 =	smul.u32 $0x50, s3  }
0x6: {  	s29 =	simm.s32 $0x1;
	s15 =	sor.u32 $0x20, s3;
	s26 =	smul.u32 $0xA000, s24  }
0x7: {  	s30 =	simm.s32 $0x0;
	s16 =	sor.u32 $0x30, s3;
	s31 =	smul.u32 $0xA000, s15  }
0x8: {  	[smem:$0x7FF] =	sst s4;
	s17 =	sor.u32 $0x40, s3;
	s8 =	smul.u32 $0xA000, s16  }
0x9: {  	s10 =	sand.u32 $0x1, s5;
	s18 =	sor.u32 $0x50, s3;
	s9 =	smul.u32 $0xA000, s17  }
0xa: {  	s22 =	sshll.u32 s3, $0xB;
	s19 =	sor.u32 $0x60, s3;
	s11 =	smul.u32 $0xA000, s18  }
0xb: {  	s20 =	sor.u32 $0x70, s3;
	p0 =	sgt.u32 s3, $0xC;
	s12 =	smul.u32 $0xA000, s19  }
0xc: {  	_ =	strace $0x8000004A;
	s6 =	ssub.s32 $0x2, s10;
	s13 =	smul.u32 $0xA000, s20  }
0xd: {  	s14 =	sadd.s32 s22, s0;
	s22 =	sadd.s32 $0x11600, s0;
	s0 =	smul.u32 $0x50, s24  }
0xe: {  	s24 =	smul.u32 $0x50, s15;
	s23 =	sshrl.u32 s6, $0x1;
	s25 =	sshrl.u32 s7, $0x2  }
0xf: {  	s20 =	smul.u32 $0x50, s20;
	s23 =	ssub.s32 s6, s23;
	s5 =	sadd.s32 s25, s2  }
0x10: {  	s6 =	sshrl.u32 s26, $0x2;
	s7 =	sshrl.u32 s31, $0x2;
	s8 =	sshrl.u32 s8, $0x2  }
0x11: {  	s9 =	sshrl.u32 s9, $0x2;
	s26 =	smul.u32 $0x2710, s10;
	s11 =	sshrl.u32 s11, $0x2  }
0x12: {  	s12 =	sshrl.u32 s12, $0x2;
	s13 =	sshrl.u32 s13, $0x2;
	s25 =	smul.u32 $0x50, s16  }
0x13: {  	s6 =	sadd.s32 s6, s2;
	s7 =	sadd.s32 s7, s2;
	s8 =	sadd.s32 s8, s2  }
0x14: {  	s9 =	sadd.s32 s9, s2;
	s10 =	sadd.s32 s11, s2;
	s11 =	sadd.s32 s12, s2  }
0x15: {  	s12 =	sadd.s32 s13, s2;
	s13 =	sadd.s32 $0x9600, s14;
	s14 =	sadd.s32 $0x1600, s14  }
0x16: {  	s21 =	sadd.s32 s21, s26;
	s0 =	sadd.s32 s26, s0;
	s24 =	sadd.s32 s26, s24  }
0x17: {  	s25 =	sadd.s32 s26, s25;
	s21 =	sshll.u32 s21, $0x4;
	s0 =	sshll.u32 s0, $0x4  }
0x18: {  	s31 =	sshll.u32 s24, $0x4;
	s15 =	sadd.s32 s22, s21;
	s21 =	smul.u32 $0x50, s17  }
0x19: {  	s16 =	sadd.s32 s22, s0;
	s0 =	sshll.u32 s25, $0x4;
	s25 =	smul.u32 $0x50, s19  }
0x1a: {  	s23 =	smax.u32 s23, $0x1;
	s17 =	sadd.s32 s22, s31;
	s31 =	smul.u32 $0x50, s18  }
0x1b: {  	s18 =	sadd.s32 s22, s0;
	s21 =	sadd.s32 s26, s21;
	s24 =	sadd.s32 s26, s25  }
0x1c: {  	s25 =	sadd.s32 s26, s20;
	s19 =	sshll.u32 s21, $0x4;
	s21 =	sadd.s32 s26, s31  }
0x1d: {  	s31 =	sshll.u32 s25, $0x4;
	s25 =	simm.s32 $0x2;
	s19 =	sadd.s32 s22, s19  }
0x1e: {  	s0 =	sshll.u32 s21, $0x4;
	s21 =	sshll.u32 s24, $0x4;
	s24 =	simm.s32 $0x8000  }
0x1f: {  	v1 =	vimm.f32 $0.0e+00;
	v0 =	vmov s26;
	s20 =	sadd.s32 s22, s0;
	s21 =	sadd.s32 s22, s21;
	s22 =	sadd.s32 s22, s31  }
.LBB2_1:
0x20: {  	s0 =	simm.s32 $0x70;
	s26 =	simm.s32 $0x3C0  }
.LBB2_2:
0x21: {  	p1 =	sne.s32 s26, $0x9FC0;
	[tilespmem:s0+$0x8000] =	vst v1  }
0x22: {  	[tilespmem:s0+$0x7F90] =	vst v1  }
0x23: {  	[tilespmem:s0+$0x7FA0] =	vst v1  }
.Ltmp0:
0x24: {  	[tilespmem:s0+$0x7FB0] =	vst v1;
	(pc) =	sbr.rel @p1 .LBB2_2-.Ltmp0, $4  }
0x25: {  	[tilespmem:s0+$0x7FC0] =	vst v1  }
0x26: {  	[tilespmem:s0+$0x7FD0] =	vst v1  }
0x27: {  	[tilespmem:s0+$0x7FE0] =	vst v1  }
0x28: {  	[tilespmem:s0+$0x7FF0] =	vst v1;
	s0 =	sshra.s32 s26, $0x2;
	s26 =	sadd.s32 $0x200, s26  }
0x29: {  	[tilespmem:s0+$0x8000] =	vst v1  }
0x2a: {  	[tilespmem:s0+$0x7F90] =	vst v1  }
0x2b: {  	[tilespmem:s0+$0x7FA0] =	vst v1  }
0x2c: {  	[tilespmem:s0+$0x7FB0] =	vst v1  }
0x2d: {  	[tilespmem:s0+$0x7FC0] =	vst v1  }
0x2e: {  	[tilespmem:s0+$0x7FD0] =	vst v1  }
0x2f: {  	[tilespmem:s0+$0x7FE0] =	vst v1  }
0x30: {  	[tilespmem:s0+$0x7FF0] =	vst v1  }
0x31: {  	[spmem:s5] =	stream.linear.scatter [tilespmem:s24], [sflag:$0x2], $0x2800, $0x38;
	[tilespmem:$0x1E080] =	vst v63  }
0x32: {  	_ =	swait.ge [sflag:s25], $0x2800  }
0x33: {  	[sflag:s25] =	ssyncset.done $0x0  }
0x34: {  	[sflag:s25] =	ssyncadd.s32 $0xFFFFD800  }
0x35: {  	[spmem:s6] =	stream.linear.scatter [tilespmem:s24], [sflag:$0x2], $0x2800, $0x38;
	[tilespmem:$0x1E080] =	vst v63  }
0x36: {  	_ =	swait.ge [sflag:s25], $0x2800  }
0x37: {  	[sflag:s25] =	ssyncset.done $0x0  }
0x38: {  	[sflag:s25] =	ssyncadd.s32 $0xFFFFD800  }
0x39: {  	[spmem:s7] =	stream.linear.scatter [tilespmem:s24], [sflag:$0x2], $0x2800, $0x38;
	[tilespmem:$0x1E080] =	vst v63  }
0x3a: {  	_ =	swait.ge [sflag:s25], $0x2800  }
0x3b: {  	[sflag:s25] =	ssyncset.done $0x0  }
0x3c: {  	[sflag:s25] =	ssyncadd.s32 $0xFFFFD800  }
0x3d: {  	[spmem:s8] =	stream.linear.scatter [tilespmem:s24], [sflag:$0x2], $0x2800, $0x38;
	[tilespmem:$0x1E080] =	vst v63  }
0x3e: {  	_ =	swait.ge [sflag:s25], $0x2800  }
0x3f: {  	[sflag:s25] =	ssyncset.done $0x0  }
0x40: {  	[sflag:s25] =	ssyncadd.s32 $0xFFFFD800  }
0x41: {  	[spmem:s9] =	stream.linear.scatter [tilespmem:s24], [sflag:$0x2], $0x2800, $0x38;
	[tilespmem:$0x1E080] =	vst v63  }
0x42: {  	_ =	swait.ge [sflag:s25], $0x2800  }
0x43: {  	[sflag:s25] =	ssyncset.done $0x0  }
0x44: {  	[sflag:s25] =	ssyncadd.s32 $0xFFFFD800  }
0x45: {  	[spmem:s10] =	stream.linear.scatter [tilespmem:s24], [sflag:$0x2], $0x2800, $0x38;
	[tilespmem:$0x1E080] =	vst v63  }
0x46: {  	_ =	swait.ge [sflag:s25], $0x2800  }
0x47: {  	[sflag:s25] =	ssyncset.done $0x0  }
0x48: {  	[sflag:s25] =	ssyncadd.s32 $0xFFFFD800  }
0x49: {  	[spmem:s11] =	stream.linear.scatter [tilespmem:s24], [sflag:$0x2], $0x2800, $0x38;
	[tilespmem:$0x1E080] =	vst v63  }
0x4a: {  	_ =	swait.ge [sflag:s25], $0x2800  }
0x4b: {  	[sflag:s25] =	ssyncset.done $0x0  }
0x4c: {  	s0 =	simm.s32 @!p0 $0x8000;
	[sflag:s25] =	ssyncadd.s32 $0xFFFFD800  }
0x4d: {  	[spmem:s12] =	stream.linear.scatter @!p0 [tilespmem:s0], [sflag:$0x2], $0x2800, $0x38;
	[tilespmem:$0x1E080] =	vst v63  }
0x4e: {  	s0 =	simm.s32 @!p0 $0x2  }
0x4f: {  	_ =	swait.ge @!p0 [sflag:s0], $0x2800  }
0x50: {  	[sflag:s0] =	ssyncset.done @!p0 $0x0  }
0x51: {  	[sflag:s0] =	ssyncadd.s32 @!p0 $0xFFFFD800  }
0x52: {  	[tilespmem:s4], [sflag:$0x2] =	stream.linear.gather [hbm4b:s13+s4], $0x3E80, $0x38;
	[tilespmem:$0x1E080] =	vst v63  }
0x53: {  	_ =	swait.ge [sflag:s25], $0x3E80  }
0x54: {  	[sflag:s25] =	ssyncset.done $0x0  }
0x55: {  	s26 =	simm.s32 $0x4000;
	[sflag:s25] =	ssyncadd.s32 $0xFFFFC180  }
0x56: {  	[tilespmem:s26], [sflag:$0x2] =	stream.linear.gather [hbm4b:s14+s4], $0x3E80, $0x38;
	[tilespmem:$0x1E080] =	vst v63  }
0x57: {  	_ =	swait.ge [sflag:s25], $0x3E80  }
0x58: {  	[sflag:s25] =	ssyncset.done $0x0  }
0x59: {  	s31 =	simm.s32 $0x40;
	[sflag:s25] =	ssyncadd.s32 $0xFFFFC180  }
0x5a: {  	v2 =	vld [tilespmem:s31+$0xFFFFFFC0]  }
0x5b: {  	v3 =	vld [tilespmem:s31+$0xFFFFFFD0]  }
0x5c: {  	v4 =	vld [tilespmem:s31+$0xFFFFFFE0]  }
0x5d: {  	v5 =	vld [tilespmem:s31+$0x0]  }
0x5e: {  	v6 =	vld [tilespmem:s31+$0xFFFFFFF0]  }
0x5f: {  	v2 =	vadd.s32 v0, v2  }
0x60: {  	s0 =	simm.s32 $0xC0;
	v3 =	vadd.s32 v0, v3;
	[tilespmem:s31+$0xFFFFFFC0] =	vst v2  }
0x61: {  	v4 =	vadd.s32 v0, v4;
	v2 =	vld [tilespmem:s0+$0xFFFFFFC0];
	[tilespmem:s31+$0xFFFFFFD0] =	vst v3  }
0x62: {  	v7 =	vadd.s32 v0, v5;
	v3 =	vld [tilespmem:s0+$0xFFFFFFD0];
	[tilespmem:s31+$0xFFFFFFE0] =	vst v4  }
0x63: {  	s26 =	simm.s32 $0x500;
	v5 =	vadd.s32 v0, v6;
	v4 =	vld [tilespmem:s0+$0xFFFFFFE0];
	[tilespmem:s31+$0x0] =	vst v7  }
.LBB2_4:
0x64: {  	p1 =	sne.s32 s26, $0xF900;
	v6 =	vld [tilespmem:s0+$0x0];
	[tilespmem:s31+$0xFFFFFFF0] =	vst v5;
	s31 =	smov.u32 s0  }
0x65: {  	v5 =	vld [tilespmem:s31+$0xFFFFFFF0]  }
.Ltmp1:
0x66: {  	v2 =	vadd.s32 v0, v2;
	(pc) =	sbr.rel @p1 .LBB2_4-.Ltmp1, $4  }
0x67: {  	s0 =	sshra.s32 s26, $0x2;
	[tilespmem:s31+$0xFFFFFFC0] =	vst v2;
	v3 =	vadd.s32 v0, v3  }
0x68: {  	v2 =	vld [tilespmem:s0+$0xFFFFFFC0];
	[tilespmem:s31+$0xFFFFFFD0] =	vst v3;
	v4 =	vadd.s32 v0, v4  }
0x69: {  	v3 =	vld [tilespmem:s0+$0xFFFFFFD0];
	[tilespmem:s31+$0xFFFFFFE0] =	vst v4;
	v6 =	vadd.s32 v0, v6  }
0x6a: {  	s26 =	sadd.s32 $0x200, s26;
	v4 =	vld [tilespmem:s0+$0xFFFFFFE0];
	v5 =	vadd.s32 v0, v5;
	[tilespmem:s31+$0x0] =	vst v6  }
0x6b: {  	v6 =	vld [tilespmem:s0+$0x0];
	[tilespmem:s31+$0xFFFFFFF0] =	vst v5  }
0x6c: {  	v5 =	vld [tilespmem:s0+$0xFFFFFFF0]  }
0x6d: {  	v2 =	vadd.s32 v0, v2  }
0x6e: {  	[tilespmem:s0+$0xFFFFFFC0] =	vst v2;
	v2 =	vadd.s32 v0, v3  }
0x6f: {  	[tilespmem:s0+$0xFFFFFFD0] =	vst v2;
	v2 =	vadd.s32 v0, v4  }
0x70: {  	[tilespmem:s0+$0xFFFFFFE0] =	vst v2;
	v2 =	vadd.s32 v0, v6  }
0x71: {  	v3 =	vadd.s32 v0, v5;
	[tilespmem:s0+$0x0] =	vst v2  }
0x72: {  	[tilespmem:s0+$0xFFFFFFF0] =	vst v3  }
0x73: {  	s26 =	simm.s32 $0x0;
	[bflag:$0x0] =	sbarrier.arrive $0xFFFF  }
0x74: {  	[tilespmem:s24], [sflag:$0x1] =	stream.indirect.gather [hbm4b:s1+s28], $0x80, s26, s28, $0xb8;
	[tilespmem:$0x1E080] =	vst v63  }
0x75: {  	_ =	swait.ge [sflag:s29], $0x2800  }
0x76: {  	[sflag:s29] =	ssyncset.done $0x0  }
0x77: {  	s31 =	simm.s32 $0x4000;
	[sflag:s29] =	ssyncadd.s32 $0xFFFFD800  }
0x78: {  	[spmem:s2] =	stream.indirect.scatter.add.f32 [tilespmem:s24], [sflag:$0x2], $0x80, s31, s28, $0xb8;
	[tilespmem:$0x1E080] =	vst v63  }
0x79: {  	_ =	swait.ge [sflag:s25], $0x2800  }
0x7a: {  	s0 =	simm.s32 $0x200;
	s26 =	simm.s32 $0x400;
	[sflag:s25] =	ssyncset.done $0x0  }
.LBB2_6:
0x7b: {  	s31 =	sshra.s32 s0, $0x2  }
0x7c: {  	[sflag:s25] =	ssyncadd.s32 $0xFFFFD800;
	s0 =	smov.u32 s26;
	s3 =	sadd.s32 $0x200, s26  }
0x7d: {  	[tilespmem:s24], [sflag:$0x1] =	stream.indirect.gather [hbm4b:s1+s28], $0x80, s31, s28, $0xb8;
	[tilespmem:$0x1E080] =	vst v63  }
0x7e: {  	p1 =	sne.s32 s26, $0xF800;
	_ =	swait.ge [sflag:s29], $0x2800  }
.Ltmp2:
0x7f: {  	[sflag:s29] =	ssyncset.done $0x0;
	(pc) =	sbr.rel @p1 .LBB2_6-.Ltmp2, $4  }
0x80: {  	s26 =	sadd.s32 $0x4000, s31;
	[sflag:s29] =	ssyncadd.s32 $0xFFFFD800  }
0x81: {  	[spmem:s2] =	stream.indirect.scatter.add.f32 [tilespmem:s24], [sflag:$0x2], $0x80, s26, s28, $0xb8;
	[tilespmem:$0x1E080] =	vst v63  }
0x82: {  	_ =	swait.ge [sflag:s25], $0x2800  }
0x83: {  	s26 =	smov.u32 s3;
	[sflag:s25] =	ssyncset.done $0x0  }
0x84: {  	s0 =	sshra.s32 s0, $0x2;
	[sflag:s25] =	ssyncadd.s32 $0xFFFFD800  }
0x85: {  	[tilespmem:s24], [sflag:$0x1] =	stream.indirect.gather [hbm4b:s1+s28], $0x80, s0, s28, $0xb8;
	[tilespmem:$0x1E080] =	vst v63  }
0x86: {  	_ =	swait.ge [sflag:s29], $0x2800  }
0x87: {  	[sflag:s29] =	ssyncset.done $0x0  }
0x88: {  	s0 =	sadd.s32 $0x4000, s0;
	[sflag:s29] =	ssyncadd.s32 $0xFFFFD800  }
0x89: {  	[spmem:s2] =	stream.indirect.scatter.add.f32 [tilespmem:s24], [sflag:$0x2], $0x80, s0, s28, $0xb8;
	[tilespmem:$0x1E080] =	vst v63  }
0x8a: {  	_ =	swait.ge [sflag:s25], $0x2800  }
0x8b: {  	s3 =	stileid.u32;
	[sflag:s25] =	ssyncset.done $0x0  }
0x8c: {  	s0 =	sshll.u32 s3, $0x6;
	[sflag:s25] =	ssyncadd.s32 $0xFFFFD800  }
0x8d: {  	s3 =	sshrl.u32 s5, $0x3;
	s0 =	sor.u32 $0x1C02, s0;
	[bflag:$0x0] =	sbarrier.arrive $0xFFFF  }
0x8e: {  	[hbm:s15], [sflag:s0] =	dma.local [spmem:s3], $0x500  }
0x8f: {  	_ =	swait.ge [sflag:s25], $0x500  }
0x90: {  	[sflag:s25] =	ssyncset.done $0x0  }
0x91: {  	s26 =	sshrl.u32 s6, $0x3;
	[sflag:s25] =	ssyncadd.s32 $0xFFFFFB00  }
0x92: {  	[hbm:s16], [sflag:s0] =	dma.local [spmem:s26], $0x500  }
0x93: {  	_ =	swait.ge [sflag:s25], $0x500  }
0x94: {  	[sflag:s25] =	ssyncset.done $0x0  }
0x95: {  	s31 =	sshrl.u32 s7, $0x3;
	[sflag:s25] =	ssyncadd.s32 $0xFFFFFB00  }
0x96: {  	[hbm:s17], [sflag:s0] =	dma.local [spmem:s31], $0x500  }
0x97: {  	_ =	swait.ge [sflag:s25], $0x500  }
0x98: {  	[sflag:s25] =	ssyncset.done $0x0  }
0x99: {  	s26 =	sshrl.u32 s8, $0x3;
	[sflag:s25] =	ssyncadd.s32 $0xFFFFFB00  }
0x9a: {  	[hbm:s18], [sflag:s0] =	dma.local [spmem:s26], $0x500  }
0x9b: {  	_ =	swait.ge [sflag:s25], $0x500  }
0x9c: {  	[sflag:s25] =	ssyncset.done $0x0  }
0x9d: {  	s31 =	sshrl.u32 s9, $0x3;
	[sflag:s25] =	ssyncadd.s32 $0xFFFFFB00  }
0x9e: {  	[hbm:s19], [sflag:s0] =	dma.local [spmem:s31], $0x500  }
0x9f: {  	_ =	swait.ge [sflag:s25], $0x500  }
0xa0: {  	[sflag:s25] =	ssyncset.done $0x0  }
0xa1: {  	s26 =	sshrl.u32 s10, $0x3;
	[sflag:s25] =	ssyncadd.s32 $0xFFFFFB00  }
0xa2: {  	[hbm:s20], [sflag:s0] =	dma.local [spmem:s26], $0x500  }
0xa3: {  	_ =	swait.ge [sflag:s25], $0x500  }
0xa4: {  	[sflag:s25] =	ssyncset.done $0x0  }
0xa5: {  	s31 =	sshrl.u32 s11, $0x3;
	[sflag:s25] =	ssyncadd.s32 $0xFFFFFB00  }
0xa6: {  	[hbm:s21], [sflag:s0] =	dma.local [spmem:s31], $0x500  }
0xa7: {  	_ =	swait.ge [sflag:s25], $0x500  }
0xa8: {  	s30 =	sadd.s32 $0x1, s30;
	[sflag:s25] =	ssyncset.done $0x0  }
0xa9: {  	p1 =	sne.s32 s30, s23;
	s3 =	sshrl.u32 @!p0 s12, $0x3;
	[sflag:s25] =	ssyncadd.s32 $0xFFFFFB00  }
0xaa: {  	[hbm:s22], [sflag:s0] =	dma.local @!p0 [spmem:s3], $0x500  }
.Ltmp3:
0xab: {  	_ = 	snop;
	(pc) =	sbr.rel @p1 .LBB2_1-.Ltmp3, $4  }
0xac: {  	s0 =	simm.s32 @!p0 $0x2  }
0xad: {  	_ =	swait.ge @!p0 [sflag:s0], $0x500  }
0xae: {  	[sflag:s0] =	ssyncset.done @!p0 $0x0  }
0xaf: {  	[sflag:s0] =	ssyncadd.s32 @!p0 $0xFFFFFB00  }
0xb0: {  	_ =	sfence.sel $0x180000  }
0xb1: {  	[bflag:$0x0] =	sbarrier.arrive $0xFFFF  }
0xb2: {  	_ =	strace $0x9000004A  }
0xb3: {  	s0 =	stileid.u32;
	[bflag:$0x2] =	sbarrier.arrive $0xFFFF  }
0xb4: {  	p0 =	sne.s32 s0, $0x0;
	s0 =	rddreg [dreg:$0x3]  }
0xb5: {  	s0 =	sadd.s32 @!p0 $0x100000, s0  }
0xb6: {  	[sflag:s0] =	ssyncadd.tile.s32 @!p0 $0x1;
	_ =	shalt  }
.Lfunc_end2:
_tile_overlayer_lowered:
.L_overlay_start_2:
0xb7: {  	(tag) =	ssettag $0x2  }
0xb8: {  	s0 =	rddreg [dreg:$0x0];
	s2 =	stileid.u32  }
0xb9: {  	s1 =	rddreg [dreg:$0x1];
	p0 =	sne.s32 s2, $0x0  }
0xba: {  	s3 =	rddreg [dreg:$0x2];
	[bflag:$0x3] =	sbarrier.arrive $0xFFFF;
	s2 =	simm.s32 @!p0 $0x1C02  }
0xbb: {  	[timem:s3], [sflag:s2] =	dma.local @!p0 [hbm:s0], s1  }
0xbc: {  	s0 =	simm.s32 @!p0 $0x2  }
0xbd: {  	_ =	swait.ge @!p0 [sflag:s0], s1  }
0xbe: {  	s1 =	ssub.s32 @!p0 $0x0, s1;
	[sflag:s0] =	ssyncset.done @!p0 $0x0  }
0xbf: {  	[sflag:s0] =	ssyncadd.s32 @!p0 s1  }
0xc0: {  	[bflag:$0x3] =	sbarrier.arrive $0xFFFF  }
0xc1: {  	_ =	shalt  }

// kernel: kernel.14.cloned.1.call-start
scs
__scs_entry_jumppad:
0x0: {  	(pc) =	sbr.rel $0x88, $3  }
0x1: {  	(tag) =	ssettag $0x0;
	lr =	simm.s32 $0x1  }
0x2: {  	[smem:$0x3F9A] =	sst lr;
	_ =	strace $0xD0000000  }
0x3: {  	_ = 	snop  }
0x4: {  	_ = 	snop  }
0x5: {  	_ = 	snop  }
0x6: {  	_ = 	snop  }
0x7: {  	_ = 	snop  }
__scs_overlays_trampoline_lowered:
0x8: {  	[smem:$0x3FA9] =	sst s0  }
0x9: {  	[smem:$0x3FAA] =	sst s1  }
0xa: {  	[smem:$0x3FAB] =	sst s2  }
0xb: {  	[smem:$0x3FAC] =	sst s3  }
0xc: {  	[smem:$0x3FAD] =	sst s4  }
0xd: {  	[smem:$0x3FAE] =	sst s5  }
0xe: {  	[smem:$0x3FAF] =	sst s6  }
0xf: {  	[smem:$0x3FB0] =	sst s7  }
0x10: {  	[smem:$0x3FB1] =	sst s8  }
0x11: {  	[smem:$0x3FB2] =	sst s9;
	s0 =	simm.s32 @!p0 $0x0  }
0x12: {  	s1 =	sld [smem:$0x3F98];
	s0 =	simm.s32 @p0 $0x1  }
0x13: {  	[smem:$0x3FB3] =	sst s0;
	s0 =	simm.s32 @!p1 $0x0  }
0x14: {  	s2 =	sld [smem:$0x3F97];
	s0 =	simm.s32 @p1 $0x1  }
0x15: {  	[smem:$0x3FB4] =	sst s0;
	s0 =	simm.s32 @!p2 $0x0  }
0x16: {  	s3 =	sld [smem:$0x3FDB];
	s0 =	simm.s32 @p2 $0x1  }
0x17: {  	s4 =	simm.s32 $0x1BF5;
	[smem:$0x3FB6] =	sst s0  }
0x18: {  	s0 =	sld [smem:$0x3F99];
	_ =	swait.ge [sflag:s4], $0x0  }
0x19: {  	s7 =	sld [smem:$0x3F9A]  }
0x1a: {  	s8 =	sadd.s32 $0xFFFFE003, lr  }
0x1b: {  	s9 =	sadd.s32 $0xFFFFFEF7, lr;
	s5 =	simm.s32 $0xFFFFFFFF;
	p2 =	slt.u32 s8, $0xFFFFF086  }
0x1c: {  	p1 =	slt.u32 s9, $0xF7A;
	s5 =	simm.s32 @!p2 $0x0  }
0x1d: {  	s5 =	simm.s32 @p1 $0x1;
	p0 =	seq.s32 s7, s2  }
0x1e: {  	s7 =	smul.u32 @!p0 $0xF7A, s2;
	p2 =	seq.s32 @!p0 s5, $0x0  }
0x1f: {  	s9 =	smul.u32 $0xF7A, s1;
	s8 =	simm.s32 @!p0 $0x1BF5;
	p2 =	por !p2, p0  }
0x20: {  	[sflag:s8] =	ssyncset.s32 @!p0 $0xFFFFF086;
	s6 =	sadd.s32 @!p0 s3, s7;
	s7 =	simm.s32 @!p0 $0x108  }
0x21: {  	s3 =	sadd.s32 s3, s9;
	s6 =	sadd.s32 @!p0 $0x88, s6;
	s7 =	simm.s32 @p2 $0x1082  }
0x22: {  	[simem:s7], [sflag:s8] =	dma.local @!p0 [hbm:s6], $0xF7A  }
0x23: {  	s9 =	sor.u32 $0xD0000000, s2;
	s6 =	simm.s32 $0x108;
	_ =	swait.ge @!p0 [sflag:s8], $0x0  }
0x24: {  	s3 =	sadd.s32 $0x88, s3;
	s6 =	simm.s32 @!p1 $0x1082;
	[sflag:s4] =	ssyncset.s32 $0xFFFFF086  }
0x25: {  	[simem:s6], [sflag:s4] =	dma.local [hbm:s3], $0xF7A  }
0x26: {  	[smem:$0x3F9A] =	sst s1;
	(tag) =	ssettag s2;
	_ =	strace s9  }
0x27: {  	s1 =	sld [smem:$0x3FAA]  }
0x28: {  	s2 =	sld [smem:$0x3FAB]  }
0x29: {  	s4 =	sld [smem:$0x3FAD]  }
0x2a: {  	p0 =	seq.s32 s5, $0x0;
	s5 =	sld [smem:$0x3FAE]  }
0x2b: {  	s6 =	sld [smem:$0x3FAF]  }
0x2c: {  	s7 =	sld [smem:$0x3FB0]  }
0x2d: {  	s3 =	simm.s32 $0x108;
	s8 =	sld [smem:$0x3FB1]  }
0x2e: {  	s3 =	simm.s32 @!p0 $0x1082;
	s9 =	sld [smem:$0x3FB2]  }
0x2f: {  	lr =	sadd.s32 s0, s3;
	s0 =	sld [smem:$0x3FA9]  }
0x30: {  	s3 =	sld [smem:$0x3FAC]  }
0x31: {  	[smem:$0x3FB5] =	sst s10  }
0x32: {  	s10 =	sld [smem:$0x3FB3];
	_ =	sdelay $0x3  }
0x33: {  	p0 =	seq.s32 s10, $0x1;
	s10 =	sld [smem:$0x3FB5];
	_ =	sdelay $0x3  }
0x34: {  	[smem:$0x3FB5] =	sst s10  }
0x35: {  	s10 =	sld [smem:$0x3FB4];
	_ =	sdelay $0x3  }
0x36: {  	p1 =	seq.s32 s10, $0x1;
	s10 =	sld [smem:$0x3FB5];
	_ =	sdelay $0x3  }
0x37: {  	[smem:$0x3FB5] =	sst s10  }
0x38: {  	s10 =	sld [smem:$0x3FB6]  }
0x39: {  	_ = 	snop;
	(pc) =	sbr.ind lr, $3  }
0x3a: {  	_ = 	snop  }
0x3b: {  	_ = 	snop  }
0x3c: {  	p2 =	seq.s32 s10, $0x1;
	s10 =	sld [smem:$0x3FB5]  }
0x3d: {  	_ =	shalt  }
0x3e: {  	_ =	shalt  }
0x3f: {  	_ =	shalt  }
0x40: {  	_ =	shalt  }
0x41: {  	_ =	shalt  }
0x42: {  	_ =	shalt  }
0x43: {  	_ =	shalt  }
0x44: {  	_ =	shalt  }
0x45: {  	_ =	shalt  }
0x46: {  	_ =	shalt  }
0x47: {  	_ =	shalt  }
0x48: {  	_ =	shalt  }
0x49: {  	_ =	shalt  }
0x4a: {  	_ =	shalt  }
0x4b: {  	_ =	shalt  }
0x4c: {  	_ =	shalt  }
0x4d: {  	_ =	shalt  }
0x4e: {  	_ =	shalt  }
0x4f: {  	_ =	shalt  }
0x50: {  	_ =	shalt  }
0x51: {  	_ =	shalt  }
0x52: {  	_ =	shalt  }
0x53: {  	_ =	shalt  }
0x54: {  	_ =	shalt  }
0x55: {  	_ =	shalt  }
0x56: {  	_ =	shalt  }
0x57: {  	_ =	shalt  }
0x58: {  	_ =	shalt  }
0x59: {  	_ =	shalt  }
0x5a: {  	_ =	shalt  }
0x5b: {  	_ =	shalt  }
0x5c: {  	_ =	shalt  }
0x5d: {  	_ =	shalt  }
0x5e: {  	_ =	shalt  }
0x5f: {  	_ =	shalt  }
0x60: {  	_ =	shalt  }
0x61: {  	_ =	shalt  }
0x62: {  	_ =	shalt  }
0x63: {  	_ =	shalt  }
0x64: {  	_ =	shalt  }
0x65: {  	_ =	shalt  }
0x66: {  	_ =	shalt  }
0x67: {  	_ =	shalt  }
0x68: {  	_ =	shalt  }
0x69: {  	_ =	shalt  }
0x6a: {  	_ =	shalt  }
0x6b: {  	_ =	shalt  }
0x6c: {  	_ =	shalt  }
0x6d: {  	_ =	shalt  }
0x6e: {  	_ =	shalt  }
0x6f: {  	_ =	shalt  }
0x70: {  	_ =	shalt  }
0x71: {  	_ =	shalt  }
0x72: {  	_ =	shalt  }
0x73: {  	_ =	shalt  }
0x74: {  	_ =	shalt  }
0x75: {  	_ =	shalt  }
0x76: {  	_ =	shalt  }
0x77: {  	_ =	shalt  }
0x78: {  	_ =	shalt  }
0x79: {  	_ =	shalt  }
0x7a: {  	_ =	shalt  }
0x7b: {  	_ =	shalt  }
0x7c: {  	_ =	shalt  }
0x7d: {  	_ =	shalt  }
0x7e: {  	_ =	shalt  }
0x7f: {  	_ =	shalt  }
0x80: {  	_ =	shalt  }
0x81: {  	_ =	shalt  }
0x82: {  	_ =	shalt  }
0x83: {  	_ =	shalt  }
0x84: {  	_ =	shalt  }
0x85: {  	_ =	shalt  }
0x86: {  	_ =	shalt  }
0x87: {  	_ =	shalt  }
.Lfunc_end0:
.L_simem_size_0:
called_computation.2_lowered:
.L_overlay_start_0:
0x88: {  	s2 =	sld [smem:$0x3FD9]  }
0x89: {  	s3 =	sld [smem:$0x3FFE];
	_ =	sdelay $0x1  }
0x8a: {  	s1 =	srdreg.scid  }
0x8b: {  	s0 =	sand.u32 $0x1, s1  }
0x8c: {  	s14 =	sshll.u32 s0, $0xA;
	s2 =	sadd.s32 s3, s2  }
0x8d: {  	s2 =	sadd.s32 s2, s14  }
0x8e: {  	[smem:$0x3FC1] =	sst s2  }
0x8f: {  	_ = 	snop  }
0x90: {  	s2 =	sld [smem:$0x3FD0];
	_ =	sdelay $0x2  }
0x91: {  	s15 =	simm.s32 $0xA;
	s4 =	simm.s32 $0x10  }
0x92: {  	[smem:s4], [sflag:s15] =	dma.local [hbm:s2], $0x1  }
0x93: {  	_ =	swait.eq [sflag:s15], $0x1  }
0x94: {  	[sflag:s15] =	ssyncset.done $0x0  }
0x95: {  	[sflag:s15] =	ssyncadd.s32 $0xFFFFFFFF  }
0x96: {  	s16 =	sld [smem:$0x11];
	(tm) =	ssettm $0x1  }
0x97: {  	s17 =	sld [smem:$0x3FFB];
	_ =	sdelay $0x3  }
0x98: {  	_ =	strace s17  }
0x99: {  	s3 =	sld [smem:$0x3FFC];
	_ =	sdelay $0x3  }
0x9a: {  	_ =	strace s3  }
0x9b: {  	s3 =	sld [smem:$0x3FFD];
	_ =	sdelay $0x3  }
0x9c: {  	_ =	strace s3  }
0x9d: {  	_ =	strace $0x8FFFFFFF  }
0x9e: {  	s18 =	sld [smem:$0x3FDB];
	_ =	sdelay $0x1  }
0x9f: {  	s19 =	simm.s32 $_scs_section_size  }
0xa0: {  	s5 =	simm.s32 $_size__tile_overlayer_lowered;
	s6 =	simm.s32 $_tile_overlayer_lowered  }
0xa1: {  	s22 =	simm.s32 $0x1BFF;
	s21 =	sshll.u32 s6, $0x1;
	s3 =	sadd.s32 s19, s18  }
0xa2: {  	s7 =	simm.s32 $0x0;
	s20 =	sshll.u32 s5, $0x1;
	s5 =	sadd.s32 s21, s3  }
0xa3: {  	[timem:s7], [sflag:s22] =	dma.local [hbm:s5], s20  }
0xa4: {  	_ =	swait.ge [sflag:s22], s20  }
0xa5: {  	s4 =	ssub.s32 $0x0, s20;
	[sflag:s22] =	ssyncset.done $0x0  }
0xa6: {  	[sflag:s22] =	ssyncadd.s32 s4;
	_ =	sdelay $0x1  }
0xa7: {  	s23 =	simm.s32 $0x1B8B  }
0xa8: {  	_ =	swait.ge [sflag:s23], $0x1  }
0xa9: {  	[sflag:s23] =	ssyncset.done $0x0  }
0xaa: {  	s25 =	simm.s32 $0x1B8E;
	s24 =	sld [smem:$0x3FFE];
	[sflag:s23] =	ssyncadd.s32 $0xFFFFFFFF  }
0xab: {  	s26 =	simm.s32 $execute0_lowered;
	[smem:$0x3FD2] =	sst s25  }
0xac: {  	s5 =	sshll.u32 s26, $0x1;
	_ =	strace $0x8000004C;
	[dreg:$0x1] =	wrdreg $0xFFFFFFFF  }
0xad: {  	s28 =	simm.s32 $_size_execute0_lowered;
	s3 =	sadd.s32 s3, s5;
	[dreg:$0x0] =	wrdreg $0x0  }
0xae: {  	s5 =	sshll.u32 s28, $0x1;
	[dreg:$0x2] =	wrdreg s3  }
0xaf: {  	[dreg:$0x3] =	wrdreg s5  }
0xb0: {  	[dreg:$0x4] =	wrdreg $0xC0  }
0xb1: {  	_ =	task [dreg:s7], $0x5FFFF  }
0xb2: {  	[dreg:$0x1] =	wrdreg $0xFFFFFFFF  }
0xb3: {  	[dreg:$0x0] =	wrdreg $0x60  }
0xb4: {  	[dreg:$0x2] =	wrdreg s24  }
0xb5: {  	[dreg:$0x3] =	wrdreg s16  }
0xb6: {  	[dreg:$0x4] =	wrdreg $0xA8000  }
0xb7: {  	[dreg:$0x5] =	wrdreg $0x9  }
0xb8: {  	_ =	task.clear_ibuf [dreg:s7], $0x6FFFF;
	_ =	strace $0x9000004C  }
0xb9: {  	s29 =	simm.s32 $0x9;
	_ =	strace $0x8000004E  }
0xba: {  	_ =	swait.ge [sflag:s29], $0x1  }
0xbb: {  	[sflag:s29] =	ssyncadd.s32 $0xFFFFFFFF  }
0xbc: {  	_ =	strace $0x9000004E  }
0xbd: {  	_ =	sfence  }
0xbe: {  	s30 =	sld [smem:$0x0];
	_ =	sdelay $0x2  }
0xbf: {  	s31 =	sshll.u32 s1, $0xD;
	s1 =	sshrl.u32 s1, $0x2  }
0xc0: {  	s3 =	sand.u32 $0x4000, s31;
	s1 =	sadd.s32 s1, s30  }
0xc1: {  	s0 =	sor.u32 s3, s0;
	s1 =	sshll.u32 s1, $0x11  }
0xc2: {  	s0 =	sor.u32 s1, s0  }
0xc3: {  	s0 =	sadd.s32 $0x8F2B, s0  }
0xc4: {  	[sflag:s0] =	ssyncadd.remote.s32 $0x1  }
0xc5: {  	_ =	sfence.sel $0xFFFF  }
0xc6: {  	[dreg:$0x0] =	wrdreg $0xFFFFFFFF;
	(pc) =	sbr.abs _section_cstart, $3  }
0xc7: {  	[dreg:$0x1] =	wrdreg $0xFFFFFFFF  }
0xc8: {  	_ =	task.clear_ibuf [dreg:s7], $0x2FFFF;
	_ =	strace $0x9FFFFFFF  }
0xc9: {  	(tm) =	ssettm $0x7FFFFFFF  }
tec
execute0_lowered:
.L_overlay_start_1:
0x0: {  	(tag) =	ssettag $0x1  }
0x1: {  	s0 =	rddreg [dreg:$0x0]  }
0x2: {  	s22 =	rddreg [dreg:$0x1]  }
0x3: {  	s1 =	rddreg [dreg:$0x2];
	s3 =	srdreg.scid  }
0x4: {  	s2 =	simm.s32 $0x0;
	s10 =	sand.u32 $0x1, s3;
	s3 =	stileid.u32  }
0x5: {  	s28 =	simm.s32 $0x50;
	s29 =	simm.s32 $0x1;
	s8 =	smul.u32 $0xA000, s3  }
0x6: {  	s30 =	simm.s32 $0x0;
	s13 =	sor.u32 $0x10, s3;
	s21 =	smul.u32 $0x50, s3  }
0x7: {  	[smem:$0x7FF] =	sst s2;
	s14 =	sor.u32 $0x20, s3;
	s25 =	smul.u32 $0xA000, s13  }
0x8: {  	s4 =	sadd.s32 $0x11600, s0;
	s16 =	sor.u32 $0x30, s3;
	s26 =	smul.u32 $0xA000, s14  }
0x9: {  	_ =	strace $0x8000004D;
	s17 =	sor.u32 $0x40, s3;
	s31 =	smul.u32 $0xA000, s16  }
0xa: {  	s5 =	ssub.s32 $0x2, s10;
	s18 =	sor.u32 $0x50, s3;
	s9 =	smul.u32 $0xA000, s17  }
0xb: {  	s6 =	sshll.u32 s3, $0xB;
	s19 =	sor.u32 $0x60, s3;
	s11 =	smul.u32 $0xA000, s18  }
0xc: {  	s20 =	sor.u32 $0x70, s3;
	p0 =	sgt.u32 s3, $0xC;
	s12 =	smul.u32 $0xA000, s19  }
0xd: {  	s7 =	sshrl.u32 s5, $0x1;
	s0 =	sadd.s32 s6, s0;
	s15 =	smul.u32 $0xA000, s20  }
0xe: {  	s20 =	smul.u32 $0x50, s20;
	s23 =	ssub.s32 s5, s7;
	s24 =	sshrl.u32 s8, $0x2  }
0xf: {  	s5 =	sadd.s32 s24, s1;
	s6 =	sshrl.u32 s25, $0x2;
	s7 =	sshrl.u32 s26, $0x2  }
0x10: {  	s8 =	sshrl.u32 s31, $0x2;
	s9 =	sshrl.u32 s9, $0x2;
	s26 =	smul.u32 $0x2710, s10  }
0x11: {  	s11 =	sshrl.u32 s11, $0x2;
	s12 =	sshrl.u32 s12, $0x2;
	s24 =	sshrl.u32 s15, $0x2  }
0x12: {  	s31 =	smul.u32 $0x50, s13;
	s13 =	sadd.s32 $0x9600, s0;
	s23 =	smax.u32 s23, $0x1  }
0x13: {  	s6 =	sadd.s32 s6, s1;
	s7 =	sadd.s32 s7, s1;
	s8 =	sadd.s32 s8, s1  }
0x14: {  	s9 =	sadd.s32 s9, s1;
	s10 =	sadd.s32 s11, s1;
	s11 =	sadd.s32 s12, s1  }
0x15: {  	s12 =	sadd.s32 s24, s1;
	s24 =	smul.u32 $0x50, s14;
	s25 =	sadd.s32 s21, s26  }
0x16: {  	s14 =	sadd.s32 $0x1600, s0;
	s21 =	sadd.s32 s26, s31;
	s15 =	sshll.u32 s25, $0x4  }
0x17: {  	s0 =	sshll.u32 s21, $0x4;
	s24 =	sadd.s32 s26, s24;
	s25 =	smul.u32 $0x50, s16  }
0x18: {  	s21 =	smul.u32 $0x50, s17;
	s16 =	sadd.s32 s22, s0;
	s31 =	sshll.u32 s24, $0x4  }
0x19: {  	s17 =	sadd.s32 s22, s31;
	s25 =	sadd.s32 s26, s25;
	s31 =	smul.u32 $0x50, s18  }
0x1a: {  	s21 =	sadd.s32 s26, s21;
	s0 =	sshll.u32 s25, $0x4;
	s25 =	smul.u32 $0x50, s19  }
0x1b: {  	s15 =	sadd.s32 s22, s15;
	s19 =	sshll.u32 s21, $0x4;
	s18 =	sadd.s32 s22, s0  }
0x1c: {  	s19 =	sadd.s32 s22, s19;
	s21 =	sadd.s32 s26, s31;
	s24 =	sadd.s32 s26, s25  }
0x1d: {  	s0 =	sshll.u32 s21, $0x4;
	s25 =	sadd.s32 s26, s20;
	s21 =	sshll.u32 s24, $0x4  }
0x1e: {  	s20 =	sadd.s32 s22, s0;
	s31 =	sshll.u32 s25, $0x4;
	s24 =	simm.s32 $0x8000  }
0x1f: {  	v1 =	vimm.f32 $0.0e+00;
	v0 =	vmov s26;
	s25 =	simm.s32 $0x2;
	s21 =	sadd.s32 s22, s21;
	s22 =	sadd.s32 s22, s31  }
.LBB2_1:
0x20: {  	s0 =	simm.s32 $0x70;
	s26 =	simm.s32 $0x3C0  }
.LBB2_2:
0x21: {  	p1 =	sne.s32 s26, $0x9FC0;
	[tilespmem:s0+$0x8000] =	vst v1  }
0x22: {  	[tilespmem:s0+$0x7F90] =	vst v1  }
0x23: {  	[tilespmem:s0+$0x7FA0] =	vst v1  }
.Ltmp0:
0x24: {  	[tilespmem:s0+$0x7FB0] =	vst v1;
	(pc) =	sbr.rel @p1 .LBB2_2-.Ltmp0, $4  }
0x25: {  	[tilespmem:s0+$0x7FC0] =	vst v1  }
0x26: {  	[tilespmem:s0+$0x7FD0] =	vst v1  }
0x27: {  	[tilespmem:s0+$0x7FE0] =	vst v1  }
0x28: {  	[tilespmem:s0+$0x7FF0] =	vst v1;
	s0 =	sshra.s32 s26, $0x2;
	s26 =	sadd.s32 $0x200, s26  }
0x29: {  	[tilespmem:s0+$0x8000] =	vst v1  }
0x2a: {  	[tilespmem:s0+$0x7F90] =	vst v1  }
0x2b: {  	[tilespmem:s0+$0x7FA0] =	vst v1  }
0x2c: {  	[tilespmem:s0+$0x7FB0] =	vst v1  }
0x2d: {  	[tilespmem:s0+$0x7FC0] =	vst v1  }
0x2e: {  	[tilespmem:s0+$0x7FD0] =	vst v1  }
0x2f: {  	[tilespmem:s0+$0x7FE0] =	vst v1  }
0x30: {  	[tilespmem:s0+$0x7FF0] =	vst v1  }
0x31: {  	[spmem:s5] =	stream.linear.scatter [tilespmem:s24], [sflag:$0x2], $0x2800, $0x38;
	[tilespmem:$0x1E080] =	vst v63  }
0x32: {  	_ =	swait.ge [sflag:s25], $0x2800  }
0x33: {  	[sflag:s25] =	ssyncset.done $0x0  }
0x34: {  	[sflag:s25] =	ssyncadd.s32 $0xFFFFD800  }
0x35: {  	[spmem:s6] =	stream.linear.scatter [tilespmem:s24], [sflag:$0x2], $0x2800, $0x38;
	[tilespmem:$0x1E080] =	vst v63  }
0x36: {  	_ =	swait.ge [sflag:s25], $0x2800  }
0x37: {  	[sflag:s25] =	ssyncset.done $0x0  }
0x38: {  	[sflag:s25] =	ssyncadd.s32 $0xFFFFD800  }
0x39: {  	[spmem:s7] =	stream.linear.scatter [tilespmem:s24], [sflag:$0x2], $0x2800, $0x38;
	[tilespmem:$0x1E080] =	vst v63  }
0x3a: {  	_ =	swait.ge [sflag:s25], $0x2800  }
0x3b: {  	[sflag:s25] =	ssyncset.done $0x0  }
0x3c: {  	[sflag:s25] =	ssyncadd.s32 $0xFFFFD800  }
0x3d: {  	[spmem:s8] =	stream.linear.scatter [tilespmem:s24], [sflag:$0x2], $0x2800, $0x38;
	[tilespmem:$0x1E080] =	vst v63  }
0x3e: {  	_ =	swait.ge [sflag:s25], $0x2800  }
0x3f: {  	[sflag:s25] =	ssyncset.done $0x0  }
0x40: {  	[sflag:s25] =	ssyncadd.s32 $0xFFFFD800  }
0x41: {  	[spmem:s9] =	stream.linear.scatter [tilespmem:s24], [sflag:$0x2], $0x2800, $0x38;
	[tilespmem:$0x1E080] =	vst v63  }
0x42: {  	_ =	swait.ge [sflag:s25], $0x2800  }
0x43: {  	[sflag:s25] =	ssyncset.done $0x0  }
0x44: {  	[sflag:s25] =	ssyncadd.s32 $0xFFFFD800  }
0x45: {  	[spmem:s10] =	stream.linear.scatter [tilespmem:s24], [sflag:$0x2], $0x2800, $0x38;
	[tilespmem:$0x1E080] =	vst v63  }
0x46: {  	_ =	swait.ge [sflag:s25], $0x2800  }
0x47: {  	[sflag:s25] =	ssyncset.done $0x0  }
0x48: {  	[sflag:s25] =	ssyncadd.s32 $0xFFFFD800  }
0x49: {  	[spmem:s11] =	stream.linear.scatter [tilespmem:s24], [sflag:$0x2], $0x2800, $0x38;
	[tilespmem:$0x1E080] =	vst v63  }
0x4a: {  	_ =	swait.ge [sflag:s25], $0x2800  }
0x4b: {  	[sflag:s25] =	ssyncset.done $0x0  }
0x4c: {  	s0 =	simm.s32 @!p0 $0x8000;
	[sflag:s25] =	ssyncadd.s32 $0xFFFFD800  }
0x4d: {  	[spmem:s12] =	stream.linear.scatter @!p0 [tilespmem:s0], [sflag:$0x2], $0x2800, $0x38;
	[tilespmem:$0x1E080] =	vst v63  }
0x4e: {  	s0 =	simm.s32 @!p0 $0x2  }
0x4f: {  	_ =	swait.ge @!p0 [sflag:s0], $0x2800  }
0x50: {  	[sflag:s0] =	ssyncset.done @!p0 $0x0  }
0x51: {  	[sflag:s0] =	ssyncadd.s32 @!p0 $0xFFFFD800  }
0x52: {  	[tilespmem:s2], [sflag:$0x2] =	stream.linear.gather [hbm4b:s13+s2], $0x3E80, $0x38;
	[tilespmem:$0x1E080] =	vst v63  }
0x53: {  	_ =	swait.ge [sflag:s25], $0x3E80  }
0x54: {  	[sflag:s25] =	ssyncset.done $0x0  }
0x55: {  	s26 =	simm.s32 $0x4000;
	[sflag:s25] =	ssyncadd.s32 $0xFFFFC180  }
0x56: {  	[tilespmem:s26], [sflag:$0x2] =	stream.linear.gather [hbm4b:s14+s2], $0x3E80, $0x38;
	[tilespmem:$0x1E080] =	vst v63  }
0x57: {  	_ =	swait.ge [sflag:s25], $0x3E80  }
0x58: {  	[sflag:s25] =	ssyncset.done $0x0  }
0x59: {  	s31 =	simm.s32 $0x40;
	[sflag:s25] =	ssyncadd.s32 $0xFFFFC180  }
0x5a: {  	v2 =	vld [tilespmem:s31+$0xFFFFFFC0]  }
0x5b: {  	v3 =	vld [tilespmem:s31+$0xFFFFFFD0]  }
0x5c: {  	v4 =	vld [tilespmem:s31+$0xFFFFFFE0]  }
0x5d: {  	v5 =	vld [tilespmem:s31+$0x0]  }
0x5e: {  	v6 =	vld [tilespmem:s31+$0xFFFFFFF0]  }
0x5f: {  	v2 =	vadd.s32 v0, v2  }
0x60: {  	s0 =	simm.s32 $0xC0;
	v3 =	vadd.s32 v0, v3;
	[tilespmem:s31+$0xFFFFFFC0] =	vst v2  }
0x61: {  	v4 =	vadd.s32 v0, v4;
	v2 =	vld [tilespmem:s0+$0xFFFFFFC0];
	[tilespmem:s31+$0xFFFFFFD0] =	vst v3  }
0x62: {  	v7 =	vadd.s32 v0, v5;
	v3 =	vld [tilespmem:s0+$0xFFFFFFD0];
	[tilespmem:s31+$0xFFFFFFE0] =	vst v4  }
0x63: {  	s26 =	simm.s32 $0x500;
	v5 =	vadd.s32 v0, v6;
	v4 =	vld [tilespmem:s0+$0xFFFFFFE0];
	[tilespmem:s31+$0x0] =	vst v7  }
.LBB2_4:
0x64: {  	p1 =	sne.s32 s26, $0xF900;
	v6 =	vld [tilespmem:s0+$0x0];
	[tilespmem:s31+$0xFFFFFFF0] =	vst v5;
	s31 =	smov.u32 s0  }
0x65: {  	v5 =	vld [tilespmem:s31+$0xFFFFFFF0]  }
.Ltmp1:
0x66: {  	v2 =	vadd.s32 v0, v2;
	(pc) =	sbr.rel @p1 .LBB2_4-.Ltmp1, $4  }
0x67: {  	s0 =	sshra.s32 s26, $0x2;
	[tilespmem:s31+$0xFFFFFFC0] =	vst v2;
	v3 =	vadd.s32 v0, v3  }
0x68: {  	v2 =	vld [tilespmem:s0+$0xFFFFFFC0];
	[tilespmem:s31+$0xFFFFFFD0] =	vst v3;
	v4 =	vadd.s32 v0, v4  }
0x69: {  	v3 =	vld [tilespmem:s0+$0xFFFFFFD0];
	[tilespmem:s31+$0xFFFFFFE0] =	vst v4;
	v6 =	vadd.s32 v0, v6  }
0x6a: {  	s26 =	sadd.s32 $0x200, s26;
	v4 =	vld [tilespmem:s0+$0xFFFFFFE0];
	v5 =	vadd.s32 v0, v5;
	[tilespmem:s31+$0x0] =	vst v6  }
0x6b: {  	v6 =	vld [tilespmem:s0+$0x0];
	[tilespmem:s31+$0xFFFFFFF0] =	vst v5  }
0x6c: {  	v5 =	vld [tilespmem:s0+$0xFFFFFFF0]  }
0x6d: {  	v2 =	vadd.s32 v0, v2  }
0x6e: {  	[tilespmem:s0+$0xFFFFFFC0] =	vst v2;
	v2 =	vadd.s32 v0, v3  }
0x6f: {  	[tilespmem:s0+$0xFFFFFFD0] =	vst v2;
	v2 =	vadd.s32 v0, v4  }
0x70: {  	[tilespmem:s0+$0xFFFFFFE0] =	vst v2;
	v2 =	vadd.s32 v0, v6  }
0x71: {  	v3 =	vadd.s32 v0, v5;
	[tilespmem:s0+$0x0] =	vst v2  }
0x72: {  	[tilespmem:s0+$0xFFFFFFF0] =	vst v3  }
0x73: {  	s26 =	simm.s32 $0x0;
	[bflag:$0x0] =	sbarrier.arrive $0xFFFF  }
0x74: {  	[tilespmem:s24], [sflag:$0x1] =	stream.indirect.gather [hbm4b:s4+s28], $0x80, s26, s28, $0xb8;
	[tilespmem:$0x1E080] =	vst v63  }
0x75: {  	_ =	swait.ge [sflag:s29], $0x2800  }
0x76: {  	[sflag:s29] =	ssyncset.done $0x0  }
0x77: {  	s31 =	simm.s32 $0x4000;
	[sflag:s29] =	ssyncadd.s32 $0xFFFFD800  }
0x78: {  	[spmem:s1] =	stream.indirect.scatter.add.f32 [tilespmem:s24], [sflag:$0x2], $0x80, s31, s28, $0xb8;
	[tilespmem:$0x1E080] =	vst v63  }
0x79: {  	_ =	swait.ge [sflag:s25], $0x2800  }
0x7a: {  	s0 =	simm.s32 $0x200;
	s26 =	simm.s32 $0x400;
	[sflag:s25] =	ssyncset.done $0x0  }
.LBB2_6:
0x7b: {  	s31 =	sshra.s32 s0, $0x2  }
0x7c: {  	[sflag:s25] =	ssyncadd.s32 $0xFFFFD800;
	s0 =	smov.u32 s26;
	s3 =	sadd.s32 $0x200, s26  }
0x7d: {  	[tilespmem:s24], [sflag:$0x1] =	stream.indirect.gather [hbm4b:s4+s28], $0x80, s31, s28, $0xb8;
	[tilespmem:$0x1E080] =	vst v63  }
0x7e: {  	p1 =	sne.s32 s26, $0xF800;
	_ =	swait.ge [sflag:s29], $0x2800  }
.Ltmp2:
0x7f: {  	[sflag:s29] =	ssyncset.done $0x0;
	(pc) =	sbr.rel @p1 .LBB2_6-.Ltmp2, $4  }
0x80: {  	s26 =	sadd.s32 $0x4000, s31;
	[sflag:s29] =	ssyncadd.s32 $0xFFFFD800  }
0x81: {  	[spmem:s1] =	stream.indirect.scatter.add.f32 [tilespmem:s24], [sflag:$0x2], $0x80, s26, s28, $0xb8;
	[tilespmem:$0x1E080] =	vst v63  }
0x82: {  	_ =	swait.ge [sflag:s25], $0x2800  }
0x83: {  	s26 =	smov.u32 s3;
	[sflag:s25] =	ssyncset.done $0x0  }
0x84: {  	s0 =	sshra.s32 s0, $0x2;
	[sflag:s25] =	ssyncadd.s32 $0xFFFFD800  }
0x85: {  	[tilespmem:s24], [sflag:$0x1] =	stream.indirect.gather [hbm4b:s4+s28], $0x80, s0, s28, $0xb8;
	[tilespmem:$0x1E080] =	vst v63  }
0x86: {  	_ =	swait.ge [sflag:s29], $0x2800  }
0x87: {  	[sflag:s29] =	ssyncset.done $0x0  }
0x88: {  	s0 =	sadd.s32 $0x4000, s0;
	[sflag:s29] =	ssyncadd.s32 $0xFFFFD800  }
0x89: {  	[spmem:s1] =	stream.indirect.scatter.add.f32 [tilespmem:s24], [sflag:$0x2], $0x80, s0, s28, $0xb8;
	[tilespmem:$0x1E080] =	vst v63  }
0x8a: {  	_ =	swait.ge [sflag:s25], $0x2800  }
0x8b: {  	s3 =	stileid.u32;
	[sflag:s25] =	ssyncset.done $0x0  }
0x8c: {  	s0 =	sshll.u32 s3, $0x6;
	[sflag:s25] =	ssyncadd.s32 $0xFFFFD800  }
0x8d: {  	s3 =	sshrl.u32 s5, $0x3;
	s0 =	sor.u32 $0x1C02, s0;
	[bflag:$0x0] =	sbarrier.arrive $0xFFFF  }
0x8e: {  	[hbm:s15], [sflag:s0] =	dma.local [spmem:s3], $0x500  }
0x8f: {  	_ =	swait.ge [sflag:s25], $0x500  }
0x90: {  	[sflag:s25] =	ssyncset.done $0x0  }
0x91: {  	s26 =	sshrl.u32 s6, $0x3;
	[sflag:s25] =	ssyncadd.s32 $0xFFFFFB00  }
0x92: {  	[hbm:s16], [sflag:s0] =	dma.local [spmem:s26], $0x500  }
0x93: {  	_ =	swait.ge [sflag:s25], $0x500  }
0x94: {  	[sflag:s25] =	ssyncset.done $0x0  }
0x95: {  	s31 =	sshrl.u32 s7, $0x3;
	[sflag:s25] =	ssyncadd.s32 $0xFFFFFB00  }
0x96: {  	[hbm:s17], [sflag:s0] =	dma.local [spmem:s31], $0x500  }
0x97: {  	_ =	swait.ge [sflag:s25], $0x500  }
0x98: {  	[sflag:s25] =	ssyncset.done $0x0  }
0x99: {  	s26 =	sshrl.u32 s8, $0x3;
	[sflag:s25] =	ssyncadd.s32 $0xFFFFFB00  }
0x9a: {  	[hbm:s18], [sflag:s0] =	dma.local [spmem:s26], $0x500  }
0x9b: {  	_ =	swait.ge [sflag:s25], $0x500  }
0x9c: {  	[sflag:s25] =	ssyncset.done $0x0  }
0x9d: {  	s31 =	sshrl.u32 s9, $0x3;
	[sflag:s25] =	ssyncadd.s32 $0xFFFFFB00  }
0x9e: {  	[hbm:s19], [sflag:s0] =	dma.local [spmem:s31], $0x500  }
0x9f: {  	_ =	swait.ge [sflag:s25], $0x500  }
0xa0: {  	[sflag:s25] =	ssyncset.done $0x0  }
0xa1: {  	s26 =	sshrl.u32 s10, $0x3;
	[sflag:s25] =	ssyncadd.s32 $0xFFFFFB00  }
0xa2: {  	[hbm:s20], [sflag:s0] =	dma.local [spmem:s26], $0x500  }
0xa3: {  	_ =	swait.ge [sflag:s25], $0x500  }
0xa4: {  	[sflag:s25] =	ssyncset.done $0x0  }
0xa5: {  	s31 =	sshrl.u32 s11, $0x3;
	[sflag:s25] =	ssyncadd.s32 $0xFFFFFB00  }
0xa6: {  	[hbm:s21], [sflag:s0] =	dma.local [spmem:s31], $0x500  }
0xa7: {  	_ =	swait.ge [sflag:s25], $0x500  }
0xa8: {  	s30 =	sadd.s32 $0x1, s30;
	[sflag:s25] =	ssyncset.done $0x0  }
0xa9: {  	p1 =	sne.s32 s30, s23;
	s3 =	sshrl.u32 @!p0 s12, $0x3;
	[sflag:s25] =	ssyncadd.s32 $0xFFFFFB00  }
0xaa: {  	[hbm:s22], [sflag:s0] =	dma.local @!p0 [spmem:s3], $0x500  }
.Ltmp3:
0xab: {  	_ = 	snop;
	(pc) =	sbr.rel @p1 .LBB2_1-.Ltmp3, $4  }
0xac: {  	s0 =	simm.s32 @!p0 $0x2  }
0xad: {  	_ =	swait.ge @!p0 [sflag:s0], $0x500  }
0xae: {  	[sflag:s0] =	ssyncset.done @!p0 $0x0  }
0xaf: {  	[sflag:s0] =	ssyncadd.s32 @!p0 $0xFFFFFB00  }
0xb0: {  	_ =	sfence.sel $0x180000  }
0xb1: {  	[bflag:$0x0] =	sbarrier.arrive $0xFFFF  }
0xb2: {  	_ =	strace $0x9000004D  }
0xb3: {  	s0 =	stileid.u32;
	[bflag:$0x2] =	sbarrier.arrive $0xFFFF  }
0xb4: {  	p0 =	sne.s32 s0, $0x0;
	s0 =	rddreg [dreg:$0x3]  }
0xb5: {  	s0 =	sadd.s32 @!p0 $0x100000, s0  }
0xb6: {  	[sflag:s0] =	ssyncadd.tile.s32 @!p0 $0x1;
	_ =	shalt  }
.Lfunc_end2:
_tile_overlayer_lowered:
.L_overlay_start_2:
0xb7: {  	(tag) =	ssettag $0x2  }
0xb8: {  	s0 =	rddreg [dreg:$0x0];
	s2 =	stileid.u32  }
0xb9: {  	s1 =	rddreg [dreg:$0x1];
	p0 =	sne.s32 s2, $0x0  }
0xba: {  	s3 =	rddreg [dreg:$0x2];
	[bflag:$0x3] =	sbarrier.arrive $0xFFFF;
	s2 =	simm.s32 @!p0 $0x1C02  }
0xbb: {  	[timem:s3], [sflag:s2] =	dma.local @!p0 [hbm:s0], s1  }
0xbc: {  	s0 =	simm.s32 @!p0 $0x2  }
0xbd: {  	_ =	swait.ge @!p0 [sflag:s0], s1  }
0xbe: {  	s1 =	ssub.s32 @!p0 $0x0, s1;
	[sflag:s0] =	ssyncset.done @!p0 $0x0  }
0xbf: {  	[sflag:s0] =	ssyncadd.s32 @!p0 s1  }
0xc0: {  	[bflag:$0x3] =	sbarrier.arrive $0xFFFF  }
0xc1: {  	_ =	shalt  }

// kernel: kernel.8.cloned.1.call-start
scs
__scs_entry_jumppad:
0x0: {  	(pc) =	sbr.rel $0x88, $3  }
0x1: {  	(tag) =	ssettag $0x0;
	lr =	simm.s32 $0x1  }
0x2: {  	[smem:$0x3F9A] =	sst lr;
	_ =	strace $0xD0000000  }
0x3: {  	_ = 	snop  }
0x4: {  	_ = 	snop  }
0x5: {  	_ = 	snop  }
0x6: {  	_ = 	snop  }
0x7: {  	_ = 	snop  }
__scs_overlays_trampoline_lowered:
0x8: {  	[smem:$0x3FA9] =	sst s0  }
0x9: {  	[smem:$0x3FAA] =	sst s1  }
0xa: {  	[smem:$0x3FAB] =	sst s2  }
0xb: {  	[smem:$0x3FAC] =	sst s3  }
0xc: {  	[smem:$0x3FAD] =	sst s4  }
0xd: {  	[smem:$0x3FAE] =	sst s5  }
0xe: {  	[smem:$0x3FAF] =	sst s6  }
0xf: {  	[smem:$0x3FB0] =	sst s7  }
0x10: {  	[smem:$0x3FB1] =	sst s8  }
0x11: {  	[smem:$0x3FB2] =	sst s9;
	s0 =	simm.s32 @!p0 $0x0  }
0x12: {  	s1 =	sld [smem:$0x3F98];
	s0 =	simm.s32 @p0 $0x1  }
0x13: {  	[smem:$0x3FB3] =	sst s0;
	s0 =	simm.s32 @!p1 $0x0  }
0x14: {  	s2 =	sld [smem:$0x3F97];
	s0 =	simm.s32 @p1 $0x1  }
0x15: {  	[smem:$0x3FB4] =	sst s0;
	s0 =	simm.s32 @!p2 $0x0  }
0x16: {  	s3 =	sld [smem:$0x3FDB];
	s0 =	simm.s32 @p2 $0x1  }
0x17: {  	s4 =	simm.s32 $0x1BF5;
	[smem:$0x3FB6] =	sst s0  }
0x18: {  	s0 =	sld [smem:$0x3F99];
	_ =	swait.ge [sflag:s4], $0x0  }
0x19: {  	s7 =	sld [smem:$0x3F9A]  }
0x1a: {  	s8 =	sadd.s32 $0xFFFFE003, lr  }
0x1b: {  	s9 =	sadd.s32 $0xFFFFFEF7, lr;
	s5 =	simm.s32 $0xFFFFFFFF;
	p2 =	slt.u32 s8, $0xFFFFF086  }
0x1c: {  	p1 =	slt.u32 s9, $0xF7A;
	s5 =	simm.s32 @!p2 $0x0  }
0x1d: {  	s5 =	simm.s32 @p1 $0x1;
	p0 =	seq.s32 s7, s2  }
0x1e: {  	s7 =	smul.u32 @!p0 $0xF7A, s2;
	p2 =	seq.s32 @!p0 s5, $0x0  }
0x1f: {  	s9 =	smul.u32 $0xF7A, s1;
	s8 =	simm.s32 @!p0 $0x1BF5;
	p2 =	por !p2, p0  }
0x20: {  	[sflag:s8] =	ssyncset.s32 @!p0 $0xFFFFF086;
	s6 =	sadd.s32 @!p0 s3, s7;
	s7 =	simm.s32 @!p0 $0x108  }
0x21: {  	s3 =	sadd.s32 s3, s9;
	s6 =	sadd.s32 @!p0 $0x88, s6;
	s7 =	simm.s32 @p2 $0x1082  }
0x22: {  	[simem:s7], [sflag:s8] =	dma.local @!p0 [hbm:s6], $0xF7A  }
0x23: {  	s9 =	sor.u32 $0xD0000000, s2;
	s6 =	simm.s32 $0x108;
	_ =	swait.ge @!p0 [sflag:s8], $0x0  }
0x24: {  	s3 =	sadd.s32 $0x88, s3;
	s6 =	simm.s32 @!p1 $0x1082;
	[sflag:s4] =	ssyncset.s32 $0xFFFFF086  }
0x25: {  	[simem:s6], [sflag:s4] =	dma.local [hbm:s3], $0xF7A  }
0x26: {  	[smem:$0x3F9A] =	sst s1;
	(tag) =	ssettag s2;
	_ =	strace s9  }
0x27: {  	s1 =	sld [smem:$0x3FAA]  }
0x28: {  	s2 =	sld [smem:$0x3FAB]  }
0x29: {  	s4 =	sld [smem:$0x3FAD]  }
0x2a: {  	p0 =	seq.s32 s5, $0x0;
	s5 =	sld [smem:$0x3FAE]  }
0x2b: {  	s6 =	sld [smem:$0x3FAF]  }
0x2c: {  	s7 =	sld [smem:$0x3FB0]  }
0x2d: {  	s3 =	simm.s32 $0x108;
	s8 =	sld [smem:$0x3FB1]  }
0x2e: {  	s3 =	simm.s32 @!p0 $0x1082;
	s9 =	sld [smem:$0x3FB2]  }
0x2f: {  	lr =	sadd.s32 s0, s3;
	s0 =	sld [smem:$0x3FA9]  }
0x30: {  	s3 =	sld [smem:$0x3FAC]  }
0x31: {  	[smem:$0x3FB5] =	sst s10  }
0x32: {  	s10 =	sld [smem:$0x3FB3];
	_ =	sdelay $0x3  }
0x33: {  	p0 =	seq.s32 s10, $0x1;
	s10 =	sld [smem:$0x3FB5];
	_ =	sdelay $0x3  }
0x34: {  	[smem:$0x3FB5] =	sst s10  }
0x35: {  	s10 =	sld [smem:$0x3FB4];
	_ =	sdelay $0x3  }
0x36: {  	p1 =	seq.s32 s10, $0x1;
	s10 =	sld [smem:$0x3FB5];
	_ =	sdelay $0x3  }
0x37: {  	[smem:$0x3FB5] =	sst s10  }
0x38: {  	s10 =	sld [smem:$0x3FB6]  }
0x39: {  	_ = 	snop;
	(pc) =	sbr.ind lr, $3  }
0x3a: {  	_ = 	snop  }
0x3b: {  	_ = 	snop  }
0x3c: {  	p2 =	seq.s32 s10, $0x1;
	s10 =	sld [smem:$0x3FB5]  }
0x3d: {  	_ =	shalt  }
0x3e: {  	_ =	shalt  }
0x3f: {  	_ =	shalt  }
0x40: {  	_ =	shalt  }
0x41: {  	_ =	shalt  }
0x42: {  	_ =	shalt  }
0x43: {  	_ =	shalt  }
0x44: {  	_ =	shalt  }
0x45: {  	_ =	shalt  }
0x46: {  	_ =	shalt  }
0x47: {  	_ =	shalt  }
0x48: {  	_ =	shalt  }
0x49: {  	_ =	shalt  }
0x4a: {  	_ =	shalt  }
0x4b: {  	_ =	shalt  }
0x4c: {  	_ =	shalt  }
0x4d: {  	_ =	shalt  }
0x4e: {  	_ =	shalt  }
0x4f: {  	_ =	shalt  }
0x50: {  	_ =	shalt  }
0x51: {  	_ =	shalt  }
0x52: {  	_ =	shalt  }
0x53: {  	_ =	shalt  }
0x54: {  	_ =	shalt  }
0x55: {  	_ =	shalt  }
0x56: {  	_ =	shalt  }
0x57: {  	_ =	shalt  }
0x58: {  	_ =	shalt  }
0x59: {  	_ =	shalt  }
0x5a: {  	_ =	shalt  }
0x5b: {  	_ =	shalt  }
0x5c: {  	_ =	shalt  }
0x5d: {  	_ =	shalt  }
0x5e: {  	_ =	shalt  }
0x5f: {  	_ =	shalt  }
0x60: {  	_ =	shalt  }
0x61: {  	_ =	shalt  }
0x62: {  	_ =	shalt  }
0x63: {  	_ =	shalt  }
0x64: {  	_ =	shalt  }
0x65: {  	_ =	shalt  }
0x66: {  	_ =	shalt  }
0x67: {  	_ =	shalt  }
0x68: {  	_ =	shalt  }
0x69: {  	_ =	shalt  }
0x6a: {  	_ =	shalt  }
0x6b: {  	_ =	shalt  }
0x6c: {  	_ =	shalt  }
0x6d: {  	_ =	shalt  }
0x6e: {  	_ =	shalt  }
0x6f: {  	_ =	shalt  }
0x70: {  	_ =	shalt  }
0x71: {  	_ =	shalt  }
0x72: {  	_ =	shalt  }
0x73: {  	_ =	shalt  }
0x74: {  	_ =	shalt  }
0x75: {  	_ =	shalt  }
0x76: {  	_ =	shalt  }
0x77: {  	_ =	shalt  }
0x78: {  	_ =	shalt  }
0x79: {  	_ =	shalt  }
0x7a: {  	_ =	shalt  }
0x7b: {  	_ =	shalt  }
0x7c: {  	_ =	shalt  }
0x7d: {  	_ =	shalt  }
0x7e: {  	_ =	shalt  }
0x7f: {  	_ =	shalt  }
0x80: {  	_ =	shalt  }
0x81: {  	_ =	shalt  }
0x82: {  	_ =	shalt  }
0x83: {  	_ =	shalt  }
0x84: {  	_ =	shalt  }
0x85: {  	_ =	shalt  }
0x86: {  	_ =	shalt  }
0x87: {  	_ =	shalt  }
.Lfunc_end0:
.L_simem_size_0:
called_computation_lowered:
.L_overlay_start_0:
0x88: {  	s2 =	sld [smem:$0x3FD9]  }
0x89: {  	s3 =	sld [smem:$0x3FFE];
	_ =	sdelay $0x1  }
0x8a: {  	s1 =	srdreg.scid  }
0x8b: {  	s0 =	sand.u32 $0x1, s1  }
0x8c: {  	s15 =	sshll.u32 s0, $0xA;
	s2 =	sadd.s32 s3, s2  }
0x8d: {  	s2 =	sadd.s32 s2, s15  }
0x8e: {  	[smem:$0x3FC1] =	sst s2  }
0x8f: {  	_ = 	snop  }
0x90: {  	s2 =	sld [smem:$0x3FD0];
	_ =	sdelay $0x2  }
0x91: {  	s16 =	simm.s32 $0xA;
	s4 =	simm.s32 $0x10  }
0x92: {  	[smem:s4], [sflag:s16] =	dma.local [hbm:s2], $0x1  }
0x93: {  	_ =	swait.eq [sflag:s16], $0x1  }
0x94: {  	[sflag:s16] =	ssyncset.done $0x0  }
0x95: {  	s17 =	sld [smem:$0x10];
	[sflag:s16] =	ssyncadd.s32 $0xFFFFFFFF  }
0x96: {  	s18 =	sld [smem:$0x11];
	(tm) =	ssettm $0x1  }
0x97: {  	s19 =	sld [smem:$0x3FFB];
	_ =	sdelay $0x3  }
0x98: {  	_ =	strace s19  }
0x99: {  	s4 =	sld [smem:$0x3FFC];
	_ =	sdelay $0x3  }
0x9a: {  	_ =	strace s4  }
0x9b: {  	s4 =	sld [smem:$0x3FFD];
	_ =	sdelay $0x3  }
0x9c: {  	_ =	strace s4  }
0x9d: {  	_ =	strace $0x8FFFFFFF  }
0x9e: {  	s20 =	sld [smem:$0x3FDB];
	_ =	sdelay $0x1  }
0x9f: {  	s5 =	simm.s32 $_scs_section_size  }
0xa0: {  	s6 =	simm.s32 $_size__tile_overlayer_lowered;
	s7 =	simm.s32 $_tile_overlayer_lowered  }
0xa1: {  	s23 =	simm.s32 $0x1BFF;
	s22 =	sshll.u32 s7, $0x1;
	s4 =	sadd.s32 s5, s20  }
0xa2: {  	s8 =	simm.s32 $0x0;
	s21 =	sshll.u32 s6, $0x1;
	s6 =	sadd.s32 s22, s4  }
0xa3: {  	[timem:s8], [sflag:s23] =	dma.local [hbm:s6], s21  }
0xa4: {  	_ =	swait.ge [sflag:s23], s21  }
0xa5: {  	s5 =	ssub.s32 $0x0, s21;
	[sflag:s23] =	ssyncset.done $0x0  }
0xa6: {  	[sflag:s23] =	ssyncadd.s32 s5;
	_ =	sdelay $0x1  }
0xa7: {  	s24 =	simm.s32 $0x1B8B  }
0xa8: {  	_ =	swait.ge [sflag:s24], $0x1  }
0xa9: {  	[sflag:s24] =	ssyncset.done $0x0  }
0xaa: {  	s25 =	simm.s32 $0x1B8E;
	[sflag:s24] =	ssyncadd.s32 $0xFFFFFFFF  }
0xab: {  	s26 =	simm.s32 $execute0_lowered;
	[smem:$0x3FD2] =	sst s25  }
0xac: {  	s5 =	sshll.u32 s26, $0x1;
	_ =	strace $0x80000046;
	[dreg:$0x1] =	wrdreg $0xFFFFFFFF  }
0xad: {  	s28 =	simm.s32 $_size_execute0_lowered;
	s4 =	sadd.s32 s4, s5;
	[dreg:$0x0] =	wrdreg $0x0  }
0xae: {  	s5 =	sshll.u32 s28, $0x1;
	[dreg:$0x2] =	wrdreg s4  }
0xaf: {  	[dreg:$0x3] =	wrdreg s5  }
0xb0: {  	[dreg:$0x4] =	wrdreg $0xC0  }
0xb1: {  	_ =	task [dreg:s8], $0x5FFFF  }
0xb2: {  	[dreg:$0x1] =	wrdreg $0xFFFFFFFF  }
0xb3: {  	[dreg:$0x0] =	wrdreg $0x60  }
0xb4: {  	[dreg:$0x2] =	wrdreg s17  }
0xb5: {  	[dreg:$0x3] =	wrdreg s18  }
0xb6: {  	[dreg:$0x4] =	wrdreg $0xB8000  }
0xb7: {  	[dreg:$0x5] =	wrdreg $0x9  }
0xb8: {  	_ =	task.clear_ibuf [dreg:s8], $0x6FFFF;
	_ =	strace $0x90000046  }
0xb9: {  	s29 =	simm.s32 $0x9;
	_ =	strace $0x80000048  }
0xba: {  	_ =	swait.ge [sflag:s29], $0x1  }
0xbb: {  	[sflag:s29] =	ssyncadd.s32 $0xFFFFFFFF  }
0xbc: {  	_ =	strace $0x90000048  }
0xbd: {  	_ =	sfence  }
0xbe: {  	s30 =	sld [smem:$0x0];
	_ =	sdelay $0x2  }
0xbf: {  	s31 =	sshll.u32 s1, $0xD;
	s1 =	sshrl.u32 s1, $0x2  }
0xc0: {  	s3 =	sand.u32 $0x4000, s31;
	s1 =	sadd.s32 s1, s30  }
0xc1: {  	s0 =	sor.u32 s3, s0;
	s1 =	sshll.u32 s1, $0x11  }
0xc2: {  	s0 =	sor.u32 s1, s0  }
0xc3: {  	s0 =	sadd.s32 $0x8F2B, s0  }
0xc4: {  	[sflag:s0] =	ssyncadd.remote.s32 $0x1  }
0xc5: {  	_ =	sfence.sel $0xFFFF  }
0xc6: {  	[dreg:$0x0] =	wrdreg $0xFFFFFFFF;
	(pc) =	sbr.abs _section_cstart, $3  }
0xc7: {  	[dreg:$0x1] =	wrdreg $0xFFFFFFFF  }
0xc8: {  	_ =	task.clear_ibuf [dreg:s8], $0x2FFFF;
	_ =	strace $0x9FFFFFFF  }
0xc9: {  	(tm) =	ssettm $0x7FFFFFFF  }
tec
execute0_lowered:
.L_overlay_start_1:
0x0: {  	(tag) =	ssettag $0x1  }
0x1: {  	s8 =	rddreg [dreg:$0x0]  }
0x2: {  	s12 =	rddreg [dreg:$0x1]  }
0x3: {  	s1 =	rddreg [dreg:$0x2];
	s2 =	stileid.u32  }
0x4: {  	s0 =	rddreg [dreg:$0x3];
	s25 =	smul.u32 $0x19000, s2  }
0x5: {  	s3 =	simm.s32 $0x0;
	s10 =	sor.u32 $0x10, s2;
	s30 =	smul.u32 $0x6400, s2  }
0x6: {  	s4 =	srdreg.scid;
	s11 =	sor.u32 $0x20, s2;
	s6 =	smul.u32 $0x19000, s10  }
0x7: {  	[smem:$0x7FF] =	sst s3;
	s14 =	sor.u32 $0x30, s2;
	s13 =	smul.u32 $0x19000, s11  }
0x8: {  	s9 =	sand.u32 $0x1, s4;
	s17 =	sshll.u32 s2, $0xB;
	s15 =	smul.u32 $0x19000, s14  }
0x9: {  	p0 =	sgt.u32 s2, $0x1;
	s18 =	sshll.u32 s2, $0x6;
	s29 =	smul.u32 $0x138800, s9  }
0xa: {  	_ =	strace $0x80000047;
	s5 =	ssub.s32 $0x2, s9;
	s10 =	smul.u32 $0x6400, s10  }
0xb: {  	s9 =	sshll.u32 s9, $0xF;
	s8 =	sadd.s32 s8, s17;
	s11 =	smul.u32 $0x6400, s11  }
0xc: {  	s14 =	smul.u32 $0x6400, s14;
	s17 =	simm.s32 $0x4000;
	s18 =	sor.u32 $0x1C01, s18  }
0xd: {  	s7 =	sshrl.u32 s5, $0x1;
	s4 =	sshrl.u32 s25, $0x2;
	s8 =	sadd.s32 s9, s8  }
0xe: {  	s6 =	sshrl.u32 s6, $0x2;
	s16 =	ssub.s32 s5, s7;
	s4 =	sadd.s32 s4, s1  }
0xf: {  	s26 =	sshrl.u32 s13, $0x2;
	s28 =	sshrl.u32 s15, $0x2;
	s15 =	sadd.s32 s30, s29  }
0x10: {  	s10 =	sadd.s32 s29, s10;
	s11 =	sadd.s32 s29, s11;
	s13 =	sadd.s32 s29, s14  }
0x11: {  	s14 =	simm.s32 $0x5400;
	s5 =	sadd.s32 s6, s1;
	s6 =	sadd.s32 s26, s1  }
0x12: {  	s7 =	sadd.s32 s28, s1;
	s31 =	sshrl.u32 s15, $0x3;
	s10 =	sshrl.u32 s10, $0x3  }
0x13: {  	s11 =	sshrl.u32 s11, $0x3;
	s13 =	sshrl.u32 s13, $0x3;
	s15 =	simm.s32 $0x1  }
0x14: {  	v0 =	vimm.f32 $0.0e+00;
	vm0 =	vcmask $0x300;
	s9 =	sadd.s32 s12, s31;
	s10 =	sadd.s32 s12, s10;
	s11 =	sadd.s32 s12, s11  }
0x15: {  	v1 =	vsel vm0, $0x3F800000, v0;
	s12 =	sadd.s32 s12, s13;
	s13 =	smax.u32 s16, $0x1;
	s16 =	simm.s32 $0x28  }
.LBB2_1:
0x16: {  	s19 =	simm.s32 $0x200;
	s20 =	simm.s32 $0x0  }
.LBB2_2:
0x17: {  	p1 =	sne.s32 s19, $0x18E00;
	[tilespmem:s20+$0x5400] =	vst v0;
	s20 =	smov.u32 s19;
	s19 =	sadd.s32 $0x200, s19  }
.Ltmp0:
0x18: {  	(pc) =	sbr.rel @p1 .LBB2_2-.Ltmp0, $2  }
0x19: {  	_ =	sdelay $0x2  }
0x1a: {  	s20 =	sshra.s32 s20, $0x2  }
0x1b: {  	[tilespmem:s20+$0x5400] =	vst v0  }
0x1c: {  	[tilespmem:$0x4000] =	vst v1  }
0x1d: {  	[tilespmem:$0x4080] =	vst v1  }
0x1e: {  	[tilespmem:$0x4100] =	vst v1  }
0x1f: {  	[tilespmem:$0x4180] =	vst v1  }
0x20: {  	[tilespmem:$0x4200] =	vst v1  }
0x21: {  	[tilespmem:$0x4280] =	vst v1  }
0x22: {  	[tilespmem:$0x4300] =	vst v1  }
0x23: {  	[tilespmem:$0x4380] =	vst v1  }
0x24: {  	[tilespmem:$0x4400] =	vst v1  }
0x25: {  	[tilespmem:$0x4480] =	vst v1  }
0x26: {  	[tilespmem:$0x4500] =	vst v1  }
0x27: {  	[tilespmem:$0x4580] =	vst v1  }
0x28: {  	[tilespmem:$0x4600] =	vst v1  }
0x29: {  	[tilespmem:$0x4680] =	vst v1  }
0x2a: {  	[tilespmem:$0x4700] =	vst v1  }
0x2b: {  	[tilespmem:$0x4780] =	vst v1  }
0x2c: {  	[tilespmem:$0x4800] =	vst v1  }
0x2d: {  	[tilespmem:$0x4880] =	vst v1  }
0x2e: {  	[tilespmem:$0x4900] =	vst v1  }
0x2f: {  	[tilespmem:$0x4980] =	vst v1  }
0x30: {  	[tilespmem:$0x4A00] =	vst v1  }
0x31: {  	[tilespmem:$0x4A80] =	vst v1  }
0x32: {  	[tilespmem:$0x4B00] =	vst v1  }
0x33: {  	[tilespmem:$0x4B80] =	vst v1  }
0x34: {  	[tilespmem:$0x4C00] =	vst v1  }
0x35: {  	[tilespmem:$0x4C80] =	vst v1  }
0x36: {  	[tilespmem:$0x4D00] =	vst v1  }
0x37: {  	[tilespmem:$0x4D80] =	vst v1  }
0x38: {  	[tilespmem:$0x4E00] =	vst v1  }
0x39: {  	[tilespmem:$0x4E80] =	vst v1  }
0x3a: {  	[tilespmem:$0x4F00] =	vst v1  }
0x3b: {  	[tilespmem:$0x4F80] =	vst v1  }
0x3c: {  	[tilespmem:$0x5000] =	vst v1  }
0x3d: {  	[tilespmem:$0x5080] =	vst v1  }
0x3e: {  	[tilespmem:$0x5100] =	vst v1  }
0x3f: {  	[tilespmem:$0x5180] =	vst v1  }
0x40: {  	[tilespmem:$0x5200] =	vst v1  }
0x41: {  	[tilespmem:$0x5280] =	vst v1  }
0x42: {  	[tilespmem:$0x5300] =	vst v1  }
0x43: {  	[tilespmem:$0x5380] =	vst v1  }
0x44: {  	[spmem:s4] =	stream.linear.scatter [tilespmem:s14], [sflag:$0x1], $0x6400, $0x38;
	[tilespmem:$0xDF10] =	vst v63  }
0x45: {  	_ =	swait.ge [sflag:s15], $0x6400  }
0x46: {  	[sflag:s15] =	ssyncset.done $0x0  }
0x47: {  	[sflag:s15] =	ssyncadd.s32 $0xFFFF9C00  }
0x48: {  	[spmem:s5] =	stream.linear.scatter [tilespmem:s14], [sflag:$0x1], $0x6400, $0x38;
	[tilespmem:$0xDF10] =	vst v63  }
0x49: {  	_ =	swait.ge [sflag:s15], $0x6400  }
0x4a: {  	[sflag:s15] =	ssyncset.done $0x0  }
0x4b: {  	[sflag:s15] =	ssyncadd.s32 $0xFFFF9C00  }
0x4c: {  	[spmem:s6] =	stream.linear.scatter [tilespmem:s14], [sflag:$0x1], $0x6400, $0x38;
	[tilespmem:$0xDF10] =	vst v63  }
0x4d: {  	_ =	swait.ge [sflag:s15], $0x6400  }
0x4e: {  	[sflag:s15] =	ssyncset.done $0x0  }
0x4f: {  	s19 =	simm.s32 @!p0 $0x5400;
	[sflag:s15] =	ssyncadd.s32 $0xFFFF9C00  }
0x50: {  	[spmem:s7] =	stream.linear.scatter @!p0 [tilespmem:s19], [sflag:$0x1], $0x6400, $0x38;
	[tilespmem:$0xDF10] =	vst v63  }
0x51: {  	s19 =	simm.s32 @!p0 $0x1  }
0x52: {  	_ =	swait.ge @!p0 [sflag:s19], $0x6400  }
0x53: {  	[sflag:s19] =	ssyncset.done @!p0 $0x0  }
0x54: {  	[sflag:s19] =	ssyncadd.s32 @!p0 $0xFFFF9C00  }
0x55: {  	s30 =	simm.s32 $0x0;
	[bflag:$0x0] =	sbarrier.arrive $0xFFFF  }
0x56: {  	[tilespmem:s30], [sflag:$0x1] =	stream.linear.gather [hbm4b:s8+s30], $0x3E80, $0x38;
	[tilespmem:$0xDF10] =	vst v63  }
0x57: {  	_ =	swait.ge [sflag:s15], $0x3E80  }
0x58: {  	[sflag:s15] =	ssyncset.done $0x0  }
0x59: {  	s31 =	simm.s32 $0x0;
	[sflag:s15] =	ssyncadd.s32 $0xFFFFC180  }
0x5a: {  	[spmem:s1] =	stream.indirect.scatter.add.f32 [tilespmem:s17], [sflag:$0x1], $0x10, s31, s16, $0xb8;
	[tilespmem:$0xDF10] =	vst v63  }
0x5b: {  	_ =	swait.ge [sflag:s15], $0x280  }
0x5c: {  	s19 =	simm.s32 $0x200;
	[sflag:s15] =	ssyncset.done $0x0  }
.LBB2_4:
0x5d: {  	s20 =	sshra.s32 s19, $0x2;
	[sflag:s15] =	ssyncadd.s32 $0xFFFFFD80;
	p1 =	sne.s32 s19, $0xF800  }
0x5e: {  	[spmem:s1] =	stream.indirect.scatter.add.f32 [tilespmem:s17], [sflag:$0x1], $0x10, s20, s16, $0xb8;
	[tilespmem:$0xDF10] =	vst v63  }
.Ltmp1:
0x5f: {  	_ = 	snop;
	(pc) =	sbr.rel @p1 .LBB2_4-.Ltmp1, $4  }
0x60: {  	_ = 	snop  }
0x61: {  	s19 =	sadd.s32 $0x200, s19  }
0x62: {  	_ =	swait.ge [sflag:s15], $0x280  }
0x63: {  	[sflag:s15] =	ssyncset.done $0x0  }
0x64: {  	[sflag:s15] =	ssyncadd.s32 $0xFFFFFD80  }
0x65: {  	s19 =	sshrl.u32 s4, $0x3;
	[bflag:$0x0] =	sbarrier.arrive $0xFFFF  }
0x66: {  	[hbm:s9], [sflag:s18] =	dma.local [spmem:s19], $0xC80  }
0x67: {  	_ =	swait.ge [sflag:s15], $0xC80  }
0x68: {  	[sflag:s15] =	ssyncset.done $0x0  }
0x69: {  	s30 =	sshrl.u32 s5, $0x3;
	[sflag:s15] =	ssyncadd.s32 $0xFFFFF380  }
0x6a: {  	[hbm:s10], [sflag:s18] =	dma.local [spmem:s30], $0xC80  }
0x6b: {  	_ =	swait.ge [sflag:s15], $0xC80  }
0x6c: {  	[sflag:s15] =	ssyncset.done $0x0  }
0x6d: {  	s31 =	sshrl.u32 s6, $0x3;
	[sflag:s15] =	ssyncadd.s32 $0xFFFFF380  }
0x6e: {  	[hbm:s11], [sflag:s18] =	dma.local [spmem:s31], $0xC80  }
0x6f: {  	_ =	swait.ge [sflag:s15], $0xC80  }
0x70: {  	s3 =	sadd.s32 $0x1, s3;
	[sflag:s15] =	ssyncset.done $0x0  }
0x71: {  	p1 =	sne.s32 s3, s13;
	s19 =	sshrl.u32 @!p0 s7, $0x3;
	[sflag:s15] =	ssyncadd.s32 $0xFFFFF380  }
0x72: {  	[hbm:s12], [sflag:s18] =	dma.local @!p0 [spmem:s19], $0xC80  }
.Ltmp2:
0x73: {  	_ = 	snop;
	(pc) =	sbr.rel @p1 .LBB2_1-.Ltmp2, $4  }
0x74: {  	s19 =	simm.s32 @!p0 $0x1  }
0x75: {  	_ =	swait.ge @!p0 [sflag:s19], $0xC80  }
0x76: {  	[sflag:s19] =	ssyncset.done @!p0 $0x0  }
0x77: {  	[sflag:s19] =	ssyncadd.s32 @!p0 $0xFFFFF380  }
0x78: {  	_ =	sfence.sel $0x180000  }
0x79: {  	[bflag:$0x0] =	sbarrier.arrive $0xFFFF  }
0x7a: {  	p0 =	sne.s32 s2, $0x0;
	_ =	strace $0x90000047  }
0x7b: {  	s0 =	sadd.s32 @!p0 $0x100000, s0;
	[bflag:$0x2] =	sbarrier.arrive $0xFFFF  }
0x7c: {  	[sflag:s0] =	ssyncadd.tile.s32 @!p0 $0x1;
	_ =	shalt  }
.Lfunc_end2:
_tile_overlayer_lowered:
.L_overlay_start_2:
0x7d: {  	(tag) =	ssettag $0x2  }
0x7e: {  	s0 =	rddreg [dreg:$0x0];
	s2 =	stileid.u32  }
0x7f: {  	s1 =	rddreg [dreg:$0x1];
	p0 =	sne.s32 s2, $0x0  }
0x80: {  	s3 =	rddreg [dreg:$0x2];
	[bflag:$0x3] =	sbarrier.arrive $0xFFFF;
	s2 =	simm.s32 @!p0 $0x1C01  }
0x81: {  	[timem:s3], [sflag:s2] =	dma.local @!p0 [hbm:s0], s1  }
0x82: {  	s0 =	simm.s32 @!p0 $0x1  }
0x83: {  	_ =	swait.ge @!p0 [sflag:s0], s1  }
0x84: {  	s1 =	ssub.s32 @!p0 $0x0, s1;
	[sflag:s0] =	ssyncset.done @!p0 $0x0  }
0x85: {  	[sflag:s0] =	ssyncadd.s32 @!p0 s1  }
0x86: {  	[bflag:$0x3] =	sbarrier.arrive $0xFFFF  }
0x87: {  	_ =	shalt  }

</sc_bundles>
